<compile_context>
chip_gen: v7x
topology: tpu7x:2x2x1
jax: 0.10.2.dev20260603
libtpu: 0.0.44.dev20260713+nightly
codegen_flags: <defaults>
</compile_context>

<pallas_src>
import functools

import jax
import jax.numpy as jnp
from jax import lax
from jax.experimental import pallas as pl
from jax.experimental.pallas import tpu as pltpu
from jax.experimental.pallas import tpu_sc as plsc

N = 10000
D = 128
H = 128
O = 64
G = 64
E = 320000

NP = 10240
R = 1024
NB = NP // R
C = 128
NW = 32
CHUNKS = -(-E // (NW * C))
EPW = CHUNKS * C
EPAD = NW * EPW
CH0 = 96
CH1 = 2 * CHUNKS - CH0
RPT = NP // 16



def _mesh():
    return plsc.VectorSubcoreMesh(core_axis_name="c", subcore_axis_name="s",
                                  num_cores=2, num_subcores=16)


@functools.cache
def _sc_agg_build():
    out_type = [jax.ShapeDtypeStruct((2, NP, 128), jnp.float32)]
    scratch = [
        pltpu.VMEM((C,), jnp.int32),
        pltpu.VMEM((C,), jnp.int32),
        pltpu.VMEM((C, 128), jnp.float32),
        pltpu.VMEM_SHARED((NP, 128), jnp.float32),
        pltpu.SemaphoreType.DMA,
    ]

    def body(x_hbm, src_hbm, dst_hbm, acc_out, sidx, didx, rows, acc_sh,
             gsem):
        cid = lax.axis_index("c")
        sid = lax.axis_index("s")
        wid = sid * 2 + cid

        def zrow(i, _):
            for k in range(8):
                rows[i, pl.ds(16 * k, 16)] = jnp.zeros((16,), jnp.float32)
            return 0
        lax.fori_loop(0, C, zrow, 0)

        def zinit(i, _):
            pltpu.sync_copy(rows, acc_sh.at[pl.ds(sid * RPT + i * C, C)])
            return 0
        lax.fori_loop(0, RPT // C, zinit, 0)

        plsc.subcore_barrier()

        nch = jnp.where(cid == 0, CH0, CH1)
        cbase = jnp.where(cid == 0, sid * CH0, 16 * CH0 + sid * CH1)
        base = cbase * C

        def chunk(j, _):
            off = pl.multiple_of(base + j * C, 8)
            pltpu.sync_copy(src_hbm.at[pl.ds(off, C)], sidx)
            pltpu.sync_copy(dst_hbm.at[pl.ds(off, C)], didx)
            pltpu.async_copy(x_hbm.at[sidx], rows, gsem).wait()
            pltpu.sync_copy(rows, acc_sh.at[didx], add=True)
            return 0
        lax.fori_loop(0, nch, chunk, 0)

        plsc.subcore_barrier()

        pltpu.sync_copy(acc_sh.at[pl.ds(sid * RPT, RPT)],
                        acc_out.at[cid, pl.ds(sid * RPT, RPT)])

    return pl.kernel(body, out_type=out_type, mesh=_mesh(),
                     scratch_types=scratch)


@functools.cache
def _sc_deg_build():
    out_type = [jax.ShapeDtypeStruct((2, NP, 128), jnp.float32)]
    scratch = [
        pltpu.VMEM((C,), jnp.int32),
        pltpu.VMEM((C, 128), jnp.float32),
        pltpu.VMEM_SHARED((NP, 128), jnp.float32),
        pltpu.SemaphoreType.DMA,
    ]

    def body(dst_hbm, deg_out, didx, ones, deg_sh, sem):
        cid = lax.axis_index("c")
        sid = lax.axis_index("s")
        wid = sid * 2 + cid

        def zrow(i, _):
            for k in range(8):
                ones[i, pl.ds(16 * k, 16)] = jnp.zeros((16,), jnp.float32)
            return 0
        lax.fori_loop(0, C, zrow, 0)

        def zinit(i, _):
            pltpu.sync_copy(ones, deg_sh.at[pl.ds(sid * RPT + i * C, C)])
            return 0
        lax.fori_loop(0, RPT // C, zinit, 0)

        def orow(i, _):
            for k in range(8):
                ones[i, pl.ds(16 * k, 16)] = jnp.ones((16,), jnp.float32)
            return 0
        lax.fori_loop(0, C, orow, 0)

        plsc.subcore_barrier()

        base = wid * EPW

        def chunk(j, _):
            off = pl.multiple_of(base + j * C, 8)
            pltpu.sync_copy(dst_hbm.at[pl.ds(off, C)], didx)
            pltpu.sync_copy(ones, deg_sh.at[didx], add=True)
            return 0
        lax.fori_loop(0, CHUNKS, chunk, 0)

        plsc.subcore_barrier()

        pltpu.sync_copy(deg_sh.at[pl.ds(sid * RPT, RPT)],
                        deg_out.at[cid, pl.ds(sid * RPT, RPT)])

    return pl.kernel(body, out_type=out_type, mesh=_mesh(),
                     scratch_types=scratch)



def _mm_body(acc_ref, deg_ref, x_ref, wl_ref, wr_ref, b_ref, h_ref, st_ref):
    i = pl.program_id(0)
    a = acc_ref[0] + acc_ref[1]
    deg = jnp.max(deg_ref[0] + deg_ref[1], axis=1, keepdims=True)
    agg = a / jnp.maximum(deg, 1.0)
    h = (jnp.dot(agg, wl_ref[...], preferred_element_type=jnp.float32)
         + jnp.dot(x_ref[...], wr_ref[...], preferred_element_type=jnp.float32)
         + b_ref[...])
    rows = lax.broadcasted_iota(jnp.int32, (R, 1), 0) + i * R
    h = jnp.where(rows < N, h, 0.0)
    h_ref[...] = h

    @pl.when(i == 0)
    def _():
        st_ref[...] = jnp.zeros((8, 128), jnp.float32)

    st_ref[0:1, :] += jnp.sum(h, axis=0, keepdims=True)
    st_ref[1:2, :] += jnp.sum(h * h, axis=0, keepdims=True)


_mm_call = pl.pallas_call(
    _mm_body,
    grid=(NB,),
    in_specs=[
        pl.BlockSpec((2, R, 128), lambda i: (0, i, 0)),
        pl.BlockSpec((2, R, 128), lambda i: (0, i, 0)),
        pl.BlockSpec((R, 128), lambda i: (i, 0)),
        pl.BlockSpec((H, H), lambda i: (0, 0)),
        pl.BlockSpec((H, H), lambda i: (0, 0)),
        pl.BlockSpec((1, H), lambda i: (0, 0)),
    ],
    out_specs=[
        pl.BlockSpec((R, 128), lambda i: (i, 0)),
        pl.BlockSpec((8, 128), lambda i: (0, 0)),
    ],
    out_shape=[
        jax.ShapeDtypeStruct((NP, H), jnp.float32),
        jax.ShapeDtypeStruct((8, 128), jnp.float32),
    ],
)


def _norm_body(h_ref, st_ref, g_ref, be_ref, a_ref, o_ref):
    m = st_ref[0:1, :] * (1.0 / N)
    ex2 = st_ref[1:2, :] * (1.0 / N)
    v = ex2 - m * m
    inv = lax.rsqrt(v + 1e-5)
    y = (h_ref[...] - m) * inv * g_ref[...] + be_ref[...]
    o_ref[...] = jnp.where(y > 0, y, a_ref[...] * y)


_norm_call = pl.pallas_call(
    _norm_body,
    grid=(NB,),
    in_specs=[
        pl.BlockSpec((R, 128), lambda i: (i, 0)),
        pl.BlockSpec((8, 128), lambda i: (0, 0)),
        pl.BlockSpec((1, H), lambda i: (0, 0)),
        pl.BlockSpec((1, H), lambda i: (0, 0)),
        pl.BlockSpec((1, 1), lambda i: (0, 0)),
    ],
    out_specs=pl.BlockSpec((R, 128), lambda i: (i, 0)),
    out_shape=jax.ShapeDtypeStruct((NP, H), jnp.float32),
)


def _jk_body(x1_ref, x2_ref, x3_ref, wjk_ref, bjk_ref, bat_ref, wf_ref,
             bf_ref, out_ref, pool_ref):
    i = pl.program_id(0)
    h = (jnp.dot(x1_ref[...], wjk_ref[0:128, :], preferred_element_type=jnp.float32)
         + jnp.dot(x2_ref[...], wjk_ref[128:256, :], preferred_element_type=jnp.float32)
         + jnp.dot(x3_ref[...], wjk_ref[256:384, :], preferred_element_type=jnp.float32)
         + bjk_ref[...])
    h = jnp.maximum(h, 0.0)
    b = bat_ref[0, 0, :]
    oh = (b[:, None] == lax.broadcasted_iota(jnp.int32, (R, G), 1)
          ).astype(jnp.float32)
    hp = jnp.concatenate([h, jnp.ones((R, 128), jnp.float32)], axis=1)
    p = lax.dot_general(oh, hp, (((0,), (0,)), ((), ())),
                        preferred_element_type=jnp.float32)

    @pl.when(i == 0)
    def _():
        pool_ref[...] = jnp.zeros((G, 256), jnp.float32)

    pool_ref[...] += p

    @pl.when(i == NB - 1)
    def _():
        pr = pool_ref[...]
        cnt = jnp.max(pr[:, 128:256], axis=1, keepdims=True)
        pm = pr[:, 0:128] / jnp.maximum(cnt, 1.0)
        out_ref[...] = (jnp.dot(pm, wf_ref[...],
                                preferred_element_type=jnp.float32)
                        + bf_ref[...])


_jk_call = pl.pallas_call(
    _jk_body,
    grid=(NB,),
    in_specs=[
        pl.BlockSpec((R, 128), lambda i: (i, 0)),
        pl.BlockSpec((R, 128), lambda i: (i, 0)),
        pl.BlockSpec((R, 128), lambda i: (i, 0)),
        pl.BlockSpec((3 * H, H), lambda i: (0, 0)),
        pl.BlockSpec((1, H), lambda i: (0, 0)),
        pl.BlockSpec((1, 1, R), lambda i: (i, 0, 0)),
        pl.BlockSpec((H, O), lambda i: (0, 0)),
        pl.BlockSpec((1, O), lambda i: (0, 0)),
    ],
    out_specs=pl.BlockSpec((G, O), lambda i: (0, 0)),
    out_shape=jax.ShapeDtypeStruct((G, O), jnp.float32),
    scratch_shapes=[pltpu.VMEM((G, 256), jnp.float32)],
)



def kernel(x, edge_index, batch, Wl1, Wr1, b1, g1, be1, a1, Wl2, Wr2, b2, g2,
           be2, a2, Wl3, Wr3, b3, g3, be3, a3, Wjk, bjk, Wf, bf):
    src = edge_index[0]
    dst = edge_index[1]
    pad = EPAD - E
    src_p = jnp.concatenate([src, jnp.zeros((pad,), jnp.int32)])
    dst_p = jnp.concatenate([dst, jnp.full((pad,), N, jnp.int32)])
    x_p = jnp.pad(x, ((0, NP - N), (0, 0)))
    bat_p = jnp.concatenate([batch, jnp.full((NP - N,), G, jnp.int32)])
    bat_p = bat_p.reshape(NB, 1, R)

    (dega,) = _sc_deg_build()(dst_p)
    (acc1,) = _sc_agg_build()(x_p, src_p, dst_p)
    h1, st1 = _mm_call(acc1, dega, x_p, Wl1, Wr1, b1.reshape(1, H))
    x1 = _norm_call(h1, st1, g1.reshape(1, H), be1.reshape(1, H),
                    a1.reshape(1, 1))

    (acc2,) = _sc_agg_build()(x1, src_p, dst_p)
    h2, st2 = _mm_call(acc2, dega, x1, Wl2, Wr2, b2.reshape(1, H))
    x2 = _norm_call(h2, st2, g2.reshape(1, H), be2.reshape(1, H),
                    a2.reshape(1, 1))

    (acc3,) = _sc_agg_build()(x2, src_p, dst_p)
    h3, st3 = _mm_call(acc3, dega, x2, Wl3, Wr3, b3.reshape(1, H))
    x3 = _norm_call(h3, st3, g3.reshape(1, H), be3.reshape(1, H),
                    a3.reshape(1, 1))

    return _jk_call(x1, x2, x3, Wjk, bjk.reshape(1, H), bat_p, Wf,
                    bf.reshape(1, O))

# --- scband reference (transcript-rebuilt; emitter-appended) ---
"""Pipeline reference for scband-jknet-3layer-17205638988376 (READ-ONLY COPY).

The authoritative reference and input builder live on the scoring server;
editing this copy changes nothing except your own understanding.
"""

import jax, jax.numpy as jnp
import numpy as np

N = 10000; E = 320000; D = 128; H = 128; O = 64; G = 64


def _sage(x, src, dst, Wl, Wr, b):
    ones = jnp.ones((src.shape[0],), jnp.float32)
    deg = jax.ops.segment_sum(ones, dst, num_segments=N)
    agg = jax.ops.segment_sum(x[src], dst, num_segments=N)
    agg = agg / jnp.clip(deg, 1.0)[:, None]
    return agg @ Wl + x @ Wr + b


def _bn(x, g, b):
    m = jnp.mean(x, axis=0)
    v = jnp.var(x, axis=0)
    return (x - m) / jnp.sqrt(v + 1e-5) * g + b


def _prelu(x, a):
    return jnp.where(x > 0, x, a * x)


def setup_inputs(seed: int = 0) -> dict:
    key = jax.random.key(seed)
    ks = jax.random.split(key, 32)
    inp = {}
    inp["x"] = jax.random.normal(ks[0], (N, D), jnp.float32)
    inp["edge_index"] = jax.random.randint(ks[1], (2, E), 0, N, jnp.int32)
    inp["batch"] = jnp.sort(jax.random.randint(ks[2], (N,), 0, G, jnp.int32))

    def lin(k, fi, fo):
        return jax.random.normal(k, (fi, fo), jnp.float32) * (1.0 / np.sqrt(fi))

    inp["Wl1"] = lin(ks[3], D, H); inp["Wr1"] = lin(ks[4], D, H); inp["b1"] = jnp.zeros((H,), jnp.float32)
    inp["g1"] = jnp.ones((H,), jnp.float32); inp["be1"] = jnp.zeros((H,), jnp.float32); inp["a1"] = jnp.full((1,), 0.25, jnp.float32)
    inp["Wl2"] = lin(ks[5], H, H); inp["Wr2"] = lin(ks[6], H, H); inp["b2"] = jnp.zeros((H,), jnp.float32)
    inp["g2"] = jnp.ones((H,), jnp.float32); inp["be2"] = jnp.zeros((H,), jnp.float32); inp["a2"] = jnp.full((1,), 0.25, jnp.float32)
    inp["Wl3"] = lin(ks[7], H, H); inp["Wr3"] = lin(ks[8], H, H); inp["b3"] = jnp.zeros((H,), jnp.float32)
    inp["g3"] = jnp.ones((H,), jnp.float32); inp["be3"] = jnp.zeros((H,), jnp.float32); inp["a3"] = jnp.full((1,), 0.25, jnp.float32)
    inp["Wjk"] = lin(ks[9], 3 * H, H); inp["bjk"] = jnp.zeros((H,), jnp.float32)
    inp["Wf"] = lin(ks[10], H, O); inp["bf"] = jnp.zeros((O,), jnp.float32)
    return inp


def reference(x, edge_index, batch, Wl1, Wr1, b1, g1, be1, a1, Wl2, Wr2, b2, g2, be2, a2, Wl3, Wr3, b3, g3, be3, a3, Wjk, bjk, Wf, bf):
    src = edge_index[0]; dst = edge_index[1]
    x1 = _prelu(_bn(_sage(x, src, dst, Wl1, Wr1, b1), g1, be1), a1)
    x2 = _prelu(_bn(_sage(x1, src, dst, Wl2, Wr2, b2), g2, be2), a2)
    x3 = _prelu(_bn(_sage(x2, src, dst, Wl3, Wr3, b3), g3, be3), a3)
    h = jnp.concatenate([x1, x2, x3], axis=1) @ Wjk + bjk
    h = jax.nn.relu(h)
    cnt = jax.ops.segment_sum(jnp.ones((N,), jnp.float32), batch, num_segments=G)
    pooled = jax.ops.segment_sum(h, batch, num_segments=G) / jnp.clip(cnt, 1.0)[:, None]
    return pooled @ Wf + bf

if __name__ == "__main__":
    import jax
    _d = setup_inputs()
    print(jax.jit(kernel)(*tuple(_d.values())))

</pallas_src>

<mosaic_0001>
#map = affine_map<(d0, d1) -> (0, 0)>
#map1 = affine_map<(d0, d1) -> (0)>
#map2 = affine_map<(d0, d1) -> (0, 0, 0)>
module attributes {stable_mosaic.version = 14 : i64} {
  func.func @body(%arg0: i32, %arg1: i32, %arg2: memref<10240x128xf32, #tpu.memory_space<hbm>>, %arg3: memref<323584xi32, #tpu.memory_space<hbm>>, %arg4: memref<323584xi32, #tpu.memory_space<hbm>>, %arg5: memref<2x10240x128xf32, #tpu.memory_space<hbm>>, %arg6: memref<128xi32, #tpu.memory_space<vmem>>, %arg7: memref<128xi32, #tpu.memory_space<vmem>>, %arg8: memref<128x128xf32, #tpu.memory_space<vmem>>, %arg9: memref<10240x128xf32, #tpu.memory_space<vmem_shared>>, %arg10: memref<!tpu.dma_semaphore, #tpu.memory_space<semaphore_mem>>) attributes {dimension_semantics = [#tpu.dimension_semantics<core_parallel>, #tpu.dimension_semantics<subcore_parallel>], iteration_bounds = array<i64: 2, 16>, scalar_prefetch = 0 : i64, scratch_operands = 5 : i64, tpu.core_type = #tpu.core_type<sc_vector_subcore>, window_params = [{transform_indices = #map}, {transform_indices = #map1}, {transform_indices = #map1}, {transform_indices = #map2}]} {
    %mul3A = arith.constant 2 : i32
    %mul3A_0 = arith.muli %arg1, %mul3A : i32
    %add3A = arith.addi %mul3A_0, %arg0 : i32
    %scan3A = arith.constant 0 : i32
    %scan3A_1 = arith.constant 0 : i32
    %scan3A_2 = arith.constant 128 : i32
    %scan3A_3 = arith.addi %scan3A_1, %scan3A_2 : i32
    %scan3A_4 = arith.constant 1 : i32
    %scan3A_5 = scf.for %scan3A_43 = %scan3A_1 to %scan3A_3 step %scan3A_4 iter_args(%scan3A_44 = %scan3A) -> (i32)  : i32 {
      %broadcast_in_dim3A = arith.constant 0.000000e+00 : f32
      %broadcast_in_dim3A_45 = vector.broadcast %broadcast_in_dim3A : f32 to vector<16xf32>
      %swap3A = arith.index_cast %scan3A_43 : i32 to index
      %swap3A_46 = arith.constant 0 : index
      %swap3A_47 = tpu.vector_load %arg8[%swap3A, %swap3A_46] {strides = array<i32>} : memref<128x128xf32, #tpu.memory_space<vmem>>, vector<1x16xf32>,
      %swap3A_48 = vector.shape_cast %swap3A_47 : vector<1x16xf32> to vector<16xf32>
      %swap3A_49 = vector.shape_cast %broadcast_in_dim3A_45 : vector<16xf32> to vector<1x16xf32>
      tpu.vector_store %arg8[%swap3A, %swap3A_46], %swap3A_49 {strides = array<i32>} : memref<128x128xf32, #tpu.memory_space<vmem>>, vector<1x16xf32>,
      %broadcast_in_dim3A_50 = arith.constant 0.000000e+00 : f32
      %broadcast_in_dim3A_51 = vector.broadcast %broadcast_in_dim3A_50 : f32 to vector<16xf32>
      %swap3A_52 = arith.index_cast %scan3A_43 : i32 to index
      %swap3A_53 = arith.constant 16 : index
      %swap3A_54 = tpu.vector_load %arg8[%swap3A_52, %swap3A_53] {strides = array<i32>} : memref<128x128xf32, #tpu.memory_space<vmem>>, vector<1x16xf32>,
      %swap3A_55 = vector.shape_cast %swap3A_54 : vector<1x16xf32> to vector<16xf32>
      %swap3A_56 = vector.shape_cast %broadcast_in_dim3A_51 : vector<16xf32> to vector<1x16xf32>
      tpu.vector_store %arg8[%swap3A_52, %swap3A_53], %swap3A_56 {strides = array<i32>} : memref<128x128xf32, #tpu.memory_space<vmem>>, vector<1x16xf32>,
      %broadcast_in_dim3A_57 = arith.constant 0.000000e+00 : f32
      %broadcast_in_dim3A_58 = vector.broadcast %broadcast_in_dim3A_57 : f32 to vector<16xf32>
      %swap3A_59 = arith.index_cast %scan3A_43 : i32 to index
      %swap3A_60 = arith.constant 32 : index
      %swap3A_61 = tpu.vector_load %arg8[%swap3A_59, %swap3A_60] {strides = array<i32>} : memref<128x128xf32, #tpu.memory_space<vmem>>, vector<1x16xf32>,
      %swap3A_62 = vector.shape_cast %swap3A_61 : vector<1x16xf32> to vector<16xf32>
      %swap3A_63 = vector.shape_cast %broadcast_in_dim3A_58 : vector<16xf32> to vector<1x16xf32>
      tpu.vector_store %arg8[%swap3A_59, %swap3A_60], %swap3A_63 {strides = array<i32>} : memref<128x128xf32, #tpu.memory_space<vmem>>, vector<1x16xf32>,
      %broadcast_in_dim3A_64 = arith.constant 0.000000e+00 : f32
      %broadcast_in_dim3A_65 = vector.broadcast %broadcast_in_dim3A_64 : f32 to vector<16xf32>
      %swap3A_66 = arith.index_cast %scan3A_43 : i32 to index
      %swap3A_67 = arith.constant 48 : index
      %swap3A_68 = tpu.vector_load %arg8[%swap3A_66, %swap3A_67] {strides = array<i32>} : memref<128x128xf32, #tpu.memory_space<vmem>>, vector<1x16xf32>,
      %swap3A_69 = vector.shape_cast %swap3A_68 : vector<1x16xf32> to vector<16xf32>
      %swap3A_70 = vector.shape_cast %broadcast_in_dim3A_65 : vector<16xf32> to vector<1x16xf32>
      tpu.vector_store %arg8[%swap3A_66, %swap3A_67], %swap3A_70 {strides = array<i32>} : memref<128x128xf32, #tpu.memory_space<vmem>>, vector<1x16xf32>,
      %broadcast_in_dim3A_71 = arith.constant 0.000000e+00 : f32
      %broadcast_in_dim3A_72 = vector.broadcast %broadcast_in_dim3A_71 : f32 to vector<16xf32>
      %swap3A_73 = arith.index_cast %scan3A_43 : i32 to index
      %swap3A_74 = arith.constant 64 : index
      %swap3A_75 = tpu.vector_load %arg8[%swap3A_73, %swap3A_74] {strides = array<i32>} : memref<128x128xf32, #tpu.memory_space<vmem>>, vector<1x16xf32>,
      %swap3A_76 = vector.shape_cast %swap3A_75 : vector<1x16xf32> to vector<16xf32>
      %swap3A_77 = vector.shape_cast %broadcast_in_dim3A_72 : vector<16xf32> to vector<1x16xf32>
      tpu.vector_store %arg8[%swap3A_73, %swap3A_74], %swap3A_77 {strides = array<i32>} : memref<128x128xf32, #tpu.memory_space<vmem>>, vector<1x16xf32>,
      %broadcast_in_dim3A_78 = arith.constant 0.000000e+00 : f32
      %broadcast_in_dim3A_79 = vector.broadcast %broadcast_in_dim3A_78 : f32 to vector<16xf32>
      %swap3A_80 = arith.index_cast %scan3A_43 : i32 to index
      %swap3A_81 = arith.constant 80 : index
      %swap3A_82 = tpu.vector_load %arg8[%swap3A_80, %swap3A_81] {strides = array<i32>} : memref<128x128xf32, #tpu.memory_space<vmem>>, vector<1x16xf32>,
      %swap3A_83 = vector.shape_cast %swap3A_82 : vector<1x16xf32> to vector<16xf32>
      %swap3A_84 = vector.shape_cast %broadcast_in_dim3A_79 : vector<16xf32> to vector<1x16xf32>
      tpu.vector_store %arg8[%swap3A_80, %swap3A_81], %swap3A_84 {strides = array<i32>} : memref<128x128xf32, #tpu.memory_space<vmem>>, vector<1x16xf32>,
      %broadcast_in_dim3A_85 = arith.constant 0.000000e+00 : f32
      %broadcast_in_dim3A_86 = vector.broadcast %broadcast_in_dim3A_85 : f32 to vector<16xf32>
      %swap3A_87 = arith.index_cast %scan3A_43 : i32 to index
      %swap3A_88 = arith.constant 96 : index
      %swap3A_89 = tpu.vector_load %arg8[%swap3A_87, %swap3A_88] {strides = array<i32>} : memref<128x128xf32, #tpu.memory_space<vmem>>, vector<1x16xf32>,
      %swap3A_90 = vector.shape_cast %swap3A_89 : vector<1x16xf32> to vector<16xf32>
      %swap3A_91 = vector.shape_cast %broadcast_in_dim3A_86 : vector<16xf32> to vector<1x16xf32>
      tpu.vector_store %arg8[%swap3A_87, %swap3A_88], %swap3A_91 {strides = array<i32>} : memref<128x128xf32, #tpu.memory_space<vmem>>, vector<1x16xf32>,
      %broadcast_in_dim3A_92 = arith.constant 0.000000e+00 : f32
      %broadcast_in_dim3A_93 = vector.broadcast %broadcast_in_dim3A_92 : f32 to vector<16xf32>
      %swap3A_94 = arith.index_cast %scan3A_43 : i32 to index
      %swap3A_95 = arith.constant 112 : index
      %swap3A_96 = tpu.vector_load %arg8[%swap3A_94, %swap3A_95] {strides = array<i32>} : memref<128x128xf32, #tpu.memory_space<vmem>>, vector<1x16xf32>,
      %swap3A_97 = vector.shape_cast %swap3A_96 : vector<1x16xf32> to vector<16xf32>
      %swap3A_98 = vector.shape_cast %broadcast_in_dim3A_93 : vector<16xf32> to vector<1x16xf32>
      tpu.vector_store %arg8[%swap3A_94, %swap3A_95], %swap3A_98 {strides = array<i32>} : memref<128x128xf32, #tpu.memory_space<vmem>>, vector<1x16xf32>,
      %scan3A_99 = arith.constant 0 : i32
      scf.yield %scan3A_99 : i32
    }
    %scan3A_6 = arith.constant 128 : i32
    %scan3A_7 = arith.constant 0 : i32
    %scan3A_8 = arith.constant 0 : i32
    %scan3A_9 = arith.constant 5 : i32
    %scan3A_10 = arith.addi %scan3A_8, %scan3A_9 : i32
    %scan3A_11 = arith.constant 1 : i32
    %scan3A_12 = scf.for %scan3A_43 = %scan3A_8 to %scan3A_10 step %scan3A_11 iter_args(%scan3A_44 = %scan3A_7) -> (i32)  : i32 {
      %mul3A_45 = arith.constant 640 : i32
      %mul3A_46 = arith.muli %arg1, %mul3A_45 : i32
      %mul3A_47 = arith.constant 128 : i32
      %mul3A_48 = arith.muli %scan3A_43, %mul3A_47 : i32
      %add3A_49 = arith.addi %mul3A_46, %mul3A_48 : i32
      "tpu.region"() ({
        %run_scoped3A = tpu.sem_alloc : memref<!tpu.dma_semaphore, #tpu.memory_space<semaphore_mem>>
        %dma_start3A = arith.constant 0 : i32
        %dma_start3A_51 = tpu.memref_slice %arg9[%add3A_49, %dma_start3A] : memref<10240x128xf32, #tpu.memory_space<vmem_shared>> -> memref<128x128xf32, #tpu.memory_space<vmem_shared>>
        %dma_start3A_52 = arith.constant 0 : i32
        %dma_start3A_53 = tpu.memref_slice %arg9[%add3A_49, %dma_start3A_52] : memref<10240x128xf32, #tpu.memory_space<vmem_shared>> -> memref<128x128xf32, #tpu.memory_space<vmem_shared>>
        tpu.enqueue_dma source(%arg8 : memref<128x128xf32, #tpu.memory_space<vmem>>) target(%dma_start3A_53 : memref<128x128xf32, #tpu.memory_space<vmem_shared>>) target_semaphore(%run_scoped3A : memref<!tpu.dma_semaphore, #tpu.memory_space<semaphore_mem>>)
        %dma_wait3A = arith.constant 0 : i32
        %dma_wait3A_54 = tpu.memref_slice %arg9[%add3A_49, %dma_wait3A] : memref<10240x128xf32, #tpu.memory_space<vmem_shared>> -> memref<128x128xf32, #tpu.memory_space<vmem_shared>>
        %dma_wait3A_55 = arith.constant 0 : i32
        %dma_wait3A_56 = tpu.memref_slice %arg9[%add3A_49, %dma_wait3A_55] : memref<10240x128xf32, #tpu.memory_space<vmem_shared>> -> memref<128x128xf32, #tpu.memory_space<vmem_shared>>
        tpu.wait_dma2 semaphore(%run_scoped3A : memref<!tpu.dma_semaphore, #tpu.memory_space<semaphore_mem>>) src(%arg8 : memref<128x128xf32, #tpu.memory_space<vmem>>) dst(%dma_wait3A_56 : memref<128x128xf32, #tpu.memory_space<vmem_shared>>)
        tpu.yield
      }) : () -> ()
      %scan3A_50 = arith.constant 0 : i32
      scf.yield %scan3A_50 : i32
    }
    %scan3A_13 = arith.constant 5 : i32
    %barrier3A = arith.constant 0 : index
    tpu.barrier barrier_id(%barrier3A)
    %eq3A = arith.constant 0 : i32
    %eq3A_14 = arith.cmpi eq, %arg0, %eq3A : i32
    %jit3A = arith.constant 96 : i32
    %jit3A_15 = arith.constant 62 : i32
    %select_n3A = arith.select %eq3A_14, %jit3A, %jit3A_15 : i32
    %eq3A_16 = arith.constant 0 : i32
    %eq3A_17 = arith.cmpi eq, %arg0, %eq3A_16 : i32
    %mul3A_18 = arith.constant 96 : i32
    %mul3A_19 = arith.muli %arg1, %mul3A_18 : i32
    %mul3A_20 = arith.constant 62 : i32
    %mul3A_21 = arith.muli %arg1, %mul3A_20 : i32
    %add3A_22 = arith.constant 1536 : i32
    %add3A_23 = arith.addi %add3A_22, %mul3A_21 : i32
    %select_n3A_24 = arith.select %eq3A_17, %mul3A_19, %add3A_23 : i32
    %mul3A_25 = arith.constant 128 : i32
    %mul3A_26 = arith.muli %select_n3A_24, %mul3A_25 : i32
    %while3A = arith.constant 0 : i32
    %while3A_27 = arith.constant 0 : i32
    %while3A_28 = arith.subi %select_n3A, %while3A : i32
    %while3A_29 = arith.addi %while3A, %while3A_28 : i32
    %while3A_30 = arith.constant 1 : i32
    %while3A_31 = arith.divsi %while3A_28, %while3A_30 : i32
    %while3A_32 = arith.muli %while3A_31, %while3A_30 : i32
    %while3A_33 = arith.addi %while3A, %while3A_32 : i32
    %while3A_34 = arith.constant 1 : i32
    %while3A_35 = scf.for %while3A_43 = %while3A to %while3A_33 step %while3A_34 iter_args(%while3A_44 = %while3A_27) -> (i32)  : i32 {
      %mul3A_45 = arith.constant 128 : i32
      %mul3A_46 = arith.muli %while3A_43, %mul3A_45 : i32
      %add3A_47 = arith.addi %mul3A_26, %mul3A_46 : i32
      %multiple_of3A = tpu.assume_multiple %add3A_47, 8 : i32
      "tpu.region"() ({
        %run_scoped3A = tpu.sem_alloc : memref<!tpu.dma_semaphore, #tpu.memory_space<semaphore_mem>>
        %dma_start3A_53 = tpu.memref_slice %arg3[%multiple_of3A] : memref<323584xi32, #tpu.memory_space<hbm>> -> memref<128xi32, #tpu.memory_space<hbm>>
        %dma_start3A_54 = tpu.memref_slice %arg3[%multiple_of3A] : memref<323584xi32, #tpu.memory_space<hbm>> -> memref<128xi32, #tpu.memory_space<hbm>>
        tpu.enqueue_dma source(%dma_start3A_54 : memref<128xi32, #tpu.memory_space<hbm>>) target(%arg6 : memref<128xi32, #tpu.memory_space<vmem>>) target_semaphore(%run_scoped3A : memref<!tpu.dma_semaphore, #tpu.memory_space<semaphore_mem>>)
        %dma_wait3A_55 = tpu.memref_slice %arg3[%multiple_of3A] : memref<323584xi32, #tpu.memory_space<hbm>> -> memref<128xi32, #tpu.memory_space<hbm>>
        %dma_wait3A_56 = tpu.memref_slice %arg3[%multiple_of3A] : memref<323584xi32, #tpu.memory_space<hbm>> -> memref<128xi32, #tpu.memory_space<hbm>>
        tpu.wait_dma2 semaphore(%run_scoped3A : memref<!tpu.dma_semaphore, #tpu.memory_space<semaphore_mem>>) src(%dma_wait3A_56 : memref<128xi32, #tpu.memory_space<hbm>>) dst(%arg6 : memref<128xi32, #tpu.memory_space<vmem>>)
        tpu.yield
      }) : () -> ()
      "tpu.region"() ({
        %run_scoped3A = tpu.sem_alloc : memref<!tpu.dma_semaphore, #tpu.memory_space<semaphore_mem>>
        %dma_start3A_53 = tpu.memref_slice %arg4[%multiple_of3A] : memref<323584xi32, #tpu.memory_space<hbm>> -> memref<128xi32, #tpu.memory_space<hbm>>
        %dma_start3A_54 = tpu.memref_slice %arg4[%multiple_of3A] : memref<323584xi32, #tpu.memory_space<hbm>> -> memref<128xi32, #tpu.memory_space<hbm>>
        tpu.enqueue_dma source(%dma_start3A_54 : memref<128xi32, #tpu.memory_space<hbm>>) target(%arg7 : memref<128xi32, #tpu.memory_space<vmem>>) target_semaphore(%run_scoped3A : memref<!tpu.dma_semaphore, #tpu.memory_space<semaphore_mem>>)
        %dma_wait3A_55 = tpu.memref_slice %arg4[%multiple_of3A] : memref<323584xi32, #tpu.memory_space<hbm>> -> memref<128xi32, #tpu.memory_space<hbm>>
        %dma_wait3A_56 = tpu.memref_slice %arg4[%multiple_of3A] : memref<323584xi32, #tpu.memory_space<hbm>> -> memref<128xi32, #tpu.memory_space<hbm>>
        tpu.wait_dma2 semaphore(%run_scoped3A : memref<!tpu.dma_semaphore, #tpu.memory_space<semaphore_mem>>) src(%dma_wait3A_56 : memref<128xi32, #tpu.memory_space<hbm>>) dst(%arg7 : memref<128xi32, #tpu.memory_space<vmem>>)
        tpu.yield
      }) : () -> ()
      %dma_start3A = arith.constant 0 : i32
      %dma_start3A_48 = arith.constant 0 : i32
      %dma_start3A_49 = tpu.memref_slice %arg2[%dma_start3A, %dma_start3A_48] : memref<10240x128xf32, #tpu.memory_space<hbm>> -> memref<10240x128xf32, #tpu.memory_space<hbm>>
      tpu.enqueue_indirect_dma source(%dma_start3A_49 : memref<10240x128xf32, #tpu.memory_space<hbm>>) target(%arg8 : memref<128x128xf32, #tpu.memory_space<vmem>>) offsets(%arg6 : memref<128xi32, #tpu.memory_space<vmem>>) semaphore(%arg10 : memref<!tpu.dma_semaphore, #tpu.memory_space<semaphore_mem>>)
      %dma_wait3A = arith.constant 0 : i32
      %dma_wait3A_50 = arith.constant 0 : i32
      %dma_wait3A_51 = tpu.memref_slice %arg2[%dma_wait3A, %dma_wait3A_50] : memref<10240x128xf32, #tpu.memory_space<hbm>> -> memref<10240x128xf32, #tpu.memory_space<hbm>>
      tpu.wait_indirect_dma semaphore(%arg10 : memref<!tpu.dma_semaphore, #tpu.memory_space<semaphore_mem>>) src(%dma_wait3A_51 : memref<10240x128xf32, #tpu.memory_space<hbm>>) dst(%arg8 : memref<128x128xf32, #tpu.memory_space<vmem>>)
      "tpu.region"() ({
        %run_scoped3A = tpu.sem_alloc : memref<!tpu.dma_semaphore, #tpu.memory_space<semaphore_mem>>
        %dma_start3A_53 = arith.constant 0 : i32
        %dma_start3A_54 = arith.constant 0 : i32
        %dma_start3A_55 = tpu.memref_slice %arg9[%dma_start3A_53, %dma_start3A_54] : memref<10240x128xf32, #tpu.memory_space<vmem_shared>> -> memref<10240x128xf32, #tpu.memory_space<vmem_shared>>
        tpu.enqueue_indirect_dma source(%arg8 : memref<128x128xf32, #tpu.memory_space<vmem>>) target(%dma_start3A_55 : memref<10240x128xf32, #tpu.memory_space<vmem_shared>>) offsets(%arg7 : memref<128xi32, #tpu.memory_space<vmem>>) semaphore(%run_scoped3A : memref<!tpu.dma_semaphore, #tpu.memory_space<semaphore_mem>>) {add = true}
        %dma_wait3A_56 = arith.constant 0 : i32
        %dma_wait3A_57 = arith.constant 0 : i32
        %dma_wait3A_58 = tpu.memref_slice %arg9[%dma_wait3A_56, %dma_wait3A_57] : memref<10240x128xf32, #tpu.memory_space<vmem_shared>> -> memref<10240x128xf32, #tpu.memory_space<vmem_shared>>
        tpu.wait_indirect_dma semaphore(%run_scoped3A : memref<!tpu.dma_semaphore, #tpu.memory_space<semaphore_mem>>) src(%arg8 : memref<128x128xf32, #tpu.memory_space<vmem>>) dst(%dma_wait3A_58 : memref<10240x128xf32, #tpu.memory_space<vmem_shared>>)
        tpu.yield
      }) : () -> ()
      %while3A_52 = arith.constant 0 : i32
      scf.yield %while3A_52 : i32
    }
    %while3A_36 = arith.constant 1 : i32
    %while3A_37 = scf.for %while3A_43 = %while3A_33 to %while3A_29 step %while3A_36 iter_args(%while3A_44 = %while3A_35) -> (i32)  : i32 {
      %mul3A_45 = arith.constant 128 : i32
      %mul3A_46 = arith.muli %while3A_43, %mul3A_45 : i32
      %add3A_47 = arith.addi %mul3A_26, %mul3A_46 : i32
      %multiple_of3A = tpu.assume_multiple %add3A_47, 8 : i32
      "tpu.region"() ({
        %run_scoped3A = tpu.sem_alloc : memref<!tpu.dma_semaphore, #tpu.memory_space<semaphore_mem>>
        %dma_start3A_53 = tpu.memref_slice %arg3[%multiple_of3A] : memref<323584xi32, #tpu.memory_space<hbm>> -> memref<128xi32, #tpu.memory_space<hbm>>
        %dma_start3A_54 = tpu.memref_slice %arg3[%multiple_of3A] : memref<323584xi32, #tpu.memory_space<hbm>> -> memref<128xi32, #tpu.memory_space<hbm>>
        tpu.enqueue_dma source(%dma_start3A_54 : memref<128xi32, #tpu.memory_space<hbm>>) target(%arg6 : memref<128xi32, #tpu.memory_space<vmem>>) target_semaphore(%run_scoped3A : memref<!tpu.dma_semaphore, #tpu.memory_space<semaphore_mem>>)
        %dma_wait3A_55 = tpu.memref_slice %arg3[%multiple_of3A] : memref<323584xi32, #tpu.memory_space<hbm>> -> memref<128xi32, #tpu.memory_space<hbm>>
        %dma_wait3A_56 = tpu.memref_slice %arg3[%multiple_of3A] : memref<323584xi32, #tpu.memory_space<hbm>> -> memref<128xi32, #tpu.memory_space<hbm>>
        tpu.wait_dma2 semaphore(%run_scoped3A : memref<!tpu.dma_semaphore, #tpu.memory_space<semaphore_mem>>) src(%dma_wait3A_56 : memref<128xi32, #tpu.memory_space<hbm>>) dst(%arg6 : memref<128xi32, #tpu.memory_space<vmem>>)
        tpu.yield
      }) : () -> ()
      "tpu.region"() ({
        %run_scoped3A = tpu.sem_alloc : memref<!tpu.dma_semaphore, #tpu.memory_space<semaphore_mem>>
        %dma_start3A_53 = tpu.memref_slice %arg4[%multiple_of3A] : memref<323584xi32, #tpu.memory_space<hbm>> -> memref<128xi32, #tpu.memory_space<hbm>>
        %dma_start3A_54 = tpu.memref_slice %arg4[%multiple_of3A] : memref<323584xi32, #tpu.memory_space<hbm>> -> memref<128xi32, #tpu.memory_space<hbm>>
        tpu.enqueue_dma source(%dma_start3A_54 : memref<128xi32, #tpu.memory_space<hbm>>) target(%arg7 : memref<128xi32, #tpu.memory_space<vmem>>) target_semaphore(%run_scoped3A : memref<!tpu.dma_semaphore, #tpu.memory_space<semaphore_mem>>)
        %dma_wait3A_55 = tpu.memref_slice %arg4[%multiple_of3A] : memref<323584xi32, #tpu.memory_space<hbm>> -> memref<128xi32, #tpu.memory_space<hbm>>
        %dma_wait3A_56 = tpu.memref_slice %arg4[%multiple_of3A] : memref<323584xi32, #tpu.memory_space<hbm>> -> memref<128xi32, #tpu.memory_space<hbm>>
        tpu.wait_dma2 semaphore(%run_scoped3A : memref<!tpu.dma_semaphore, #tpu.memory_space<semaphore_mem>>) src(%dma_wait3A_56 : memref<128xi32, #tpu.memory_space<hbm>>) dst(%arg7 : memref<128xi32, #tpu.memory_space<vmem>>)
        tpu.yield
      }) : () -> ()
      %dma_start3A = arith.constant 0 : i32
      %dma_start3A_48 = arith.constant 0 : i32
      %dma_start3A_49 = tpu.memref_slice %arg2[%dma_start3A, %dma_start3A_48] : memref<10240x128xf32, #tpu.memory_space<hbm>> -> memref<10240x128xf32, #tpu.memory_space<hbm>>
      tpu.enqueue_indirect_dma source(%dma_start3A_49 : memref<10240x128xf32, #tpu.memory_space<hbm>>) target(%arg8 : memref<128x128xf32, #tpu.memory_space<vmem>>) offsets(%arg6 : memref<128xi32, #tpu.memory_space<vmem>>) semaphore(%arg10 : memref<!tpu.dma_semaphore, #tpu.memory_space<semaphore_mem>>)
      %dma_wait3A = arith.constant 0 : i32
      %dma_wait3A_50 = arith.constant 0 : i32
      %dma_wait3A_51 = tpu.memref_slice %arg2[%dma_wait3A, %dma_wait3A_50] : memref<10240x128xf32, #tpu.memory_space<hbm>> -> memref<10240x128xf32, #tpu.memory_space<hbm>>
      tpu.wait_indirect_dma semaphore(%arg10 : memref<!tpu.dma_semaphore, #tpu.memory_space<semaphore_mem>>) src(%dma_wait3A_51 : memref<10240x128xf32, #tpu.memory_space<hbm>>) dst(%arg8 : memref<128x128xf32, #tpu.memory_space<vmem>>)
      "tpu.region"() ({
        %run_scoped3A = tpu.sem_alloc : memref<!tpu.dma_semaphore, #tpu.memory_space<semaphore_mem>>
        %dma_start3A_53 = arith.constant 0 : i32
        %dma_start3A_54 = arith.constant 0 : i32
        %dma_start3A_55 = tpu.memref_slice %arg9[%dma_start3A_53, %dma_start3A_54] : memref<10240x128xf32, #tpu.memory_space<vmem_shared>> -> memref<10240x128xf32, #tpu.memory_space<vmem_shared>>
        tpu.enqueue_indirect_dma source(%arg8 : memref<128x128xf32, #tpu.memory_space<vmem>>) target(%dma_start3A_55 : memref<10240x128xf32, #tpu.memory_space<vmem_shared>>) offsets(%arg7 : memref<128xi32, #tpu.memory_space<vmem>>) semaphore(%run_scoped3A : memref<!tpu.dma_semaphore, #tpu.memory_space<semaphore_mem>>) {add = true}
        %dma_wait3A_56 = arith.constant 0 : i32
        %dma_wait3A_57 = arith.constant 0 : i32
        %dma_wait3A_58 = tpu.memref_slice %arg9[%dma_wait3A_56, %dma_wait3A_57] : memref<10240x128xf32, #tpu.memory_space<vmem_shared>> -> memref<10240x128xf32, #tpu.memory_space<vmem_shared>>
        tpu.wait_indirect_dma semaphore(%run_scoped3A : memref<!tpu.dma_semaphore, #tpu.memory_space<semaphore_mem>>) src(%arg8 : memref<128x128xf32, #tpu.memory_space<vmem>>) dst(%dma_wait3A_58 : memref<10240x128xf32, #tpu.memory_space<vmem_shared>>)
        tpu.yield
      }) : () -> ()
      %while3A_52 = arith.constant 0 : i32
      scf.yield %while3A_52 : i32
    }
    %barrier3A_38 = arith.constant 0 : index
    tpu.barrier barrier_id(%barrier3A_38)
    %mul3A_39 = arith.constant 640 : i32
    %mul3A_40 = arith.muli %arg1, %mul3A_39 : i32
    %mul3A_41 = arith.constant 640 : i32
    %mul3A_42 = arith.muli %arg1, %mul3A_41 : i32
    "tpu.region"() ({
      %run_scoped3A = tpu.sem_alloc : memref<!tpu.dma_semaphore, #tpu.memory_space<semaphore_mem>>
      %dma_start3A = arith.constant 0 : i32
      %dma_start3A_43 = tpu.memref_slice %arg5[%arg0, %mul3A_42, %dma_start3A] : memref<2x10240x128xf32, #tpu.memory_space<hbm>> -> memref<1x640x128xf32, #tpu.memory_space<hbm>>
      %dma_start3A_44 = tpu.memref_squeeze %dma_start3A_43 : memref<1x640x128xf32, #tpu.memory_space<hbm>> -> memref<640x128xf32, #tpu.memory_space<hbm>>
      %dma_start3A_45 = arith.constant 0 : i32
      %dma_start3A_46 = tpu.memref_slice %arg9[%mul3A_40, %dma_start3A_45] : memref<10240x128xf32, #tpu.memory_space<vmem_shared>> -> memref<640x128xf32, #tpu.memory_space<vmem_shared>>
      tpu.enqueue_dma source(%dma_start3A_46 : memref<640x128xf32, #tpu.memory_space<vmem_shared>>) target(%dma_start3A_44 : memref<640x128xf32, #tpu.memory_space<hbm>>) target_semaphore(%run_scoped3A : memref<!tpu.dma_semaphore, #tpu.memory_space<semaphore_mem>>)
      %dma_wait3A = arith.constant 0 : i32
      %dma_wait3A_47 = tpu.memref_slice %arg5[%arg0, %mul3A_42, %dma_wait3A] : memref<2x10240x128xf32, #tpu.memory_space<hbm>> -> memref<1x640x128xf32, #tpu.memory_space<hbm>>
      %dma_wait3A_48 = tpu.memref_squeeze %dma_wait3A_47 : memref<1x640x128xf32, #tpu.memory_space<hbm>> -> memref<640x128xf32, #tpu.memory_space<hbm>>
      %dma_wait3A_49 = arith.constant 0 : i32
      %dma_wait3A_50 = tpu.memref_slice %arg9[%mul3A_40, %dma_wait3A_49] : memref<10240x128xf32, #tpu.memory_space<vmem_shared>> -> memref<640x128xf32, #tpu.memory_space<vmem_shared>>
      tpu.wait_dma2 semaphore(%run_scoped3A : memref<!tpu.dma_semaphore, #tpu.memory_space<semaphore_mem>>) src(%dma_wait3A_50 : memref<640x128xf32, #tpu.memory_space<vmem_shared>>) dst(%dma_wait3A_48 : memref<640x128xf32, #tpu.memory_space<hbm>>)
      tpu.yield
    }) : () -> ()
    return
  }
}

#map = affine_map<(d0, d1) -> (0, 0)>
#map1 = affine_map<(d0, d1) -> (0)>
#map2 = affine_map<(d0, d1) -> (0, 0, 0)>
module attributes {stable_mosaic.version = 14 : i64} {
  func.func @body(%arg0: i32, %arg1: i32, %arg2: memref<10240x128xf32, #tpu.memory_space<hbm>>, %arg3: memref<323584xi32, #tpu.memory_space<hbm>>, %arg4: memref<323584xi32, #tpu.memory_space<hbm>>, %arg5: memref<2x10240x128xf32, #tpu.memory_space<hbm>>, %arg6: memref<128xi32, #tpu.memory_space<vmem>>, %arg7: memref<128xi32, #tpu.memory_space<vmem>>, %arg8: memref<128x128xf32, #tpu.memory_space<vmem>>, %arg9: memref<10240x128xf32, #tpu.memory_space<vmem_shared>>, %arg10: memref<!tpu.dma_semaphore, #tpu.memory_space<semaphore_mem>>) attributes {dimension_semantics = [#tpu.dimension_semantics<core_parallel>, #tpu.dimension_semantics<subcore_parallel>], iteration_bounds = array<i64: 2, 16>, scalar_prefetch = 0 : i64, scratch_operands = 5 : i64, tpu.core_type = #tpu.core_type<sc_vector_subcore>, window_params = [{transform_indices = #map}, {transform_indices = #map1}, {transform_indices = #map1}, {transform_indices = #map2}]} {
    %mul3A = arith.constant 2 : i32
    %mul3A_0 = arith.muli %arg1, %mul3A : i32
    %add3A = arith.addi %mul3A_0, %arg0 : i32
    %scan3A = arith.constant 0 : i32
    %scan3A_1 = arith.constant 0 : i32
    %scan3A_2 = arith.constant 128 : i32
    %scan3A_3 = arith.addi %scan3A_1, %scan3A_2 : i32
    %scan3A_4 = arith.constant 1 : i32
    %scan3A_5 = scf.for %scan3A_43 = %scan3A_1 to %scan3A_3 step %scan3A_4 iter_args(%scan3A_44 = %scan3A) -> (i32)  : i32 {
      %broadcast_in_dim3A = arith.constant 0.000000e+00 : f32
      %broadcast_in_dim3A_45 = vector.broadcast %broadcast_in_dim3A : f32 to vector<16xf32>
      %swap3A = arith.index_cast %scan3A_43 : i32 to index
      %swap3A_46 = arith.constant 0 : index
      %swap3A_47 = tpu.vector_load %arg8[%swap3A, %swap3A_46] {strides = array<i32>} : memref<128x128xf32, #tpu.memory_space<vmem>>, vector<1x16xf32>,
      %swap3A_48 = vector.shape_cast %swap3A_47 : vector<1x16xf32> to vector<16xf32>
      %swap3A_49 = vector.shape_cast %broadcast_in_dim3A_45 : vector<16xf32> to vector<1x16xf32>
      tpu.vector_store %arg8[%swap3A, %swap3A_46], %swap3A_49 {strides = array<i32>} : memref<128x128xf32, #tpu.memory_space<vmem>>, vector<1x16xf32>,
      %broadcast_in_dim3A_50 = arith.constant 0.000000e+00 : f32
      %broadcast_in_dim3A_51 = vector.broadcast %broadcast_in_dim3A_50 : f32 to vector<16xf32>
      %swap3A_52 = arith.index_cast %scan3A_43 : i32 to index
      %swap3A_53 = arith.constant 16 : index
      %swap3A_54 = tpu.vector_load %arg8[%swap3A_52, %swap3A_53] {strides = array<i32>} : memref<128x128xf32, #tpu.memory_space<vmem>>, vector<1x16xf32>,
      %swap3A_55 = vector.shape_cast %swap3A_54 : vector<1x16xf32> to vector<16xf32>
      %swap3A_56 = vector.shape_cast %broadcast_in_dim3A_51 : vector<16xf32> to vector<1x16xf32>
      tpu.vector_store %arg8[%swap3A_52, %swap3A_53], %swap3A_56 {strides = array<i32>} : memref<128x128xf32, #tpu.memory_space<vmem>>, vector<1x16xf32>,
      %broadcast_in_dim3A_57 = arith.constant 0.000000e+00 : f32
      %broadcast_in_dim3A_58 = vector.broadcast %broadcast_in_dim3A_57 : f32 to vector<16xf32>
      %swap3A_59 = arith.index_cast %scan3A_43 : i32 to index
      %swap3A_60 = arith.constant 32 : index
      %swap3A_61 = tpu.vector_load %arg8[%swap3A_59, %swap3A_60] {strides = array<i32>} : memref<128x128xf32, #tpu.memory_space<vmem>>, vector<1x16xf32>,
      %swap3A_62 = vector.shape_cast %swap3A_61 : vector<1x16xf32> to vector<16xf32>
      %swap3A_63 = vector.shape_cast %broadcast_in_dim3A_58 : vector<16xf32> to vector<1x16xf32>
      tpu.vector_store %arg8[%swap3A_59, %swap3A_60], %swap3A_63 {strides = array<i32>} : memref<128x128xf32, #tpu.memory_space<vmem>>, vector<1x16xf32>,
      %broadcast_in_dim3A_64 = arith.constant 0.000000e+00 : f32
      %broadcast_in_dim3A_65 = vector.broadcast %broadcast_in_dim3A_64 : f32 to vector<16xf32>
      %swap3A_66 = arith.index_cast %scan3A_43 : i32 to index
      %swap3A_67 = arith.constant 48 : index
      %swap3A_68 = tpu.vector_load %arg8[%swap3A_66, %swap3A_67] {strides = array<i32>} : memref<128x128xf32, #tpu.memory_space<vmem>>, vector<1x16xf32>,
      %swap3A_69 = vector.shape_cast %swap3A_68 : vector<1x16xf32> to vector<16xf32>
      %swap3A_70 = vector.shape_cast %broadcast_in_dim3A_65 : vector<16xf32> to vector<1x16xf32>
      tpu.vector_store %arg8[%swap3A_66, %swap3A_67], %swap3A_70 {strides = array<i32>} : memref<128x128xf32, #tpu.memory_space<vmem>>, vector<1x16xf32>,
      %broadcast_in_dim3A_71 = arith.constant 0.000000e+00 : f32
      %broadcast_in_dim3A_72 = vector.broadcast %broadcast_in_dim3A_71 : f32 to vector<16xf32>
      %swap3A_73 = arith.index_cast %scan3A_43 : i32 to index
      %swap3A_74 = arith.constant 64 : index
      %swap3A_75 = tpu.vector_load %arg8[%swap3A_73, %swap3A_74] {strides = array<i32>} : memref<128x128xf32, #tpu.memory_space<vmem>>, vector<1x16xf32>,
      %swap3A_76 = vector.shape_cast %swap3A_75 : vector<1x16xf32> to vector<16xf32>
      %swap3A_77 = vector.shape_cast %broadcast_in_dim3A_72 : vector<16xf32> to vector<1x16xf32>
      tpu.vector_store %arg8[%swap3A_73, %swap3A_74], %swap3A_77 {strides = array<i32>} : memref<128x128xf32, #tpu.memory_space<vmem>>, vector<1x16xf32>,
      %broadcast_in_dim3A_78 = arith.constant 0.000000e+00 : f32
      %broadcast_in_dim3A_79 = vector.broadcast %broadcast_in_dim3A_78 : f32 to vector<16xf32>
      %swap3A_80 = arith.index_cast %scan3A_43 : i32 to index
      %swap3A_81 = arith.constant 80 : index
      %swap3A_82 = tpu.vector_load %arg8[%swap3A_80, %swap3A_81] {strides = array<i32>} : memref<128x128xf32, #tpu.memory_space<vmem>>, vector<1x16xf32>,
      %swap3A_83 = vector.shape_cast %swap3A_82 : vector<1x16xf32> to vector<16xf32>
      %swap3A_84 = vector.shape_cast %broadcast_in_dim3A_79 : vector<16xf32> to vector<1x16xf32>
      tpu.vector_store %arg8[%swap3A_80, %swap3A_81], %swap3A_84 {strides = array<i32>} : memref<128x128xf32, #tpu.memory_space<vmem>>, vector<1x16xf32>,
      %broadcast_in_dim3A_85 = arith.constant 0.000000e+00 : f32
      %broadcast_in_dim3A_86 = vector.broadcast %broadcast_in_dim3A_85 : f32 to vector<16xf32>
      %swap3A_87 = arith.index_cast %scan3A_43 : i32 to index
      %swap3A_88 = arith.constant 96 : index
      %swap3A_89 = tpu.vector_load %arg8[%swap3A_87, %swap3A_88] {strides = array<i32>} : memref<128x128xf32, #tpu.memory_space<vmem>>, vector<1x16xf32>,
      %swap3A_90 = vector.shape_cast %swap3A_89 : vector<1x16xf32> to vector<16xf32>
      %swap3A_91 = vector.shape_cast %broadcast_in_dim3A_86 : vector<16xf32> to vector<1x16xf32>
      tpu.vector_store %arg8[%swap3A_87, %swap3A_88], %swap3A_91 {strides = array<i32>} : memref<128x128xf32, #tpu.memory_space<vmem>>, vector<1x16xf32>,
      %broadcast_in_dim3A_92 = arith.constant 0.000000e+00 : f32
      %broadcast_in_dim3A_93 = vector.broadcast %broadcast_in_dim3A_92 : f32 to vector<16xf32>
      %swap3A_94 = arith.index_cast %scan3A_43 : i32 to index
      %swap3A_95 = arith.constant 112 : index
      %swap3A_96 = tpu.vector_load %arg8[%swap3A_94, %swap3A_95] {strides = array<i32>} : memref<128x128xf32, #tpu.memory_space<vmem>>, vector<1x16xf32>,
      %swap3A_97 = vector.shape_cast %swap3A_96 : vector<1x16xf32> to vector<16xf32>
      %swap3A_98 = vector.shape_cast %broadcast_in_dim3A_93 : vector<16xf32> to vector<1x16xf32>
      tpu.vector_store %arg8[%swap3A_94, %swap3A_95], %swap3A_98 {strides = array<i32>} : memref<128x128xf32, #tpu.memory_space<vmem>>, vector<1x16xf32>,
      %scan3A_99 = arith.constant 0 : i32
      scf.yield %scan3A_99 : i32
    }
    %scan3A_6 = arith.constant 128 : i32
    %scan3A_7 = arith.constant 0 : i32
    %scan3A_8 = arith.constant 0 : i32
    %scan3A_9 = arith.constant 5 : i32
    %scan3A_10 = arith.addi %scan3A_8, %scan3A_9 : i32
    %scan3A_11 = arith.constant 1 : i32
    %scan3A_12 = scf.for %scan3A_43 = %scan3A_8 to %scan3A_10 step %scan3A_11 iter_args(%scan3A_44 = %scan3A_7) -> (i32)  : i32 {
      %mul3A_45 = arith.constant 640 : i32
      %mul3A_46 = arith.muli %arg1, %mul3A_45 : i32
      %mul3A_47 = arith.constant 128 : i32
      %mul3A_48 = arith.muli %scan3A_43, %mul3A_47 : i32
      %add3A_49 = arith.addi %mul3A_46, %mul3A_48 : i32
      "tpu.region"() ({
        %run_scoped3A = tpu.sem_alloc : memref<!tpu.dma_semaphore, #tpu.memory_space<semaphore_mem>>
        %dma_start3A = arith.constant 0 : i32
        %dma_start3A_51 = tpu.memref_slice %arg9[%add3A_49, %dma_start3A] : memref<10240x128xf32, #tpu.memory_space<vmem_shared>> -> memref<128x128xf32, #tpu.memory_space<vmem_shared>>
        %dma_start3A_52 = arith.constant 0 : i32
        %dma_start3A_53 = tpu.memref_slice %arg9[%add3A_49, %dma_start3A_52] : memref<10240x128xf32, #tpu.memory_space<vmem_shared>> -> memref<128x128xf32, #tpu.memory_space<vmem_shared>>
        tpu.enqueue_dma source(%arg8 : memref<128x128xf32, #tpu.memory_space<vmem>>) target(%dma_start3A_53 : memref<128x128xf32, #tpu.memory_space<vmem_shared>>) target_semaphore(%run_scoped3A : memref<!tpu.dma_semaphore, #tpu.memory_space<semaphore_mem>>)
        %dma_wait3A = arith.constant 0 : i32
        %dma_wait3A_54 = tpu.memref_slice %arg9[%add3A_49, %dma_wait3A] : memref<10240x128xf32, #tpu.memory_space<vmem_shared>> -> memref<128x128xf32, #tpu.memory_space<vmem_shared>>
        %dma_wait3A_55 = arith.constant 0 : i32
        %dma_wait3A_56 = tpu.memref_slice %arg9[%add3A_49, %dma_wait3A_55] : memref<10240x128xf32, #tpu.memory_space<vmem_shared>> -> memref<128x128xf32, #tpu.memory_space<vmem_shared>>
        tpu.wait_dma2 semaphore(%run_scoped3A : memref<!tpu.dma_semaphore, #tpu.memory_space<semaphore_mem>>) src(%arg8 : memref<128x128xf32, #tpu.memory_space<vmem>>) dst(%dma_wait3A_56 : memref<128x128xf32, #tpu.memory_space<vmem_shared>>)
        tpu.yield
      }) : () -> ()
      %scan3A_50 = arith.constant 0 : i32
      scf.yield %scan3A_50 : i32
    }
    %scan3A_13 = arith.constant 5 : i32
    %barrier3A = arith.constant 0 : index
    tpu.barrier barrier_id(%barrier3A)
    %eq3A = arith.constant 0 : i32
    %eq3A_14 = arith.cmpi eq, %arg0, %eq3A : i32
    %jit3A = arith.constant 96 : i32
    %jit3A_15 = arith.constant 62 : i32
    %select_n3A = arith.select %eq3A_14, %jit3A, %jit3A_15 : i32
    %eq3A_16 = arith.constant 0 : i32
    %eq3A_17 = arith.cmpi eq, %arg0, %eq3A_16 : i32
    %mul3A_18 = arith.constant 96 : i32
    %mul3A_19 = arith.muli %arg1, %mul3A_18 : i32
    %mul3A_20 = arith.constant 62 : i32
    %mul3A_21 = arith.muli %arg1, %mul3A_20 : i32
    %add3A_22 = arith.constant 1536 : i32
    %add3A_23 = arith.addi %add3A_22, %mul3A_21 : i32
    %select_n3A_24 = arith.select %eq3A_17, %mul3A_19, %add3A_23 : i32
    %mul3A_25 = arith.constant 128 : i32
    %mul3A_26 = arith.muli %select_n3A_24, %mul3A_25 : i32
    %while3A = arith.constant 0 : i32
    %while3A_27 = arith.constant 0 : i32
    %while3A_28 = arith.subi %select_n3A, %while3A : i32
    %while3A_29 = arith.addi %while3A, %while3A_28 : i32
    %while3A_30 = arith.constant 1 : i32
    %while3A_31 = arith.divsi %while3A_28, %while3A_30 : i32
    %while3A_32 = arith.muli %while3A_31, %while3A_30 : i32
    %while3A_33 = arith.addi %while3A, %while3A_32 : i32
    %while3A_34 = arith.constant 1 : i32
    %while3A_35 = scf.for %while3A_43 = %while3A to %while3A_33 step %while3A_34 iter_args(%while3A_44 = %while3A_27) -> (i32)  : i32 {
      %mul3A_45 = arith.constant 128 : i32
      %mul3A_46 = arith.muli %while3A_43, %mul3A_45 : i32
      %add3A_47 = arith.addi %mul3A_26, %mul3A_46 : i32
      %multiple_of3A = tpu.assume_multiple %add3A_47, 8 : i32
      "tpu.region"() ({
        %run_scoped3A = tpu.sem_alloc : memref<!tpu.dma_semaphore, #tpu.memory_space<semaphore_mem>>
        %dma_start3A_53 = tpu.memref_slice %arg3[%multiple_of3A] : memref<323584xi32, #tpu.memory_space<hbm>> -> memref<128xi32, #tpu.memory_space<hbm>>
        %dma_start3A_54 = tpu.memref_slice %arg3[%multiple_of3A] : memref<323584xi32, #tpu.memory_space<hbm>> -> memref<128xi32, #tpu.memory_space<hbm>>
        tpu.enqueue_dma source(%dma_start3A_54 : memref<128xi32, #tpu.memory_space<hbm>>) target(%arg6 : memref<128xi32, #tpu.memory_space<vmem>>) target_semaphore(%run_scoped3A : memref<!tpu.dma_semaphore, #tpu.memory_space<semaphore_mem>>)
        %dma_wait3A_55 = tpu.memref_slice %arg3[%multiple_of3A] : memref<323584xi32, #tpu.memory_space<hbm>> -> memref<128xi32, #tpu.memory_space<hbm>>
        %dma_wait3A_56 = tpu.memref_slice %arg3[%multiple_of3A] : memref<323584xi32, #tpu.memory_space<hbm>> -> memref<128xi32, #tpu.memory_space<hbm>>
        tpu.wait_dma2 semaphore(%run_scoped3A : memref<!tpu.dma_semaphore, #tpu.memory_space<semaphore_mem>>) src(%dma_wait3A_56 : memref<128xi32, #tpu.memory_space<hbm>>) dst(%arg6 : memref<128xi32, #tpu.memory_space<vmem>>)
        tpu.yield
      }) : () -> ()
      "tpu.region"() ({
        %run_scoped3A = tpu.sem_alloc : memref<!tpu.dma_semaphore, #tpu.memory_space<semaphore_mem>>
        %dma_start3A_53 = tpu.memref_slice %arg4[%multiple_of3A] : memref<323584xi32, #tpu.memory_space<hbm>> -> memref<128xi32, #tpu.memory_space<hbm>>
        %dma_start3A_54 = tpu.memref_slice %arg4[%multiple_of3A] : memref<323584xi32, #tpu.memory_space<hbm>> -> memref<128xi32, #tpu.memory_space<hbm>>
        tpu.enqueue_dma source(%dma_start3A_54 : memref<128xi32, #tpu.memory_space<hbm>>) target(%arg7 : memref<128xi32, #tpu.memory_space<vmem>>) target_semaphore(%run_scoped3A : memref<!tpu.dma_semaphore, #tpu.memory_space<semaphore_mem>>)
        %dma_wait3A_55 = tpu.memref_slice %arg4[%multiple_of3A] : memref<323584xi32, #tpu.memory_space<hbm>> -> memref<128xi32, #tpu.memory_space<hbm>>
        %dma_wait3A_56 = tpu.memref_slice %arg4[%multiple_of3A] : memref<323584xi32, #tpu.memory_space<hbm>> -> memref<128xi32, #tpu.memory_space<hbm>>
        tpu.wait_dma2 semaphore(%run_scoped3A : memref<!tpu.dma_semaphore, #tpu.memory_space<semaphore_mem>>) src(%dma_wait3A_56 : memref<128xi32, #tpu.memory_space<hbm>>) dst(%arg7 : memref<128xi32, #tpu.memory_space<vmem>>)
        tpu.yield
      }) : () -> ()
      %dma_start3A = arith.constant 0 : i32
      %dma_start3A_48 = arith.constant 0 : i32
      %dma_start3A_49 = tpu.memref_slice %arg2[%dma_start3A, %dma_start3A_48] : memref<10240x128xf32, #tpu.memory_space<hbm>> -> memref<10240x128xf32, #tpu.memory_space<hbm>>
      tpu.enqueue_indirect_dma source(%dma_start3A_49 : memref<10240x128xf32, #tpu.memory_space<hbm>>) target(%arg8 : memref<128x128xf32, #tpu.memory_space<vmem>>) offsets(%arg6 : memref<128xi32, #tpu.memory_space<vmem>>) semaphore(%arg10 : memref<!tpu.dma_semaphore, #tpu.memory_space<semaphore_mem>>)
      %dma_wait3A = arith.constant 0 : i32
      %dma_wait3A_50 = arith.constant 0 : i32
      %dma_wait3A_51 = tpu.memref_slice %arg2[%dma_wait3A, %dma_wait3A_50] : memref<10240x128xf32, #tpu.memory_space<hbm>> -> memref<10240x128xf32, #tpu.memory_space<hbm>>
      tpu.wait_indirect_dma semaphore(%arg10 : memref<!tpu.dma_semaphore, #tpu.memory_space<semaphore_mem>>) src(%dma_wait3A_51 : memref<10240x128xf32, #tpu.memory_space<hbm>>) dst(%arg8 : memref<128x128xf32, #tpu.memory_space<vmem>>)
      "tpu.region"() ({
        %run_scoped3A = tpu.sem_alloc : memref<!tpu.dma_semaphore, #tpu.memory_space<semaphore_mem>>
        %dma_start3A_53 = arith.constant 0 : i32
        %dma_start3A_54 = arith.constant 0 : i32
        %dma_start3A_55 = tpu.memref_slice %arg9[%dma_start3A_53, %dma_start3A_54] : memref<10240x128xf32, #tpu.memory_space<vmem_shared>> -> memref<10240x128xf32, #tpu.memory_space<vmem_shared>>
        tpu.enqueue_indirect_dma source(%arg8 : memref<128x128xf32, #tpu.memory_space<vmem>>) target(%dma_start3A_55 : memref<10240x128xf32, #tpu.memory_space<vmem_shared>>) offsets(%arg7 : memref<128xi32, #tpu.memory_space<vmem>>) semaphore(%run_scoped3A : memref<!tpu.dma_semaphore, #tpu.memory_space<semaphore_mem>>) {add = true}
        %dma_wait3A_56 = arith.constant 0 : i32
        %dma_wait3A_57 = arith.constant 0 : i32
        %dma_wait3A_58 = tpu.memref_slice %arg9[%dma_wait3A_56, %dma_wait3A_57] : memref<10240x128xf32, #tpu.memory_space<vmem_shared>> -> memref<10240x128xf32, #tpu.memory_space<vmem_shared>>
        tpu.wait_indirect_dma semaphore(%run_scoped3A : memref<!tpu.dma_semaphore, #tpu.memory_space<semaphore_mem>>) src(%arg8 : memref<128x128xf32, #tpu.memory_space<vmem>>) dst(%dma_wait3A_58 : memref<10240x128xf32, #tpu.memory_space<vmem_shared>>)
        tpu.yield
      }) : () -> ()
      %while3A_52 = arith.constant 0 : i32
      scf.yield %while3A_52 : i32
    }
    %while3A_36 = arith.constant 1 : i32
    %while3A_37 = scf.for %while3A_43 = %while3A_33 to %while3A_29 step %while3A_36 iter_args(%while3A_44 = %while3A_35) -> (i32)  : i32 {
      %mul3A_45 = arith.constant 128 : i32
      %mul3A_46 = arith.muli %while3A_43, %mul3A_45 : i32
      %add3A_47 = arith.addi %mul3A_26, %mul3A_46 : i32
      %multiple_of3A = tpu.assume_multiple %add3A_47, 8 : i32
      "tpu.region"() ({
        %run_scoped3A = tpu.sem_alloc : memref<!tpu.dma_semaphore, #tpu.memory_space<semaphore_mem>>
        %dma_start3A_53 = tpu.memref_slice %arg3[%multiple_of3A] : memref<323584xi32, #tpu.memory_space<hbm>> -> memref<128xi32, #tpu.memory_space<hbm>>
        %dma_start3A_54 = tpu.memref_slice %arg3[%multiple_of3A] : memref<323584xi32, #tpu.memory_space<hbm>> -> memref<128xi32, #tpu.memory_space<hbm>>
        tpu.enqueue_dma source(%dma_start3A_54 : memref<128xi32, #tpu.memory_space<hbm>>) target(%arg6 : memref<128xi32, #tpu.memory_space<vmem>>) target_semaphore(%run_scoped3A : memref<!tpu.dma_semaphore, #tpu.memory_space<semaphore_mem>>)
        %dma_wait3A_55 = tpu.memref_slice %arg3[%multiple_of3A] : memref<323584xi32, #tpu.memory_space<hbm>> -> memref<128xi32, #tpu.memory_space<hbm>>
        %dma_wait3A_56 = tpu.memref_slice %arg3[%multiple_of3A] : memref<323584xi32, #tpu.memory_space<hbm>> -> memref<128xi32, #tpu.memory_space<hbm>>
        tpu.wait_dma2 semaphore(%run_scoped3A : memref<!tpu.dma_semaphore, #tpu.memory_space<semaphore_mem>>) src(%dma_wait3A_56 : memref<128xi32, #tpu.memory_space<hbm>>) dst(%arg6 : memref<128xi32, #tpu.memory_space<vmem>>)
        tpu.yield
      }) : () -> ()
      "tpu.region"() ({
        %run_scoped3A = tpu.sem_alloc : memref<!tpu.dma_semaphore, #tpu.memory_space<semaphore_mem>>
        %dma_start3A_53 = tpu.memref_slice %arg4[%multiple_of3A] : memref<323584xi32, #tpu.memory_space<hbm>> -> memref<128xi32, #tpu.memory_space<hbm>>
        %dma_start3A_54 = tpu.memref_slice %arg4[%multiple_of3A] : memref<323584xi32, #tpu.memory_space<hbm>> -> memref<128xi32, #tpu.memory_space<hbm>>
        tpu.enqueue_dma source(%dma_start3A_54 : memref<128xi32, #tpu.memory_space<hbm>>) target(%arg7 : memref<128xi32, #tpu.memory_space<vmem>>) target_semaphore(%run_scoped3A : memref<!tpu.dma_semaphore, #tpu.memory_space<semaphore_mem>>)
        %dma_wait3A_55 = tpu.memref_slice %arg4[%multiple_of3A] : memref<323584xi32, #tpu.memory_space<hbm>> -> memref<128xi32, #tpu.memory_space<hbm>>
        %dma_wait3A_56 = tpu.memref_slice %arg4[%multiple_of3A] : memref<323584xi32, #tpu.memory_space<hbm>> -> memref<128xi32, #tpu.memory_space<hbm>>
        tpu.wait_dma2 semaphore(%run_scoped3A : memref<!tpu.dma_semaphore, #tpu.memory_space<semaphore_mem>>) src(%dma_wait3A_56 : memref<128xi32, #tpu.memory_space<hbm>>) dst(%arg7 : memref<128xi32, #tpu.memory_space<vmem>>)
        tpu.yield
      }) : () -> ()
      %dma_start3A = arith.constant 0 : i32
      %dma_start3A_48 = arith.constant 0 : i32
      %dma_start3A_49 = tpu.memref_slice %arg2[%dma_start3A, %dma_start3A_48] : memref<10240x128xf32, #tpu.memory_space<hbm>> -> memref<10240x128xf32, #tpu.memory_space<hbm>>
      tpu.enqueue_indirect_dma source(%dma_start3A_49 : memref<10240x128xf32, #tpu.memory_space<hbm>>) target(%arg8 : memref<128x128xf32, #tpu.memory_space<vmem>>) offsets(%arg6 : memref<128xi32, #tpu.memory_space<vmem>>) semaphore(%arg10 : memref<!tpu.dma_semaphore, #tpu.memory_space<semaphore_mem>>)
      %dma_wait3A = arith.constant 0 : i32
      %dma_wait3A_50 = arith.constant 0 : i32
      %dma_wait3A_51 = tpu.memref_slice %arg2[%dma_wait3A, %dma_wait3A_50] : memref<10240x128xf32, #tpu.memory_space<hbm>> -> memref<10240x128xf32, #tpu.memory_space<hbm>>
      tpu.wait_indirect_dma semaphore(%arg10 : memref<!tpu.dma_semaphore, #tpu.memory_space<semaphore_mem>>) src(%dma_wait3A_51 : memref<10240x128xf32, #tpu.memory_space<hbm>>) dst(%arg8 : memref<128x128xf32, #tpu.memory_space<vmem>>)
      "tpu.region"() ({
        %run_scoped3A = tpu.sem_alloc : memref<!tpu.dma_semaphore, #tpu.memory_space<semaphore_mem>>
        %dma_start3A_53 = arith.constant 0 : i32
        %dma_start3A_54 = arith.constant 0 : i32
        %dma_start3A_55 = tpu.memref_slice %arg9[%dma_start3A_53, %dma_start3A_54] : memref<10240x128xf32, #tpu.memory_space<vmem_shared>> -> memref<10240x128xf32, #tpu.memory_space<vmem_shared>>
        tpu.enqueue_indirect_dma source(%arg8 : memref<128x128xf32, #tpu.memory_space<vmem>>) target(%dma_start3A_55 : memref<10240x128xf32, #tpu.memory_space<vmem_shared>>) offsets(%arg7 : memref<128xi32, #tpu.memory_space<vmem>>) semaphore(%run_scoped3A : memref<!tpu.dma_semaphore, #tpu.memory_space<semaphore_mem>>) {add = true}
        %dma_wait3A_56 = arith.constant 0 : i32
        %dma_wait3A_57 = arith.constant 0 : i32
        %dma_wait3A_58 = tpu.memref_slice %arg9[%dma_wait3A_56, %dma_wait3A_57] : memref<10240x128xf32, #tpu.memory_space<vmem_shared>> -> memref<10240x128xf32, #tpu.memory_space<vmem_shared>>
        tpu.wait_indirect_dma semaphore(%run_scoped3A : memref<!tpu.dma_semaphore, #tpu.memory_space<semaphore_mem>>) src(%arg8 : memref<128x128xf32, #tpu.memory_space<vmem>>) dst(%dma_wait3A_58 : memref<10240x128xf32, #tpu.memory_space<vmem_shared>>)
        tpu.yield
      }) : () -> ()
      %while3A_52 = arith.constant 0 : i32
      scf.yield %while3A_52 : i32
    }
    %barrier3A_38 = arith.constant 0 : index
    tpu.barrier barrier_id(%barrier3A_38)
    %mul3A_39 = arith.constant 640 : i32
    %mul3A_40 = arith.muli %arg1, %mul3A_39 : i32
    %mul3A_41 = arith.constant 640 : i32
    %mul3A_42 = arith.muli %arg1, %mul3A_41 : i32
    "tpu.region"() ({
      %run_scoped3A = tpu.sem_alloc : memref<!tpu.dma_semaphore, #tpu.memory_space<semaphore_mem>>
      %dma_start3A = arith.constant 0 : i32
      %dma_start3A_43 = tpu.memref_slice %arg5[%arg0, %mul3A_42, %dma_start3A] : memref<2x10240x128xf32, #tpu.memory_space<hbm>> -> memref<1x640x128xf32, #tpu.memory_space<hbm>>
      %dma_start3A_44 = tpu.memref_squeeze %dma_start3A_43 : memref<1x640x128xf32, #tpu.memory_space<hbm>> -> memref<640x128xf32, #tpu.memory_space<hbm>>
      %dma_start3A_45 = arith.constant 0 : i32
      %dma_start3A_46 = tpu.memref_slice %arg9[%mul3A_40, %dma_start3A_45] : memref<10240x128xf32, #tpu.memory_space<vmem_shared>> -> memref<640x128xf32, #tpu.memory_space<vmem_shared>>
      tpu.enqueue_dma source(%dma_start3A_46 : memref<640x128xf32, #tpu.memory_space<vmem_shared>>) target(%dma_start3A_44 : memref<640x128xf32, #tpu.memory_space<hbm>>) target_semaphore(%run_scoped3A : memref<!tpu.dma_semaphore, #tpu.memory_space<semaphore_mem>>)
      %dma_wait3A = arith.constant 0 : i32
      %dma_wait3A_47 = tpu.memref_slice %arg5[%arg0, %mul3A_42, %dma_wait3A] : memref<2x10240x128xf32, #tpu.memory_space<hbm>> -> memref<1x640x128xf32, #tpu.memory_space<hbm>>
      %dma_wait3A_48 = tpu.memref_squeeze %dma_wait3A_47 : memref<1x640x128xf32, #tpu.memory_space<hbm>> -> memref<640x128xf32, #tpu.memory_space<hbm>>
      %dma_wait3A_49 = arith.constant 0 : i32
      %dma_wait3A_50 = tpu.memref_slice %arg9[%mul3A_40, %dma_wait3A_49] : memref<10240x128xf32, #tpu.memory_space<vmem_shared>> -> memref<640x128xf32, #tpu.memory_space<vmem_shared>>
      tpu.wait_dma2 semaphore(%run_scoped3A : memref<!tpu.dma_semaphore, #tpu.memory_space<semaphore_mem>>) src(%dma_wait3A_50 : memref<640x128xf32, #tpu.memory_space<vmem_shared>>) dst(%dma_wait3A_48 : memref<640x128xf32, #tpu.memory_space<hbm>>)
      tpu.yield
    }) : () -> ()
    return
  }
}

#map = affine_map<(d0, d1) -> (0, 0)>
#map1 = affine_map<(d0, d1) -> (0)>
#map2 = affine_map<(d0, d1) -> (0, 0, 0)>
module attributes {stable_mosaic.version = 14 : i64} {
  func.func @body(%arg0: i32, %arg1: i32, %arg2: memref<10240x128xf32, #tpu.memory_space<hbm>>, %arg3: memref<323584xi32, #tpu.memory_space<hbm>>, %arg4: memref<323584xi32, #tpu.memory_space<hbm>>, %arg5: memref<2x10240x128xf32, #tpu.memory_space<hbm>>, %arg6: memref<128xi32, #tpu.memory_space<vmem>>, %arg7: memref<128xi32, #tpu.memory_space<vmem>>, %arg8: memref<128x128xf32, #tpu.memory_space<vmem>>, %arg9: memref<10240x128xf32, #tpu.memory_space<vmem_shared>>, %arg10: memref<!tpu.dma_semaphore, #tpu.memory_space<semaphore_mem>>) attributes {dimension_semantics = [#tpu.dimension_semantics<core_parallel>, #tpu.dimension_semantics<subcore_parallel>], iteration_bounds = array<i64: 2, 16>, scalar_prefetch = 0 : i64, scratch_operands = 5 : i64, tpu.core_type = #tpu.core_type<sc_vector_subcore>, window_params = [{transform_indices = #map}, {transform_indices = #map1}, {transform_indices = #map1}, {transform_indices = #map2}]} {
    %mul3A = arith.constant 2 : i32
    %mul3A_0 = arith.muli %arg1, %mul3A : i32
    %add3A = arith.addi %mul3A_0, %arg0 : i32
    %scan3A = arith.constant 0 : i32
    %scan3A_1 = arith.constant 0 : i32
    %scan3A_2 = arith.constant 128 : i32
    %scan3A_3 = arith.addi %scan3A_1, %scan3A_2 : i32
    %scan3A_4 = arith.constant 1 : i32
    %scan3A_5 = scf.for %scan3A_43 = %scan3A_1 to %scan3A_3 step %scan3A_4 iter_args(%scan3A_44 = %scan3A) -> (i32)  : i32 {
      %broadcast_in_dim3A = arith.constant 0.000000e+00 : f32
      %broadcast_in_dim3A_45 = vector.broadcast %broadcast_in_dim3A : f32 to vector<16xf32>
      %swap3A = arith.index_cast %scan3A_43 : i32 to index
      %swap3A_46 = arith.constant 0 : index
      %swap3A_47 = tpu.vector_load %arg8[%swap3A, %swap3A_46] {strides = array<i32>} : memref<128x128xf32, #tpu.memory_space<vmem>>, vector<1x16xf32>,
      %swap3A_48 = vector.shape_cast %swap3A_47 : vector<1x16xf32> to vector<16xf32>
      %swap3A_49 = vector.shape_cast %broadcast_in_dim3A_45 : vector<16xf32> to vector<1x16xf32>
      tpu.vector_store %arg8[%swap3A, %swap3A_46], %swap3A_49 {strides = array<i32>} : memref<128x128xf32, #tpu.memory_space<vmem>>, vector<1x16xf32>,
      %broadcast_in_dim3A_50 = arith.constant 0.000000e+00 : f32
      %broadcast_in_dim3A_51 = vector.broadcast %broadcast_in_dim3A_50 : f32 to vector<16xf32>
      %swap3A_52 = arith.index_cast %scan3A_43 : i32 to index
      %swap3A_53 = arith.constant 16 : index
      %swap3A_54 = tpu.vector_load %arg8[%swap3A_52, %swap3A_53] {strides = array<i32>} : memref<128x128xf32, #tpu.memory_space<vmem>>, vector<1x16xf32>,
      %swap3A_55 = vector.shape_cast %swap3A_54 : vector<1x16xf32> to vector<16xf32>
      %swap3A_56 = vector.shape_cast %broadcast_in_dim3A_51 : vector<16xf32> to vector<1x16xf32>
      tpu.vector_store %arg8[%swap3A_52, %swap3A_53], %swap3A_56 {strides = array<i32>} : memref<128x128xf32, #tpu.memory_space<vmem>>, vector<1x16xf32>,
      %broadcast_in_dim3A_57 = arith.constant 0.000000e+00 : f32
      %broadcast_in_dim3A_58 = vector.broadcast %broadcast_in_dim3A_57 : f32 to vector<16xf32>
      %swap3A_59 = arith.index_cast %scan3A_43 : i32 to index
      %swap3A_60 = arith.constant 32 : index
      %swap3A_61 = tpu.vector_load %arg8[%swap3A_59, %swap3A_60] {strides = array<i32>} : memref<128x128xf32, #tpu.memory_space<vmem>>, vector<1x16xf32>,
      %swap3A_62 = vector.shape_cast %swap3A_61 : vector<1x16xf32> to vector<16xf32>
      %swap3A_63 = vector.shape_cast %broadcast_in_dim3A_58 : vector<16xf32> to vector<1x16xf32>
      tpu.vector_store %arg8[%swap3A_59, %swap3A_60], %swap3A_63 {strides = array<i32>} : memref<128x128xf32, #tpu.memory_space<vmem>>, vector<1x16xf32>,
      %broadcast_in_dim3A_64 = arith.constant 0.000000e+00 : f32
      %broadcast_in_dim3A_65 = vector.broadcast %broadcast_in_dim3A_64 : f32 to vector<16xf32>
      %swap3A_66 = arith.index_cast %scan3A_43 : i32 to index
      %swap3A_67 = arith.constant 48 : index
      %swap3A_68 = tpu.vector_load %arg8[%swap3A_66, %swap3A_67] {strides = array<i32>} : memref<128x128xf32, #tpu.memory_space<vmem>>, vector<1x16xf32>,
      %swap3A_69 = vector.shape_cast %swap3A_68 : vector<1x16xf32> to vector<16xf32>
      %swap3A_70 = vector.shape_cast %broadcast_in_dim3A_65 : vector<16xf32> to vector<1x16xf32>
      tpu.vector_store %arg8[%swap3A_66, %swap3A_67], %swap3A_70 {strides = array<i32>} : memref<128x128xf32, #tpu.memory_space<vmem>>, vector<1x16xf32>,
      %broadcast_in_dim3A_71 = arith.constant 0.000000e+00 : f32
      %broadcast_in_dim3A_72 = vector.broadcast %broadcast_in_dim3A_71 : f32 to vector<16xf32>
      %swap3A_73 = arith.index_cast %scan3A_43 : i32 to index
      %swap3A_74 = arith.constant 64 : index
      %swap3A_75 = tpu.vector_load %arg8[%swap3A_73, %swap3A_74] {strides = array<i32>} : memref<128x128xf32, #tpu.memory_space<vmem>>, vector<1x16xf32>,
      %swap3A_76 = vector.shape_cast %swap3A_75 : vector<1x16xf32> to vector<16xf32>
      %swap3A_77 = vector.shape_cast %broadcast_in_dim3A_72 : vector<16xf32> to vector<1x16xf32>
      tpu.vector_store %arg8[%swap3A_73, %swap3A_74], %swap3A_77 {strides = array<i32>} : memref<128x128xf32, #tpu.memory_space<vmem>>, vector<1x16xf32>,
      %broadcast_in_dim3A_78 = arith.constant 0.000000e+00 : f32
      %broadcast_in_dim3A_79 = vector.broadcast %broadcast_in_dim3A_78 : f32 to vector<16xf32>
      %swap3A_80 = arith.index_cast %scan3A_43 : i32 to index
      %swap3A_81 = arith.constant 80 : index
      %swap3A_82 = tpu.vector_load %arg8[%swap3A_80, %swap3A_81] {strides = array<i32>} : memref<128x128xf32, #tpu.memory_space<vmem>>, vector<1x16xf32>,
      %swap3A_83 = vector.shape_cast %swap3A_82 : vector<1x16xf32> to vector<16xf32>
      %swap3A_84 = vector.shape_cast %broadcast_in_dim3A_79 : vector<16xf32> to vector<1x16xf32>
      tpu.vector_store %arg8[%swap3A_80, %swap3A_81], %swap3A_84 {strides = array<i32>} : memref<128x128xf32, #tpu.memory_space<vmem>>, vector<1x16xf32>,
      %broadcast_in_dim3A_85 = arith.constant 0.000000e+00 : f32
      %broadcast_in_dim3A_86 = vector.broadcast %broadcast_in_dim3A_85 : f32 to vector<16xf32>
      %swap3A_87 = arith.index_cast %scan3A_43 : i32 to index
      %swap3A_88 = arith.constant 96 : index
      %swap3A_89 = tpu.vector_load %arg8[%swap3A_87, %swap3A_88] {strides = array<i32>} : memref<128x128xf32, #tpu.memory_space<vmem>>, vector<1x16xf32>,
      %swap3A_90 = vector.shape_cast %swap3A_89 : vector<1x16xf32> to vector<16xf32>
      %swap3A_91 = vector.shape_cast %broadcast_in_dim3A_86 : vector<16xf32> to vector<1x16xf32>
      tpu.vector_store %arg8[%swap3A_87, %swap3A_88], %swap3A_91 {strides = array<i32>} : memref<128x128xf32, #tpu.memory_space<vmem>>, vector<1x16xf32>,
      %broadcast_in_dim3A_92 = arith.constant 0.000000e+00 : f32
      %broadcast_in_dim3A_93 = vector.broadcast %broadcast_in_dim3A_92 : f32 to vector<16xf32>
      %swap3A_94 = arith.index_cast %scan3A_43 : i32 to index
      %swap3A_95 = arith.constant 112 : index
      %swap3A_96 = tpu.vector_load %arg8[%swap3A_94, %swap3A_95] {strides = array<i32>} : memref<128x128xf32, #tpu.memory_space<vmem>>, vector<1x16xf32>,
      %swap3A_97 = vector.shape_cast %swap3A_96 : vector<1x16xf32> to vector<16xf32>
      %swap3A_98 = vector.shape_cast %broadcast_in_dim3A_93 : vector<16xf32> to vector<1x16xf32>
      tpu.vector_store %arg8[%swap3A_94, %swap3A_95], %swap3A_98 {strides = array<i32>} : memref<128x128xf32, #tpu.memory_space<vmem>>, vector<1x16xf32>,
      %scan3A_99 = arith.constant 0 : i32
      scf.yield %scan3A_99 : i32
    }
    %scan3A_6 = arith.constant 128 : i32
    %scan3A_7 = arith.constant 0 : i32
    %scan3A_8 = arith.constant 0 : i32
    %scan3A_9 = arith.constant 5 : i32
    %scan3A_10 = arith.addi %scan3A_8, %scan3A_9 : i32
    %scan3A_11 = arith.constant 1 : i32
    %scan3A_12 = scf.for %scan3A_43 = %scan3A_8 to %scan3A_10 step %scan3A_11 iter_args(%scan3A_44 = %scan3A_7) -> (i32)  : i32 {
      %mul3A_45 = arith.constant 640 : i32
      %mul3A_46 = arith.muli %arg1, %mul3A_45 : i32
      %mul3A_47 = arith.constant 128 : i32
      %mul3A_48 = arith.muli %scan3A_43, %mul3A_47 : i32
      %add3A_49 = arith.addi %mul3A_46, %mul3A_48 : i32
      "tpu.region"() ({
        %run_scoped3A = tpu.sem_alloc : memref<!tpu.dma_semaphore, #tpu.memory_space<semaphore_mem>>
        %dma_start3A = arith.constant 0 : i32
        %dma_start3A_51 = tpu.memref_slice %arg9[%add3A_49, %dma_start3A] : memref<10240x128xf32, #tpu.memory_space<vmem_shared>> -> memref<128x128xf32, #tpu.memory_space<vmem_shared>>
        %dma_start3A_52 = arith.constant 0 : i32
        %dma_start3A_53 = tpu.memref_slice %arg9[%add3A_49, %dma_start3A_52] : memref<10240x128xf32, #tpu.memory_space<vmem_shared>> -> memref<128x128xf32, #tpu.memory_space<vmem_shared>>
        tpu.enqueue_dma source(%arg8 : memref<128x128xf32, #tpu.memory_space<vmem>>) target(%dma_start3A_53 : memref<128x128xf32, #tpu.memory_space<vmem_shared>>) target_semaphore(%run_scoped3A : memref<!tpu.dma_semaphore, #tpu.memory_space<semaphore_mem>>)
        %dma_wait3A = arith.constant 0 : i32
        %dma_wait3A_54 = tpu.memref_slice %arg9[%add3A_49, %dma_wait3A] : memref<10240x128xf32, #tpu.memory_space<vmem_shared>> -> memref<128x128xf32, #tpu.memory_space<vmem_shared>>
        %dma_wait3A_55 = arith.constant 0 : i32
        %dma_wait3A_56 = tpu.memref_slice %arg9[%add3A_49, %dma_wait3A_55] : memref<10240x128xf32, #tpu.memory_space<vmem_shared>> -> memref<128x128xf32, #tpu.memory_space<vmem_shared>>
        tpu.wait_dma2 semaphore(%run_scoped3A : memref<!tpu.dma_semaphore, #tpu.memory_space<semaphore_mem>>) src(%arg8 : memref<128x128xf32, #tpu.memory_space<vmem>>) dst(%dma_wait3A_56 : memref<128x128xf32, #tpu.memory_space<vmem_shared>>)
        tpu.yield
      }) : () -> ()
      %scan3A_50 = arith.constant 0 : i32
      scf.yield %scan3A_50 : i32
    }
    %scan3A_13 = arith.constant 5 : i32
    %barrier3A = arith.constant 0 : index
    tpu.barrier barrier_id(%barrier3A)
    %eq3A = arith.constant 0 : i32
    %eq3A_14 = arith.cmpi eq, %arg0, %eq3A : i32
    %jit3A = arith.constant 96 : i32
    %jit3A_15 = arith.constant 62 : i32
    %select_n3A = arith.select %eq3A_14, %jit3A, %jit3A_15 : i32
    %eq3A_16 = arith.constant 0 : i32
    %eq3A_17 = arith.cmpi eq, %arg0, %eq3A_16 : i32
    %mul3A_18 = arith.constant 96 : i32
    %mul3A_19 = arith.muli %arg1, %mul3A_18 : i32
    %mul3A_20 = arith.constant 62 : i32
    %mul3A_21 = arith.muli %arg1, %mul3A_20 : i32
    %add3A_22 = arith.constant 1536 : i32
    %add3A_23 = arith.addi %add3A_22, %mul3A_21 : i32
    %select_n3A_24 = arith.select %eq3A_17, %mul3A_19, %add3A_23 : i32
    %mul3A_25 = arith.constant 128 : i32
    %mul3A_26 = arith.muli %select_n3A_24, %mul3A_25 : i32
    %while3A = arith.constant 0 : i32
    %while3A_27 = arith.constant 0 : i32
    %while3A_28 = arith.subi %select_n3A, %while3A : i32
    %while3A_29 = arith.addi %while3A, %while3A_28 : i32
    %while3A_30 = arith.constant 1 : i32
    %while3A_31 = arith.divsi %while3A_28, %while3A_30 : i32
    %while3A_32 = arith.muli %while3A_31, %while3A_30 : i32
    %while3A_33 = arith.addi %while3A, %while3A_32 : i32
    %while3A_34 = arith.constant 1 : i32
    %while3A_35 = scf.for %while3A_43 = %while3A to %while3A_33 step %while3A_34 iter_args(%while3A_44 = %while3A_27) -> (i32)  : i32 {
      %mul3A_45 = arith.constant 128 : i32
      %mul3A_46 = arith.muli %while3A_43, %mul3A_45 : i32
      %add3A_47 = arith.addi %mul3A_26, %mul3A_46 : i32
      %multiple_of3A = tpu.assume_multiple %add3A_47, 8 : i32
      "tpu.region"() ({
        %run_scoped3A = tpu.sem_alloc : memref<!tpu.dma_semaphore, #tpu.memory_space<semaphore_mem>>
        %dma_start3A_53 = tpu.memref_slice %arg3[%multiple_of3A] : memref<323584xi32, #tpu.memory_space<hbm>> -> memref<128xi32, #tpu.memory_space<hbm>>
        %dma_start3A_54 = tpu.memref_slice %arg3[%multiple_of3A] : memref<323584xi32, #tpu.memory_space<hbm>> -> memref<128xi32, #tpu.memory_space<hbm>>
        tpu.enqueue_dma source(%dma_start3A_54 : memref<128xi32, #tpu.memory_space<hbm>>) target(%arg6 : memref<128xi32, #tpu.memory_space<vmem>>) target_semaphore(%run_scoped3A : memref<!tpu.dma_semaphore, #tpu.memory_space<semaphore_mem>>)
        %dma_wait3A_55 = tpu.memref_slice %arg3[%multiple_of3A] : memref<323584xi32, #tpu.memory_space<hbm>> -> memref<128xi32, #tpu.memory_space<hbm>>
        %dma_wait3A_56 = tpu.memref_slice %arg3[%multiple_of3A] : memref<323584xi32, #tpu.memory_space<hbm>> -> memref<128xi32, #tpu.memory_space<hbm>>
        tpu.wait_dma2 semaphore(%run_scoped3A : memref<!tpu.dma_semaphore, #tpu.memory_space<semaphore_mem>>) src(%dma_wait3A_56 : memref<128xi32, #tpu.memory_space<hbm>>) dst(%arg6 : memref<128xi32, #tpu.memory_space<vmem>>)
        tpu.yield
      }) : () -> ()
      "tpu.region"() ({
        %run_scoped3A = tpu.sem_alloc : memref<!tpu.dma_semaphore, #tpu.memory_space<semaphore_mem>>
        %dma_start3A_53 = tpu.memref_slice %arg4[%multiple_of3A] : memref<323584xi32, #tpu.memory_space<hbm>> -> memref<128xi32, #tpu.memory_space<hbm>>
        %dma_start3A_54 = tpu.memref_slice %arg4[%multiple_of3A] : memref<323584xi32, #tpu.memory_space<hbm>> -> memref<128xi32, #tpu.memory_space<hbm>>
        tpu.enqueue_dma source(%dma_start3A_54 : memref<128xi32, #tpu.memory_space<hbm>>) target(%arg7 : memref<128xi32, #tpu.memory_space<vmem>>) target_semaphore(%run_scoped3A : memref<!tpu.dma_semaphore, #tpu.memory_space<semaphore_mem>>)
        %dma_wait3A_55 = tpu.memref_slice %arg4[%multiple_of3A] : memref<323584xi32, #tpu.memory_space<hbm>> -> memref<128xi32, #tpu.memory_space<hbm>>
        %dma_wait3A_56 = tpu.memref_slice %arg4[%multiple_of3A] : memref<323584xi32, #tpu.memory_space<hbm>> -> memref<128xi32, #tpu.memory_space<hbm>>
        tpu.wait_dma2 semaphore(%run_scoped3A : memref<!tpu.dma_semaphore, #tpu.memory_space<semaphore_mem>>) src(%dma_wait3A_56 : memref<128xi32, #tpu.memory_space<hbm>>) dst(%arg7 : memref<128xi32, #tpu.memory_space<vmem>>)
        tpu.yield
      }) : () -> ()
      %dma_start3A = arith.constant 0 : i32
      %dma_start3A_48 = arith.constant 0 : i32
      %dma_start3A_49 = tpu.memref_slice %arg2[%dma_start3A, %dma_start3A_48] : memref<10240x128xf32, #tpu.memory_space<hbm>> -> memref<10240x128xf32, #tpu.memory_space<hbm>>
      tpu.enqueue_indirect_dma source(%dma_start3A_49 : memref<10240x128xf32, #tpu.memory_space<hbm>>) target(%arg8 : memref<128x128xf32, #tpu.memory_space<vmem>>) offsets(%arg6 : memref<128xi32, #tpu.memory_space<vmem>>) semaphore(%arg10 : memref<!tpu.dma_semaphore, #tpu.memory_space<semaphore_mem>>)
      %dma_wait3A = arith.constant 0 : i32
      %dma_wait3A_50 = arith.constant 0 : i32
      %dma_wait3A_51 = tpu.memref_slice %arg2[%dma_wait3A, %dma_wait3A_50] : memref<10240x128xf32, #tpu.memory_space<hbm>> -> memref<10240x128xf32, #tpu.memory_space<hbm>>
      tpu.wait_indirect_dma semaphore(%arg10 : memref<!tpu.dma_semaphore, #tpu.memory_space<semaphore_mem>>) src(%dma_wait3A_51 : memref<10240x128xf32, #tpu.memory_space<hbm>>) dst(%arg8 : memref<128x128xf32, #tpu.memory_space<vmem>>)
      "tpu.region"() ({
        %run_scoped3A = tpu.sem_alloc : memref<!tpu.dma_semaphore, #tpu.memory_space<semaphore_mem>>
        %dma_start3A_53 = arith.constant 0 : i32
        %dma_start3A_54 = arith.constant 0 : i32
        %dma_start3A_55 = tpu.memref_slice %arg9[%dma_start3A_53, %dma_start3A_54] : memref<10240x128xf32, #tpu.memory_space<vmem_shared>> -> memref<10240x128xf32, #tpu.memory_space<vmem_shared>>
        tpu.enqueue_indirect_dma source(%arg8 : memref<128x128xf32, #tpu.memory_space<vmem>>) target(%dma_start3A_55 : memref<10240x128xf32, #tpu.memory_space<vmem_shared>>) offsets(%arg7 : memref<128xi32, #tpu.memory_space<vmem>>) semaphore(%run_scoped3A : memref<!tpu.dma_semaphore, #tpu.memory_space<semaphore_mem>>) {add = true}
        %dma_wait3A_56 = arith.constant 0 : i32
        %dma_wait3A_57 = arith.constant 0 : i32
        %dma_wait3A_58 = tpu.memref_slice %arg9[%dma_wait3A_56, %dma_wait3A_57] : memref<10240x128xf32, #tpu.memory_space<vmem_shared>> -> memref<10240x128xf32, #tpu.memory_space<vmem_shared>>
        tpu.wait_indirect_dma semaphore(%run_scoped3A : memref<!tpu.dma_semaphore, #tpu.memory_space<semaphore_mem>>) src(%arg8 : memref<128x128xf32, #tpu.memory_space<vmem>>) dst(%dma_wait3A_58 : memref<10240x128xf32, #tpu.memory_space<vmem_shared>>)
        tpu.yield
      }) : () -> ()
      %while3A_52 = arith.constant 0 : i32
      scf.yield %while3A_52 : i32
    }
    %while3A_36 = arith.constant 1 : i32
    %while3A_37 = scf.for %while3A_43 = %while3A_33 to %while3A_29 step %while3A_36 iter_args(%while3A_44 = %while3A_35) -> (i32)  : i32 {
      %mul3A_45 = arith.constant 128 : i32
      %mul3A_46 = arith.muli %while3A_43, %mul3A_45 : i32
      %add3A_47 = arith.addi %mul3A_26, %mul3A_46 : i32
      %multiple_of3A = tpu.assume_multiple %add3A_47, 8 : i32
      "tpu.region"() ({
        %run_scoped3A = tpu.sem_alloc : memref<!tpu.dma_semaphore, #tpu.memory_space<semaphore_mem>>
        %dma_start3A_53 = tpu.memref_slice %arg3[%multiple_of3A] : memref<323584xi32, #tpu.memory_space<hbm>> -> memref<128xi32, #tpu.memory_space<hbm>>
        %dma_start3A_54 = tpu.memref_slice %arg3[%multiple_of3A] : memref<323584xi32, #tpu.memory_space<hbm>> -> memref<128xi32, #tpu.memory_space<hbm>>
        tpu.enqueue_dma source(%dma_start3A_54 : memref<128xi32, #tpu.memory_space<hbm>>) target(%arg6 : memref<128xi32, #tpu.memory_space<vmem>>) target_semaphore(%run_scoped3A : memref<!tpu.dma_semaphore, #tpu.memory_space<semaphore_mem>>)
        %dma_wait3A_55 = tpu.memref_slice %arg3[%multiple_of3A] : memref<323584xi32, #tpu.memory_space<hbm>> -> memref<128xi32, #tpu.memory_space<hbm>>
        %dma_wait3A_56 = tpu.memref_slice %arg3[%multiple_of3A] : memref<323584xi32, #tpu.memory_space<hbm>> -> memref<128xi32, #tpu.memory_space<hbm>>
        tpu.wait_dma2 semaphore(%run_scoped3A : memref<!tpu.dma_semaphore, #tpu.memory_space<semaphore_mem>>) src(%dma_wait3A_56 : memref<128xi32, #tpu.memory_space<hbm>>) dst(%arg6 : memref<128xi32, #tpu.memory_space<vmem>>)
        tpu.yield
      }) : () -> ()
      "tpu.region"() ({
        %run_scoped3A = tpu.sem_alloc : memref<!tpu.dma_semaphore, #tpu.memory_space<semaphore_mem>>
        %dma_start3A_53 = tpu.memref_slice %arg4[%multiple_of3A] : memref<323584xi32, #tpu.memory_space<hbm>> -> memref<128xi32, #tpu.memory_space<hbm>>
        %dma_start3A_54 = tpu.memref_slice %arg4[%multiple_of3A] : memref<323584xi32, #tpu.memory_space<hbm>> -> memref<128xi32, #tpu.memory_space<hbm>>
        tpu.enqueue_dma source(%dma_start3A_54 : memref<128xi32, #tpu.memory_space<hbm>>) target(%arg7 : memref<128xi32, #tpu.memory_space<vmem>>) target_semaphore(%run_scoped3A : memref<!tpu.dma_semaphore, #tpu.memory_space<semaphore_mem>>)
        %dma_wait3A_55 = tpu.memref_slice %arg4[%multiple_of3A] : memref<323584xi32, #tpu.memory_space<hbm>> -> memref<128xi32, #tpu.memory_space<hbm>>
        %dma_wait3A_56 = tpu.memref_slice %arg4[%multiple_of3A] : memref<323584xi32, #tpu.memory_space<hbm>> -> memref<128xi32, #tpu.memory_space<hbm>>
        tpu.wait_dma2 semaphore(%run_scoped3A : memref<!tpu.dma_semaphore, #tpu.memory_space<semaphore_mem>>) src(%dma_wait3A_56 : memref<128xi32, #tpu.memory_space<hbm>>) dst(%arg7 : memref<128xi32, #tpu.memory_space<vmem>>)
        tpu.yield
      }) : () -> ()
      %dma_start3A = arith.constant 0 : i32
      %dma_start3A_48 = arith.constant 0 : i32
      %dma_start3A_49 = tpu.memref_slice %arg2[%dma_start3A, %dma_start3A_48] : memref<10240x128xf32, #tpu.memory_space<hbm>> -> memref<10240x128xf32, #tpu.memory_space<hbm>>
      tpu.enqueue_indirect_dma source(%dma_start3A_49 : memref<10240x128xf32, #tpu.memory_space<hbm>>) target(%arg8 : memref<128x128xf32, #tpu.memory_space<vmem>>) offsets(%arg6 : memref<128xi32, #tpu.memory_space<vmem>>) semaphore(%arg10 : memref<!tpu.dma_semaphore, #tpu.memory_space<semaphore_mem>>)
      %dma_wait3A = arith.constant 0 : i32
      %dma_wait3A_50 = arith.constant 0 : i32
      %dma_wait3A_51 = tpu.memref_slice %arg2[%dma_wait3A, %dma_wait3A_50] : memref<10240x128xf32, #tpu.memory_space<hbm>> -> memref<10240x128xf32, #tpu.memory_space<hbm>>
      tpu.wait_indirect_dma semaphore(%arg10 : memref<!tpu.dma_semaphore, #tpu.memory_space<semaphore_mem>>) src(%dma_wait3A_51 : memref<10240x128xf32, #tpu.memory_space<hbm>>) dst(%arg8 : memref<128x128xf32, #tpu.memory_space<vmem>>)
      "tpu.region"() ({
        %run_scoped3A = tpu.sem_alloc : memref<!tpu.dma_semaphore, #tpu.memory_space<semaphore_mem>>
        %dma_start3A_53 = arith.constant 0 : i32
        %dma_start3A_54 = arith.constant 0 : i32
        %dma_start3A_55 = tpu.memref_slice %arg9[%dma_start3A_53, %dma_start3A_54] : memref<10240x128xf32, #tpu.memory_space<vmem_shared>> -> memref<10240x128xf32, #tpu.memory_space<vmem_shared>>
        tpu.enqueue_indirect_dma source(%arg8 : memref<128x128xf32, #tpu.memory_space<vmem>>) target(%dma_start3A_55 : memref<10240x128xf32, #tpu.memory_space<vmem_shared>>) offsets(%arg7 : memref<128xi32, #tpu.memory_space<vmem>>) semaphore(%run_scoped3A : memref<!tpu.dma_semaphore, #tpu.memory_space<semaphore_mem>>) {add = true}
        %dma_wait3A_56 = arith.constant 0 : i32
        %dma_wait3A_57 = arith.constant 0 : i32
        %dma_wait3A_58 = tpu.memref_slice %arg9[%dma_wait3A_56, %dma_wait3A_57] : memref<10240x128xf32, #tpu.memory_space<vmem_shared>> -> memref<10240x128xf32, #tpu.memory_space<vmem_shared>>
        tpu.wait_indirect_dma semaphore(%run_scoped3A : memref<!tpu.dma_semaphore, #tpu.memory_space<semaphore_mem>>) src(%arg8 : memref<128x128xf32, #tpu.memory_space<vmem>>) dst(%dma_wait3A_58 : memref<10240x128xf32, #tpu.memory_space<vmem_shared>>)
        tpu.yield
      }) : () -> ()
      %while3A_52 = arith.constant 0 : i32
      scf.yield %while3A_52 : i32
    }
    %barrier3A_38 = arith.constant 0 : index
    tpu.barrier barrier_id(%barrier3A_38)
    %mul3A_39 = arith.constant 640 : i32
    %mul3A_40 = arith.muli %arg1, %mul3A_39 : i32
    %mul3A_41 = arith.constant 640 : i32
    %mul3A_42 = arith.muli %arg1, %mul3A_41 : i32
    "tpu.region"() ({
      %run_scoped3A = tpu.sem_alloc : memref<!tpu.dma_semaphore, #tpu.memory_space<semaphore_mem>>
      %dma_start3A = arith.constant 0 : i32
      %dma_start3A_43 = tpu.memref_slice %arg5[%arg0, %mul3A_42, %dma_start3A] : memref<2x10240x128xf32, #tpu.memory_space<hbm>> -> memref<1x640x128xf32, #tpu.memory_space<hbm>>
      %dma_start3A_44 = tpu.memref_squeeze %dma_start3A_43 : memref<1x640x128xf32, #tpu.memory_space<hbm>> -> memref<640x128xf32, #tpu.memory_space<hbm>>
      %dma_start3A_45 = arith.constant 0 : i32
      %dma_start3A_46 = tpu.memref_slice %arg9[%mul3A_40, %dma_start3A_45] : memref<10240x128xf32, #tpu.memory_space<vmem_shared>> -> memref<640x128xf32, #tpu.memory_space<vmem_shared>>
      tpu.enqueue_dma source(%dma_start3A_46 : memref<640x128xf32, #tpu.memory_space<vmem_shared>>) target(%dma_start3A_44 : memref<640x128xf32, #tpu.memory_space<hbm>>) target_semaphore(%run_scoped3A : memref<!tpu.dma_semaphore, #tpu.memory_space<semaphore_mem>>)
      %dma_wait3A = arith.constant 0 : i32
      %dma_wait3A_47 = tpu.memref_slice %arg5[%arg0, %mul3A_42, %dma_wait3A] : memref<2x10240x128xf32, #tpu.memory_space<hbm>> -> memref<1x640x128xf32, #tpu.memory_space<hbm>>
      %dma_wait3A_48 = tpu.memref_squeeze %dma_wait3A_47 : memref<1x640x128xf32, #tpu.memory_space<hbm>> -> memref<640x128xf32, #tpu.memory_space<hbm>>
      %dma_wait3A_49 = arith.constant 0 : i32
      %dma_wait3A_50 = tpu.memref_slice %arg9[%mul3A_40, %dma_wait3A_49] : memref<10240x128xf32, #tpu.memory_space<vmem_shared>> -> memref<640x128xf32, #tpu.memory_space<vmem_shared>>
      tpu.wait_dma2 semaphore(%run_scoped3A : memref<!tpu.dma_semaphore, #tpu.memory_space<semaphore_mem>>) src(%dma_wait3A_50 : memref<640x128xf32, #tpu.memory_space<vmem_shared>>) dst(%dma_wait3A_48 : memref<640x128xf32, #tpu.memory_space<hbm>>)
      tpu.yield
    }) : () -> ()
    return
  }
}

#map = affine_map<(d0, d1) -> (0)>
#map1 = affine_map<(d0, d1) -> (0, 0, 0)>
module attributes {stable_mosaic.version = 14 : i64} {
  func.func @body(%arg0: i32, %arg1: i32, %arg2: memref<323584xi32, #tpu.memory_space<hbm>>, %arg3: memref<2x10240x128xf32, #tpu.memory_space<hbm>>, %arg4: memref<128xi32, #tpu.memory_space<vmem>>, %arg5: memref<128x128xf32, #tpu.memory_space<vmem>>, %arg6: memref<10240x128xf32, #tpu.memory_space<vmem_shared>>, %arg7: memref<!tpu.dma_semaphore, #tpu.memory_space<semaphore_mem>>) attributes {dimension_semantics = [#tpu.dimension_semantics<core_parallel>, #tpu.dimension_semantics<subcore_parallel>], iteration_bounds = array<i64: 2, 16>, scalar_prefetch = 0 : i64, scratch_operands = 4 : i64, tpu.core_type = #tpu.core_type<sc_vector_subcore>, window_params = [{transform_indices = #map}, {transform_indices = #map1}]} {
    %mul3A = arith.constant 2 : i32
    %mul3A_0 = arith.muli %arg1, %mul3A : i32
    %add3A = arith.addi %mul3A_0, %arg0 : i32
    %scan3A = arith.constant 0 : i32
    %scan3A_1 = arith.constant 0 : i32
    %scan3A_2 = arith.constant 128 : i32
    %scan3A_3 = arith.addi %scan3A_1, %scan3A_2 : i32
    %scan3A_4 = arith.constant 1 : i32
    %scan3A_5 = scf.for %scan3A_35 = %scan3A_1 to %scan3A_3 step %scan3A_4 iter_args(%scan3A_36 = %scan3A) -> (i32)  : i32 {
      %broadcast_in_dim3A = arith.constant 0.000000e+00 : f32
      %broadcast_in_dim3A_37 = vector.broadcast %broadcast_in_dim3A : f32 to vector<16xf32>
      %swap3A = arith.index_cast %scan3A_35 : i32 to index
      %swap3A_38 = arith.constant 0 : index
      %swap3A_39 = tpu.vector_load %arg5[%swap3A, %swap3A_38] {strides = array<i32>} : memref<128x128xf32, #tpu.memory_space<vmem>>, vector<1x16xf32>,
      %swap3A_40 = vector.shape_cast %swap3A_39 : vector<1x16xf32> to vector<16xf32>
      %swap3A_41 = vector.shape_cast %broadcast_in_dim3A_37 : vector<16xf32> to vector<1x16xf32>
      tpu.vector_store %arg5[%swap3A, %swap3A_38], %swap3A_41 {strides = array<i32>} : memref<128x128xf32, #tpu.memory_space<vmem>>, vector<1x16xf32>,
      %broadcast_in_dim3A_42 = arith.constant 0.000000e+00 : f32
      %broadcast_in_dim3A_43 = vector.broadcast %broadcast_in_dim3A_42 : f32 to vector<16xf32>
      %swap3A_44 = arith.index_cast %scan3A_35 : i32 to index
      %swap3A_45 = arith.constant 16 : index
      %swap3A_46 = tpu.vector_load %arg5[%swap3A_44, %swap3A_45] {strides = array<i32>} : memref<128x128xf32, #tpu.memory_space<vmem>>, vector<1x16xf32>,
      %swap3A_47 = vector.shape_cast %swap3A_46 : vector<1x16xf32> to vector<16xf32>
      %swap3A_48 = vector.shape_cast %broadcast_in_dim3A_43 : vector<16xf32> to vector<1x16xf32>
      tpu.vector_store %arg5[%swap3A_44, %swap3A_45], %swap3A_48 {strides = array<i32>} : memref<128x128xf32, #tpu.memory_space<vmem>>, vector<1x16xf32>,
      %broadcast_in_dim3A_49 = arith.constant 0.000000e+00 : f32
      %broadcast_in_dim3A_50 = vector.broadcast %broadcast_in_dim3A_49 : f32 to vector<16xf32>
      %swap3A_51 = arith.index_cast %scan3A_35 : i32 to index
      %swap3A_52 = arith.constant 32 : index
      %swap3A_53 = tpu.vector_load %arg5[%swap3A_51, %swap3A_52] {strides = array<i32>} : memref<128x128xf32, #tpu.memory_space<vmem>>, vector<1x16xf32>,
      %swap3A_54 = vector.shape_cast %swap3A_53 : vector<1x16xf32> to vector<16xf32>
      %swap3A_55 = vector.shape_cast %broadcast_in_dim3A_50 : vector<16xf32> to vector<1x16xf32>
      tpu.vector_store %arg5[%swap3A_51, %swap3A_52], %swap3A_55 {strides = array<i32>} : memref<128x128xf32, #tpu.memory_space<vmem>>, vector<1x16xf32>,
      %broadcast_in_dim3A_56 = arith.constant 0.000000e+00 : f32
      %broadcast_in_dim3A_57 = vector.broadcast %broadcast_in_dim3A_56 : f32 to vector<16xf32>
      %swap3A_58 = arith.index_cast %scan3A_35 : i32 to index
      %swap3A_59 = arith.constant 48 : index
      %swap3A_60 = tpu.vector_load %arg5[%swap3A_58, %swap3A_59] {strides = array<i32>} : memref<128x128xf32, #tpu.memory_space<vmem>>, vector<1x16xf32>,
      %swap3A_61 = vector.shape_cast %swap3A_60 : vector<1x16xf32> to vector<16xf32>
      %swap3A_62 = vector.shape_cast %broadcast_in_dim3A_57 : vector<16xf32> to vector<1x16xf32>
      tpu.vector_store %arg5[%swap3A_58, %swap3A_59], %swap3A_62 {strides = array<i32>} : memref<128x128xf32, #tpu.memory_space<vmem>>, vector<1x16xf32>,
      %broadcast_in_dim3A_63 = arith.constant 0.000000e+00 : f32
      %broadcast_in_dim3A_64 = vector.broadcast %broadcast_in_dim3A_63 : f32 to vector<16xf32>
      %swap3A_65 = arith.index_cast %scan3A_35 : i32 to index
      %swap3A_66 = arith.constant 64 : index
      %swap3A_67 = tpu.vector_load %arg5[%swap3A_65, %swap3A_66] {strides = array<i32>} : memref<128x128xf32, #tpu.memory_space<vmem>>, vector<1x16xf32>,
      %swap3A_68 = vector.shape_cast %swap3A_67 : vector<1x16xf32> to vector<16xf32>
      %swap3A_69 = vector.shape_cast %broadcast_in_dim3A_64 : vector<16xf32> to vector<1x16xf32>
      tpu.vector_store %arg5[%swap3A_65, %swap3A_66], %swap3A_69 {strides = array<i32>} : memref<128x128xf32, #tpu.memory_space<vmem>>, vector<1x16xf32>,
      %broadcast_in_dim3A_70 = arith.constant 0.000000e+00 : f32
      %broadcast_in_dim3A_71 = vector.broadcast %broadcast_in_dim3A_70 : f32 to vector<16xf32>
      %swap3A_72 = arith.index_cast %scan3A_35 : i32 to index
      %swap3A_73 = arith.constant 80 : index
      %swap3A_74 = tpu.vector_load %arg5[%swap3A_72, %swap3A_73] {strides = array<i32>} : memref<128x128xf32, #tpu.memory_space<vmem>>, vector<1x16xf32>,
      %swap3A_75 = vector.shape_cast %swap3A_74 : vector<1x16xf32> to vector<16xf32>
      %swap3A_76 = vector.shape_cast %broadcast_in_dim3A_71 : vector<16xf32> to vector<1x16xf32>
      tpu.vector_store %arg5[%swap3A_72, %swap3A_73], %swap3A_76 {strides = array<i32>} : memref<128x128xf32, #tpu.memory_space<vmem>>, vector<1x16xf32>,
      %broadcast_in_dim3A_77 = arith.constant 0.000000e+00 : f32
      %broadcast_in_dim3A_78 = vector.broadcast %broadcast_in_dim3A_77 : f32 to vector<16xf32>
      %swap3A_79 = arith.index_cast %scan3A_35 : i32 to index
      %swap3A_80 = arith.constant 96 : index
      %swap3A_81 = tpu.vector_load %arg5[%swap3A_79, %swap3A_80] {strides = array<i32>} : memref<128x128xf32, #tpu.memory_space<vmem>>, vector<1x16xf32>,
      %swap3A_82 = vector.shape_cast %swap3A_81 : vector<1x16xf32> to vector<16xf32>
      %swap3A_83 = vector.shape_cast %broadcast_in_dim3A_78 : vector<16xf32> to vector<1x16xf32>
      tpu.vector_store %arg5[%swap3A_79, %swap3A_80], %swap3A_83 {strides = array<i32>} : memref<128x128xf32, #tpu.memory_space<vmem>>, vector<1x16xf32>,
      %broadcast_in_dim3A_84 = arith.constant 0.000000e+00 : f32
      %broadcast_in_dim3A_85 = vector.broadcast %broadcast_in_dim3A_84 : f32 to vector<16xf32>
      %swap3A_86 = arith.index_cast %scan3A_35 : i32 to index
      %swap3A_87 = arith.constant 112 : index
      %swap3A_88 = tpu.vector_load %arg5[%swap3A_86, %swap3A_87] {strides = array<i32>} : memref<128x128xf32, #tpu.memory_space<vmem>>, vector<1x16xf32>,
      %swap3A_89 = vector.shape_cast %swap3A_88 : vector<1x16xf32> to vector<16xf32>
      %swap3A_90 = vector.shape_cast %broadcast_in_dim3A_85 : vector<16xf32> to vector<1x16xf32>
      tpu.vector_store %arg5[%swap3A_86, %swap3A_87], %swap3A_90 {strides = array<i32>} : memref<128x128xf32, #tpu.memory_space<vmem>>, vector<1x16xf32>,
      %scan3A_91 = arith.constant 0 : i32
      scf.yield %scan3A_91 : i32
    }
    %scan3A_6 = arith.constant 128 : i32
    %scan3A_7 = arith.constant 0 : i32
    %scan3A_8 = arith.constant 0 : i32
    %scan3A_9 = arith.constant 5 : i32
    %scan3A_10 = arith.addi %scan3A_8, %scan3A_9 : i32
    %scan3A_11 = arith.constant 1 : i32
    %scan3A_12 = scf.for %scan3A_35 = %scan3A_8 to %scan3A_10 step %scan3A_11 iter_args(%scan3A_36 = %scan3A_7) -> (i32)  : i32 {
      %mul3A_37 = arith.constant 640 : i32
      %mul3A_38 = arith.muli %arg1, %mul3A_37 : i32
      %mul3A_39 = arith.constant 128 : i32
      %mul3A_40 = arith.muli %scan3A_35, %mul3A_39 : i32
      %add3A_41 = arith.addi %mul3A_38, %mul3A_40 : i32
      "tpu.region"() ({
        %run_scoped3A = tpu.sem_alloc : memref<!tpu.dma_semaphore, #tpu.memory_space<semaphore_mem>>
        %dma_start3A = arith.constant 0 : i32
        %dma_start3A_43 = tpu.memref_slice %arg6[%add3A_41, %dma_start3A] : memref<10240x128xf32, #tpu.memory_space<vmem_shared>> -> memref<128x128xf32, #tpu.memory_space<vmem_shared>>
        %dma_start3A_44 = arith.constant 0 : i32
        %dma_start3A_45 = tpu.memref_slice %arg6[%add3A_41, %dma_start3A_44] : memref<10240x128xf32, #tpu.memory_space<vmem_shared>> -> memref<128x128xf32, #tpu.memory_space<vmem_shared>>
        tpu.enqueue_dma source(%arg5 : memref<128x128xf32, #tpu.memory_space<vmem>>) target(%dma_start3A_45 : memref<128x128xf32, #tpu.memory_space<vmem_shared>>) target_semaphore(%run_scoped3A : memref<!tpu.dma_semaphore, #tpu.memory_space<semaphore_mem>>)
        %dma_wait3A = arith.constant 0 : i32
        %dma_wait3A_46 = tpu.memref_slice %arg6[%add3A_41, %dma_wait3A] : memref<10240x128xf32, #tpu.memory_space<vmem_shared>> -> memref<128x128xf32, #tpu.memory_space<vmem_shared>>
        %dma_wait3A_47 = arith.constant 0 : i32
        %dma_wait3A_48 = tpu.memref_slice %arg6[%add3A_41, %dma_wait3A_47] : memref<10240x128xf32, #tpu.memory_space<vmem_shared>> -> memref<128x128xf32, #tpu.memory_space<vmem_shared>>
        tpu.wait_dma2 semaphore(%run_scoped3A : memref<!tpu.dma_semaphore, #tpu.memory_space<semaphore_mem>>) src(%arg5 : memref<128x128xf32, #tpu.memory_space<vmem>>) dst(%dma_wait3A_48 : memref<128x128xf32, #tpu.memory_space<vmem_shared>>)
        tpu.yield
      }) : () -> ()
      %scan3A_42 = arith.constant 0 : i32
      scf.yield %scan3A_42 : i32
    }
    %scan3A_13 = arith.constant 5 : i32
    %scan3A_14 = arith.constant 0 : i32
    %scan3A_15 = arith.constant 0 : i32
    %scan3A_16 = arith.constant 128 : i32
    %scan3A_17 = arith.addi %scan3A_15, %scan3A_16 : i32
    %scan3A_18 = arith.constant 1 : i32
    %scan3A_19 = scf.for %scan3A_35 = %scan3A_15 to %scan3A_17 step %scan3A_18 iter_args(%scan3A_36 = %scan3A_14) -> (i32)  : i32 {
      %broadcast_in_dim3A = arith.constant 1.000000e+00 : f32
      %broadcast_in_dim3A_37 = vector.broadcast %broadcast_in_dim3A : f32 to vector<16xf32>
      %swap3A = arith.index_cast %scan3A_35 : i32 to index
      %swap3A_38 = arith.constant 0 : index
      %swap3A_39 = tpu.vector_load %arg5[%swap3A, %swap3A_38] {strides = array<i32>} : memref<128x128xf32, #tpu.memory_space<vmem>>, vector<1x16xf32>,
      %swap3A_40 = vector.shape_cast %swap3A_39 : vector<1x16xf32> to vector<16xf32>
      %swap3A_41 = vector.shape_cast %broadcast_in_dim3A_37 : vector<16xf32> to vector<1x16xf32>
      tpu.vector_store %arg5[%swap3A, %swap3A_38], %swap3A_41 {strides = array<i32>} : memref<128x128xf32, #tpu.memory_space<vmem>>, vector<1x16xf32>,
      %broadcast_in_dim3A_42 = arith.constant 1.000000e+00 : f32
      %broadcast_in_dim3A_43 = vector.broadcast %broadcast_in_dim3A_42 : f32 to vector<16xf32>
      %swap3A_44 = arith.index_cast %scan3A_35 : i32 to index
      %swap3A_45 = arith.constant 16 : index
      %swap3A_46 = tpu.vector_load %arg5[%swap3A_44, %swap3A_45] {strides = array<i32>} : memref<128x128xf32, #tpu.memory_space<vmem>>, vector<1x16xf32>,
      %swap3A_47 = vector.shape_cast %swap3A_46 : vector<1x16xf32> to vector<16xf32>
      %swap3A_48 = vector.shape_cast %broadcast_in_dim3A_43 : vector<16xf32> to vector<1x16xf32>
      tpu.vector_store %arg5[%swap3A_44, %swap3A_45], %swap3A_48 {strides = array<i32>} : memref<128x128xf32, #tpu.memory_space<vmem>>, vector<1x16xf32>,
      %broadcast_in_dim3A_49 = arith.constant 1.000000e+00 : f32
      %broadcast_in_dim3A_50 = vector.broadcast %broadcast_in_dim3A_49 : f32 to vector<16xf32>
      %swap3A_51 = arith.index_cast %scan3A_35 : i32 to index
      %swap3A_52 = arith.constant 32 : index
      %swap3A_53 = tpu.vector_load %arg5[%swap3A_51, %swap3A_52] {strides = array<i32>} : memref<128x128xf32, #tpu.memory_space<vmem>>, vector<1x16xf32>,
      %swap3A_54 = vector.shape_cast %swap3A_53 : vector<1x16xf32> to vector<16xf32>
      %swap3A_55 = vector.shape_cast %broadcast_in_dim3A_50 : vector<16xf32> to vector<1x16xf32>
      tpu.vector_store %arg5[%swap3A_51, %swap3A_52], %swap3A_55 {strides = array<i32>} : memref<128x128xf32, #tpu.memory_space<vmem>>, vector<1x16xf32>,
      %broadcast_in_dim3A_56 = arith.constant 1.000000e+00 : f32
      %broadcast_in_dim3A_57 = vector.broadcast %broadcast_in_dim3A_56 : f32 to vector<16xf32>
      %swap3A_58 = arith.index_cast %scan3A_35 : i32 to index
      %swap3A_59 = arith.constant 48 : index
      %swap3A_60 = tpu.vector_load %arg5[%swap3A_58, %swap3A_59] {strides = array<i32>} : memref<128x128xf32, #tpu.memory_space<vmem>>, vector<1x16xf32>,
      %swap3A_61 = vector.shape_cast %swap3A_60 : vector<1x16xf32> to vector<16xf32>
      %swap3A_62 = vector.shape_cast %broadcast_in_dim3A_57 : vector<16xf32> to vector<1x16xf32>
      tpu.vector_store %arg5[%swap3A_58, %swap3A_59], %swap3A_62 {strides = array<i32>} : memref<128x128xf32, #tpu.memory_space<vmem>>, vector<1x16xf32>,
      %broadcast_in_dim3A_63 = arith.constant 1.000000e+00 : f32
      %broadcast_in_dim3A_64 = vector.broadcast %broadcast_in_dim3A_63 : f32 to vector<16xf32>
      %swap3A_65 = arith.index_cast %scan3A_35 : i32 to index
      %swap3A_66 = arith.constant 64 : index
      %swap3A_67 = tpu.vector_load %arg5[%swap3A_65, %swap3A_66] {strides = array<i32>} : memref<128x128xf32, #tpu.memory_space<vmem>>, vector<1x16xf32>,
      %swap3A_68 = vector.shape_cast %swap3A_67 : vector<1x16xf32> to vector<16xf32>
      %swap3A_69 = vector.shape_cast %broadcast_in_dim3A_64 : vector<16xf32> to vector<1x16xf32>
      tpu.vector_store %arg5[%swap3A_65, %swap3A_66], %swap3A_69 {strides = array<i32>} : memref<128x128xf32, #tpu.memory_space<vmem>>, vector<1x16xf32>,
      %broadcast_in_dim3A_70 = arith.constant 1.000000e+00 : f32
      %broadcast_in_dim3A_71 = vector.broadcast %broadcast_in_dim3A_70 : f32 to vector<16xf32>
      %swap3A_72 = arith.index_cast %scan3A_35 : i32 to index
      %swap3A_73 = arith.constant 80 : index
      %swap3A_74 = tpu.vector_load %arg5[%swap3A_72, %swap3A_73] {strides = array<i32>} : memref<128x128xf32, #tpu.memory_space<vmem>>, vector<1x16xf32>,
      %swap3A_75 = vector.shape_cast %swap3A_74 : vector<1x16xf32> to vector<16xf32>
      %swap3A_76 = vector.shape_cast %broadcast_in_dim3A_71 : vector<16xf32> to vector<1x16xf32>
      tpu.vector_store %arg5[%swap3A_72, %swap3A_73], %swap3A_76 {strides = array<i32>} : memref<128x128xf32, #tpu.memory_space<vmem>>, vector<1x16xf32>,
      %broadcast_in_dim3A_77 = arith.constant 1.000000e+00 : f32
      %broadcast_in_dim3A_78 = vector.broadcast %broadcast_in_dim3A_77 : f32 to vector<16xf32>
      %swap3A_79 = arith.index_cast %scan3A_35 : i32 to index
      %swap3A_80 = arith.constant 96 : index
      %swap3A_81 = tpu.vector_load %arg5[%swap3A_79, %swap3A_80] {strides = array<i32>} : memref<128x128xf32, #tpu.memory_space<vmem>>, vector<1x16xf32>,
      %swap3A_82 = vector.shape_cast %swap3A_81 : vector<1x16xf32> to vector<16xf32>
      %swap3A_83 = vector.shape_cast %broadcast_in_dim3A_78 : vector<16xf32> to vector<1x16xf32>
      tpu.vector_store %arg5[%swap3A_79, %swap3A_80], %swap3A_83 {strides = array<i32>} : memref<128x128xf32, #tpu.memory_space<vmem>>, vector<1x16xf32>,
      %broadcast_in_dim3A_84 = arith.constant 1.000000e+00 : f32
      %broadcast_in_dim3A_85 = vector.broadcast %broadcast_in_dim3A_84 : f32 to vector<16xf32>
      %swap3A_86 = arith.index_cast %scan3A_35 : i32 to index
      %swap3A_87 = arith.constant 112 : index
      %swap3A_88 = tpu.vector_load %arg5[%swap3A_86, %swap3A_87] {strides = array<i32>} : memref<128x128xf32, #tpu.memory_space<vmem>>, vector<1x16xf32>,
      %swap3A_89 = vector.shape_cast %swap3A_88 : vector<1x16xf32> to vector<16xf32>
      %swap3A_90 = vector.shape_cast %broadcast_in_dim3A_85 : vector<16xf32> to vector<1x16xf32>
      tpu.vector_store %arg5[%swap3A_86, %swap3A_87], %swap3A_90 {strides = array<i32>} : memref<128x128xf32, #tpu.memory_space<vmem>>, vector<1x16xf32>,
      %scan3A_91 = arith.constant 0 : i32
      scf.yield %scan3A_91 : i32
    }
    %scan3A_20 = arith.constant 128 : i32
    %barrier3A = arith.constant 0 : index
    tpu.barrier barrier_id(%barrier3A)
    %mul3A_21 = arith.constant 10112 : i32
    %mul3A_22 = arith.muli %add3A, %mul3A_21 : i32
    %scan3A_23 = arith.constant 0 : i32
    %scan3A_24 = arith.constant 0 : i32
    %scan3A_25 = arith.constant 79 : i32
    %scan3A_26 = arith.addi %scan3A_24, %scan3A_25 : i32
    %scan3A_27 = arith.constant 1 : i32
    %scan3A_28 = scf.for %scan3A_35 = %scan3A_24 to %scan3A_26 step %scan3A_27 iter_args(%scan3A_36 = %scan3A_23) -> (i32)  : i32 {
      %mul3A_37 = arith.constant 128 : i32
      %mul3A_38 = arith.muli %scan3A_35, %mul3A_37 : i32
      %add3A_39 = arith.addi %mul3A_22, %mul3A_38 : i32
      %multiple_of3A = tpu.assume_multiple %add3A_39, 8 : i32
      "tpu.region"() ({
        %run_scoped3A = tpu.sem_alloc : memref<!tpu.dma_semaphore, #tpu.memory_space<semaphore_mem>>
        %dma_start3A = tpu.memref_slice %arg2[%multiple_of3A] : memref<323584xi32, #tpu.memory_space<hbm>> -> memref<128xi32, #tpu.memory_space<hbm>>
        %dma_start3A_41 = tpu.memref_slice %arg2[%multiple_of3A] : memref<323584xi32, #tpu.memory_space<hbm>> -> memref<128xi32, #tpu.memory_space<hbm>>
        tpu.enqueue_dma source(%dma_start3A_41 : memref<128xi32, #tpu.memory_space<hbm>>) target(%arg4 : memref<128xi32, #tpu.memory_space<vmem>>) target_semaphore(%run_scoped3A : memref<!tpu.dma_semaphore, #tpu.memory_space<semaphore_mem>>)
        %dma_wait3A = tpu.memref_slice %arg2[%multiple_of3A] : memref<323584xi32, #tpu.memory_space<hbm>> -> memref<128xi32, #tpu.memory_space<hbm>>
        %dma_wait3A_42 = tpu.memref_slice %arg2[%multiple_of3A] : memref<323584xi32, #tpu.memory_space<hbm>> -> memref<128xi32, #tpu.memory_space<hbm>>
        tpu.wait_dma2 semaphore(%run_scoped3A : memref<!tpu.dma_semaphore, #tpu.memory_space<semaphore_mem>>) src(%dma_wait3A_42 : memref<128xi32, #tpu.memory_space<hbm>>) dst(%arg4 : memref<128xi32, #tpu.memory_space<vmem>>)
        tpu.yield
      }) : () -> ()
      "tpu.region"() ({
        %run_scoped3A = tpu.sem_alloc : memref<!tpu.dma_semaphore, #tpu.memory_space<semaphore_mem>>
        %dma_start3A = arith.constant 0 : i32
        %dma_start3A_41 = arith.constant 0 : i32
        %dma_start3A_42 = tpu.memref_slice %arg6[%dma_start3A, %dma_start3A_41] : memref<10240x128xf32, #tpu.memory_space<vmem_shared>> -> memref<10240x128xf32, #tpu.memory_space<vmem_shared>>
        tpu.enqueue_indirect_dma source(%arg5 : memref<128x128xf32, #tpu.memory_space<vmem>>) target(%dma_start3A_42 : memref<10240x128xf32, #tpu.memory_space<vmem_shared>>) offsets(%arg4 : memref<128xi32, #tpu.memory_space<vmem>>) semaphore(%run_scoped3A : memref<!tpu.dma_semaphore, #tpu.memory_space<semaphore_mem>>) {add = true}
        %dma_wait3A = arith.constant 0 : i32
        %dma_wait3A_43 = arith.constant 0 : i32
        %dma_wait3A_44 = tpu.memref_slice %arg6[%dma_wait3A, %dma_wait3A_43] : memref<10240x128xf32, #tpu.memory_space<vmem_shared>> -> memref<10240x128xf32, #tpu.memory_space<vmem_shared>>
        tpu.wait_indirect_dma semaphore(%run_scoped3A : memref<!tpu.dma_semaphore, #tpu.memory_space<semaphore_mem>>) src(%arg5 : memref<128x128xf32, #tpu.memory_space<vmem>>) dst(%dma_wait3A_44 : memref<10240x128xf32, #tpu.memory_space<vmem_shared>>)
        tpu.yield
      }) : () -> ()
      %scan3A_40 = arith.constant 0 : i32
      scf.yield %scan3A_40 : i32
    }
    %scan3A_29 = arith.constant 79 : i32
    %barrier3A_30 = arith.constant 0 : index
    tpu.barrier barrier_id(%barrier3A_30)
    %mul3A_31 = arith.constant 640 : i32
    %mul3A_32 = arith.muli %arg1, %mul3A_31 : i32
    %mul3A_33 = arith.constant 640 : i32
    %mul3A_34 = arith.muli %arg1, %mul3A_33 : i32
    "tpu.region"() ({
      %run_scoped3A = tpu.sem_alloc : memref<!tpu.dma_semaphore, #tpu.memory_space<semaphore_mem>>
      %dma_start3A = arith.constant 0 : i32
      %dma_start3A_35 = tpu.memref_slice %arg3[%arg0, %mul3A_34, %dma_start3A] : memref<2x10240x128xf32, #tpu.memory_space<hbm>> -> memref<1x640x128xf32, #tpu.memory_space<hbm>>
      %dma_start3A_36 = tpu.memref_squeeze %dma_start3A_35 : memref<1x640x128xf32, #tpu.memory_space<hbm>> -> memref<640x128xf32, #tpu.memory_space<hbm>>
      %dma_start3A_37 = arith.constant 0 : i32
      %dma_start3A_38 = tpu.memref_slice %arg6[%mul3A_32, %dma_start3A_37] : memref<10240x128xf32, #tpu.memory_space<vmem_shared>> -> memref<640x128xf32, #tpu.memory_space<vmem_shared>>
      tpu.enqueue_dma source(%dma_start3A_38 : memref<640x128xf32, #tpu.memory_space<vmem_shared>>) target(%dma_start3A_36 : memref<640x128xf32, #tpu.memory_space<hbm>>) target_semaphore(%run_scoped3A : memref<!tpu.dma_semaphore, #tpu.memory_space<semaphore_mem>>)
      %dma_wait3A = arith.constant 0 : i32
      %dma_wait3A_39 = tpu.memref_slice %arg3[%arg0, %mul3A_34, %dma_wait3A] : memref<2x10240x128xf32, #tpu.memory_space<hbm>> -> memref<1x640x128xf32, #tpu.memory_space<hbm>>
      %dma_wait3A_40 = tpu.memref_squeeze %dma_wait3A_39 : memref<1x640x128xf32, #tpu.memory_space<hbm>> -> memref<640x128xf32, #tpu.memory_space<hbm>>
      %dma_wait3A_41 = arith.constant 0 : i32
      %dma_wait3A_42 = tpu.memref_slice %arg6[%mul3A_32, %dma_wait3A_41] : memref<10240x128xf32, #tpu.memory_space<vmem_shared>> -> memref<640x128xf32, #tpu.memory_space<vmem_shared>>
      tpu.wait_dma2 semaphore(%run_scoped3A : memref<!tpu.dma_semaphore, #tpu.memory_space<semaphore_mem>>) src(%dma_wait3A_42 : memref<640x128xf32, #tpu.memory_space<vmem_shared>>) dst(%dma_wait3A_40 : memref<640x128xf32, #tpu.memory_space<hbm>>)
      tpu.yield
    }) : () -> ()
    return
  }
}

module attributes {stable_mosaic.version = 14 : i64} {
  func.func @_mm_body(%arg0: i32, %arg1: memref<2x1024x128xf32, #tpu.memory_space<vmem>>, %arg2: memref<2x1024x128xf32, #tpu.memory_space<vmem>>, %arg3: memref<1024x128xf32, #tpu.memory_space<vmem>>, %arg4: memref<128x128xf32, #tpu.memory_space<vmem>>, %arg5: memref<128x128xf32, #tpu.memory_space<vmem>>, %arg6: memref<1x128xf32, #tpu.memory_space<vmem>>, %arg7: memref<1024x128xf32, #tpu.memory_space<vmem>>, %arg8: memref<8x128xf32, #tpu.memory_space<vmem>>) attributes {dimension_semantics = [#tpu.dimension_semantics<arbitrary>], iteration_bounds = array<i64: 10>, scalar_prefetch = 0 : i64, scratch_operands = 0 : i64, tpu.core_type = #tpu.core_type<tc>, window_params = [{transform_indices = @transform_0, window_bounds = array<i64: 2, 1024, 128>}, {transform_indices = @transform_1, window_bounds = array<i64: 2, 1024, 128>}, {transform_indices = @transform_2, window_bounds = array<i64: 1024, 128>}, {pipeline_mode = #tpu.pipeline_mode<synchronous>, transform_indices = @transform_3, window_bounds = array<i64: 128, 128>}, {pipeline_mode = #tpu.pipeline_mode<synchronous>, transform_indices = @transform_4, window_bounds = array<i64: 128, 128>}, {pipeline_mode = #tpu.pipeline_mode<synchronous>, transform_indices = @transform_5, window_bounds = array<i64: 1, 128>}, {transform_indices = @transform_6, window_bounds = array<i64: 1024, 128>}, {pipeline_mode = #tpu.pipeline_mode<synchronous>, transform_indices = @transform_7, window_bounds = array<i64: 8, 128>}]} {
    %get3A = arith.constant 0 : index
    %get3A_0 = arith.constant 0 : index
    %get3A_1 = arith.constant 0 : index
    %get3A_2 = vector.load %arg1[%get3A, %get3A_0, %get3A_1] : memref<2x1024x128xf32, #tpu.memory_space<vmem>>, vector<1x1024x128xf32>
    %get3A_3 = vector.shape_cast %get3A_2 : vector<1x1024x128xf32> to vector<1024x128xf32>
    %get3A_4 = arith.constant 1 : index
    %get3A_5 = arith.constant 0 : index
    %get3A_6 = arith.constant 0 : index
    %get3A_7 = vector.load %arg1[%get3A_4, %get3A_5, %get3A_6] : memref<2x1024x128xf32, #tpu.memory_space<vmem>>, vector<1x1024x128xf32>
    %get3A_8 = vector.shape_cast %get3A_7 : vector<1x1024x128xf32> to vector<1024x128xf32>
    %add3A = arith.addf %get3A_3, %get3A_8 : vector<1024x128xf32>
    %get3A_9 = arith.constant 0 : index
    %get3A_10 = arith.constant 0 : index
    %get3A_11 = arith.constant 0 : index
    %get3A_12 = vector.load %arg2[%get3A_9, %get3A_10, %get3A_11] : memref<2x1024x128xf32, #tpu.memory_space<vmem>>, vector<1x1024x128xf32>
    %get3A_13 = vector.shape_cast %get3A_12 : vector<1x1024x128xf32> to vector<1024x128xf32>
    %get3A_14 = arith.constant 1 : index
    %get3A_15 = arith.constant 0 : index
    %get3A_16 = arith.constant 0 : index
    %get3A_17 = vector.load %arg2[%get3A_14, %get3A_15, %get3A_16] : memref<2x1024x128xf32, #tpu.memory_space<vmem>>, vector<1x1024x128xf32>
    %get3A_18 = vector.shape_cast %get3A_17 : vector<1x1024x128xf32> to vector<1024x128xf32>
    %add3A_19 = arith.addf %get3A_13, %get3A_18 : vector<1024x128xf32>
    %reduce_max3A = arith.constant dense<0xFF800000> : vector<1024xf32>
    %reduce_max3A_20 = vector.multi_reduction <maximumf>, %add3A_19, %reduce_max3A [1] : vector<1024x128xf32> to vector<1024xf32>
    %broadcast_in_dim3A = vector.shape_cast %reduce_max3A_20 : vector<1024xf32> to vector<1024x1xf32>
    %max3A = arith.constant 1.000000e+00 : f32
    %max3A_21 = vector.broadcast %max3A : f32 to vector<1024x1xf32>
    %max3A_22 = arith.maximumf %broadcast_in_dim3A, %max3A_21 : vector<1024x1xf32>
    %div3A = vector.broadcast %max3A_22 : vector<1024x1xf32> to vector<1024x128xf32>
    %div3A_23 = arith.divf %add3A, %div3A : vector<1024x128xf32>
    %get3A_24 = arith.constant 0 : index
    %get3A_25 = arith.constant 0 : index
    %get3A_26 = vector.load %arg4[%get3A_24, %get3A_25] : memref<128x128xf32, #tpu.memory_space<vmem>>, vector<128x128xf32>
    %dot_general3A = arith.constant dense<0.000000e+00> : vector<1024x128xf32>
    %dot_general3A_27 = tpu.matmul %div3A_23, %get3A_26, %dot_general3A {dimension_numbers = #tpu.dot_dimension_numbers<[1], [0], [0], [1], [0, 0, 1, 1], [], []>, transpose_lhs_hint = false} : vector<1024x128xf32>, vector<128x128xf32>, vector<1024x128xf32> -> vector<1024x128xf32>
    %get3A_28 = arith.constant 0 : index
    %get3A_29 = arith.constant 0 : index
    %get3A_30 = vector.load %arg3[%get3A_28, %get3A_29] : memref<1024x128xf32, #tpu.memory_space<vmem>>, vector<1024x128xf32>
    %get3A_31 = arith.constant 0 : index
    %get3A_32 = arith.constant 0 : index
    %get3A_33 = vector.load %arg5[%get3A_31, %get3A_32] : memref<128x128xf32, #tpu.memory_space<vmem>>, vector<128x128xf32>
    %dot_general3A_34 = arith.constant dense<0.000000e+00> : vector<1024x128xf32>
    %dot_general3A_35 = tpu.matmul %get3A_30, %get3A_33, %dot_general3A_34 {dimension_numbers = #tpu.dot_dimension_numbers<[1], [0], [0], [1], [0, 0, 1, 1], [], []>, transpose_lhs_hint = false} : vector<1024x128xf32>, vector<128x128xf32>, vector<1024x128xf32> -> vector<1024x128xf32>
    %add3A_36 = arith.addf %dot_general3A_27, %dot_general3A_35 : vector<1024x128xf32>
    %get3A_37 = arith.constant 0 : index
    %get3A_38 = arith.constant 0 : index
    %get3A_39 = vector.load %arg6[%get3A_37, %get3A_38] : memref<1x128xf32, #tpu.memory_space<vmem>>, vector<1x128xf32>
    %add3A_40 = vector.broadcast %get3A_39 : vector<1x128xf32> to vector<1024x128xf32>
    %add3A_41 = arith.addf %add3A_36, %add3A_40 : vector<1024x128xf32>
    %iota3A = tpu.iota {dimensions = array<i32: 0>} : vector<1024x1xi32>
    %mul3A = arith.constant 1024 : i32
    %mul3A_42 = arith.muli %arg0, %mul3A : i32
    %add3A_43 = vector.broadcast %mul3A_42 : i32 to vector<1024x1xi32>
    %add3A_44 = arith.addi %iota3A, %add3A_43 : vector<1024x1xi32>
    %lt3A = arith.constant 10000 : i32
    %lt3A_45 = vector.broadcast %lt3A : i32 to vector<1024x1xi32>
    %lt3A_46 = arith.cmpi slt, %add3A_44, %lt3A_45 : vector<1024x1xi32>
    %jit3A = arith.constant 0.000000e+00 : f32
    %broadcast_in_dim3A_47 = vector.shape_cast %lt3A_46 : vector<1024x1xi1> to vector<1024x1xi1>
    %broadcast_in_dim3A_48 = vector.broadcast %broadcast_in_dim3A_47 : vector<1024x1xi1> to vector<1024x128xi1>
    %broadcast_in_dim3A_49 = vector.broadcast %jit3A : f32 to vector<1024x128xf32>
    %select_n3A = arith.select %broadcast_in_dim3A_48, %add3A_41, %broadcast_in_dim3A_49 : vector<1024x128xi1>, vector<1024x128xf32>
    %swap3A = arith.constant 0 : index
    %swap3A_50 = arith.constant 0 : index
    %swap3A_51 = vector.load %arg7[%swap3A, %swap3A_50] : memref<1024x128xf32, #tpu.memory_space<vmem>>, vector<1024x128xf32>
    tpu.vector_store %arg7[%swap3A, %swap3A_50], %select_n3A {strides = array<i32>} : memref<1024x128xf32, #tpu.memory_space<vmem>>, vector<1024x128xf32>,
    %eq3A = arith.constant 0 : i32
    %eq3A_52 = arith.cmpi eq, %arg0, %eq3A : i32
    %convert_element_type3A = arith.extui %eq3A_52 : i1 to i32
    %cond3A = arith.constant 0 : i32
    %cond3A_53 = arith.cmpi ne, %convert_element_type3A, %cond3A : i32
    scf.if %cond3A_53 {
      %broadcast_in_dim3A_74 = arith.constant 0.000000e+00 : f32
      %broadcast_in_dim3A_75 = vector.broadcast %broadcast_in_dim3A_74 : f32 to vector<8x128xf32>
      %swap3A_76 = arith.constant 0 : index
      %swap3A_77 = arith.constant 0 : index
      %swap3A_78 = vector.load %arg8[%swap3A_76, %swap3A_77] : memref<8x128xf32, #tpu.memory_space<vmem>>, vector<8x128xf32>
      tpu.vector_store %arg8[%swap3A_76, %swap3A_77], %broadcast_in_dim3A_75 {strides = array<i32>} : memref<8x128xf32, #tpu.memory_space<vmem>>, vector<8x128xf32>,
    } else {
    }
    %get3A_54 = arith.constant 0 : index
    %get3A_55 = arith.constant 0 : index
    %get3A_56 = vector.load %arg8[%get3A_54, %get3A_55] : memref<8x128xf32, #tpu.memory_space<vmem>>, vector<1x128xf32>
    %reduce_sum3A = arith.constant dense<0.000000e+00> : vector<128xf32>
    %reduce_sum3A_57 = vector.multi_reduction <add>, %select_n3A, %reduce_sum3A [0] : vector<1024x128xf32> to vector<128xf32>
    %broadcast_in_dim3A_58 = vector.shape_cast %reduce_sum3A_57 : vector<128xf32> to vector<1x128xf32>
    %add3A_59 = arith.addf %get3A_56, %broadcast_in_dim3A_58 : vector<1x128xf32>
    %swap3A_60 = arith.constant 0 : index
    %swap3A_61 = arith.constant 0 : index
    %swap3A_62 = vector.load %arg8[%swap3A_60, %swap3A_61] : memref<8x128xf32, #tpu.memory_space<vmem>>, vector<1x128xf32>
    tpu.vector_store %arg8[%swap3A_60, %swap3A_61], %add3A_59 {strides = array<i32>} : memref<8x128xf32, #tpu.memory_space<vmem>>, vector<1x128xf32>,
    %get3A_63 = arith.constant 1 : index
    %get3A_64 = arith.constant 0 : index
    %get3A_65 = vector.load %arg8[%get3A_63, %get3A_64] : memref<8x128xf32, #tpu.memory_space<vmem>>, vector<1x128xf32>
    %mul3A_66 = arith.mulf %select_n3A, %select_n3A : vector<1024x128xf32>
    %reduce_sum3A_67 = arith.constant dense<0.000000e+00> : vector<128xf32>
    %reduce_sum3A_68 = vector.multi_reduction <add>, %mul3A_66, %reduce_sum3A_67 [0] : vector<1024x128xf32> to vector<128xf32>
    %broadcast_in_dim3A_69 = vector.shape_cast %reduce_sum3A_68 : vector<128xf32> to vector<1x128xf32>
    %add3A_70 = arith.addf %get3A_65, %broadcast_in_dim3A_69 : vector<1x128xf32>
    %swap3A_71 = arith.constant 1 : index
    %swap3A_72 = arith.constant 0 : index
    %swap3A_73 = vector.load %arg8[%swap3A_71, %swap3A_72] : memref<8x128xf32, #tpu.memory_space<vmem>>, vector<1x128xf32>
    tpu.vector_store %arg8[%swap3A_71, %swap3A_72], %add3A_70 {strides = array<i32>} : memref<8x128xf32, #tpu.memory_space<vmem>>, vector<1x128xf32>,
    return
  }
  func.func @transform_0(%arg0: i32) -> (i32, i32, i32) {
    %c0_i32 = arith.constant 0 : i32
    %c0_i32_0 = arith.constant 0 : i32
    %c0_i32_1 = arith.constant 0 : i32
    return %c0_i32, %arg0, %c0_i32_0 : i32, i32, i32
  }
  func.func @transform_1(%arg0: i32) -> (i32, i32, i32) {
    %c0_i32 = arith.constant 0 : i32
    %c0_i32_0 = arith.constant 0 : i32
    %c0_i32_1 = arith.constant 0 : i32
    return %c0_i32, %arg0, %c0_i32_0 : i32, i32, i32
  }
  func.func @transform_2(%arg0: i32) -> (i32, i32) {
    %c0_i32 = arith.constant 0 : i32
    %c0_i32_0 = arith.constant 0 : i32
    return %arg0, %c0_i32 : i32, i32
  }
  func.func @transform_3(%arg0: i32) -> (i32, i32) {
    %c0_i32 = arith.constant 0 : i32
    %c0_i32_0 = arith.constant 0 : i32
    %c0_i32_1 = arith.constant 0 : i32
    return %c0_i32, %c0_i32_0 : i32, i32
  }
  func.func @transform_4(%arg0: i32) -> (i32, i32) {
    %c0_i32 = arith.constant 0 : i32
    %c0_i32_0 = arith.constant 0 : i32
    %c0_i32_1 = arith.constant 0 : i32
    return %c0_i32, %c0_i32_0 : i32, i32
  }
  func.func @transform_5(%arg0: i32) -> (i32, i32) {
    %c0_i32 = arith.constant 0 : i32
    %c0_i32_0 = arith.constant 0 : i32
    %c0_i32_1 = arith.constant 0 : i32
    return %c0_i32, %c0_i32_0 : i32, i32
  }
  func.func @transform_6(%arg0: i32) -> (i32, i32) {
    %c0_i32 = arith.constant 0 : i32
    %c0_i32_0 = arith.constant 0 : i32
    return %arg0, %c0_i32 : i32, i32
  }
  func.func @transform_7(%arg0: i32) -> (i32, i32) {
    %c0_i32 = arith.constant 0 : i32
    %c0_i32_0 = arith.constant 0 : i32
    %c0_i32_1 = arith.constant 0 : i32
    return %c0_i32, %c0_i32_0 : i32, i32
  }
}

module attributes {stable_mosaic.version = 14 : i64} {
  func.func @_norm_body(%arg0: i32, %arg1: memref<1024x128xf32, #tpu.memory_space<vmem>>, %arg2: memref<8x128xf32, #tpu.memory_space<vmem>>, %arg3: memref<1x128xf32, #tpu.memory_space<vmem>>, %arg4: memref<1x128xf32, #tpu.memory_space<vmem>>, %arg5: memref<1x1xf32, #tpu.memory_space<vmem>>, %arg6: memref<1024x128xf32, #tpu.memory_space<vmem>>) attributes {dimension_semantics = [#tpu.dimension_semantics<arbitrary>], iteration_bounds = array<i64: 10>, scalar_prefetch = 0 : i64, scratch_operands = 0 : i64, tpu.core_type = #tpu.core_type<tc>, window_params = [{transform_indices = @transform_0, window_bounds = array<i64: 1024, 128>}, {pipeline_mode = #tpu.pipeline_mode<synchronous>, transform_indices = @transform_1, window_bounds = array<i64: 8, 128>}, {pipeline_mode = #tpu.pipeline_mode<synchronous>, transform_indices = @transform_2, window_bounds = array<i64: 1, 128>}, {pipeline_mode = #tpu.pipeline_mode<synchronous>, transform_indices = @transform_3, window_bounds = array<i64: 1, 128>}, {pipeline_mode = #tpu.pipeline_mode<synchronous>, transform_indices = @transform_4, window_bounds = array<i64: 1, 1>}, {transform_indices = @transform_5, window_bounds = array<i64: 1024, 128>}]} {
    %get3A = arith.constant 0 : index
    %get3A_0 = arith.constant 0 : index
    %get3A_1 = vector.load %arg2[%get3A, %get3A_0] : memref<8x128xf32, #tpu.memory_space<vmem>>, vector<1x128xf32>
    %mul3A = arith.constant 9.99999974E-5 : f32
    %mul3A_2 = vector.broadcast %mul3A : f32 to vector<1x128xf32>
    %mul3A_3 = arith.mulf %get3A_1, %mul3A_2 : vector<1x128xf32>
    %get3A_4 = arith.constant 1 : index
    %get3A_5 = arith.constant 0 : index
    %get3A_6 = vector.load %arg2[%get3A_4, %get3A_5] : memref<8x128xf32, #tpu.memory_space<vmem>>, vector<1x128xf32>
    %mul3A_7 = arith.constant 9.99999974E-5 : f32
    %mul3A_8 = vector.broadcast %mul3A_7 : f32 to vector<1x128xf32>
    %mul3A_9 = arith.mulf %get3A_6, %mul3A_8 : vector<1x128xf32>
    %mul3A_10 = arith.mulf %mul3A_3, %mul3A_3 : vector<1x128xf32>
    %sub3A = arith.subf %mul3A_9, %mul3A_10 : vector<1x128xf32>
    %add3A = arith.constant 9.99999974E-6 : f32
    %add3A_11 = vector.broadcast %add3A : f32 to vector<1x128xf32>
    %add3A_12 = arith.addf %sub3A, %add3A_11 : vector<1x128xf32>
    %rsqrt3A = math.rsqrt %add3A_12 : vector<1x128xf32>
    %get3A_13 = arith.constant 0 : index
    %get3A_14 = arith.constant 0 : index
    %get3A_15 = vector.load %arg1[%get3A_13, %get3A_14] : memref<1024x128xf32, #tpu.memory_space<vmem>>, vector<1024x128xf32>
    %sub3A_16 = vector.broadcast %mul3A_3 : vector<1x128xf32> to vector<1024x128xf32>
    %sub3A_17 = arith.subf %get3A_15, %sub3A_16 : vector<1024x128xf32>
    %mul3A_18 = vector.broadcast %rsqrt3A : vector<1x128xf32> to vector<1024x128xf32>
    %mul3A_19 = arith.mulf %sub3A_17, %mul3A_18 : vector<1024x128xf32>
    %get3A_20 = arith.constant 0 : index
    %get3A_21 = arith.constant 0 : index
    %get3A_22 = vector.load %arg3[%get3A_20, %get3A_21] : memref<1x128xf32, #tpu.memory_space<vmem>>, vector<1x128xf32>
    %mul3A_23 = vector.broadcast %get3A_22 : vector<1x128xf32> to vector<1024x128xf32>
    %mul3A_24 = arith.mulf %mul3A_19, %mul3A_23 : vector<1024x128xf32>
    %get3A_25 = arith.constant 0 : index
    %get3A_26 = arith.constant 0 : index
    %get3A_27 = vector.load %arg4[%get3A_25, %get3A_26] : memref<1x128xf32, #tpu.memory_space<vmem>>, vector<1x128xf32>
    %add3A_28 = vector.broadcast %get3A_27 : vector<1x128xf32> to vector<1024x128xf32>
    %add3A_29 = arith.addf %mul3A_24, %add3A_28 : vector<1024x128xf32>
    %gt3A = arith.constant 0.000000e+00 : f32
    %gt3A_30 = vector.broadcast %gt3A : f32 to vector<1024x128xf32>
    %gt3A_31 = arith.cmpf ogt, %add3A_29, %gt3A_30 : vector<1024x128xf32>
    %get3A_32 = arith.constant 0 : index
    %get3A_33 = arith.constant 0 : index
    %get3A_34 = vector.load %arg5[%get3A_32, %get3A_33] : memref<1x1xf32, #tpu.memory_space<vmem>>, vector<1x1xf32>
    %mul3A_35 = vector.broadcast %get3A_34 : vector<1x1xf32> to vector<1024x128xf32>
    %mul3A_36 = arith.mulf %mul3A_35, %add3A_29 : vector<1024x128xf32>
    %select_n3A = arith.select %gt3A_31, %add3A_29, %mul3A_36 : vector<1024x128xi1>, vector<1024x128xf32>
    %swap3A = arith.constant 0 : index
    %swap3A_37 = arith.constant 0 : index
    %swap3A_38 = vector.load %arg6[%swap3A, %swap3A_37] : memref<1024x128xf32, #tpu.memory_space<vmem>>, vector<1024x128xf32>
    tpu.vector_store %arg6[%swap3A, %swap3A_37], %select_n3A {strides = array<i32>} : memref<1024x128xf32, #tpu.memory_space<vmem>>, vector<1024x128xf32>,
    return
  }
  func.func @transform_0(%arg0: i32) -> (i32, i32) {
    %c0_i32 = arith.constant 0 : i32
    %c0_i32_0 = arith.constant 0 : i32
    return %arg0, %c0_i32 : i32, i32
  }
  func.func @transform_1(%arg0: i32) -> (i32, i32) {
    %c0_i32 = arith.constant 0 : i32
    %c0_i32_0 = arith.constant 0 : i32
    %c0_i32_1 = arith.constant 0 : i32
    return %c0_i32, %c0_i32_0 : i32, i32
  }
  func.func @transform_2(%arg0: i32) -> (i32, i32) {
    %c0_i32 = arith.constant 0 : i32
    %c0_i32_0 = arith.constant 0 : i32
    %c0_i32_1 = arith.constant 0 : i32
    return %c0_i32, %c0_i32_0 : i32, i32
  }
  func.func @transform_3(%arg0: i32) -> (i32, i32) {
    %c0_i32 = arith.constant 0 : i32
    %c0_i32_0 = arith.constant 0 : i32
    %c0_i32_1 = arith.constant 0 : i32
    return %c0_i32, %c0_i32_0 : i32, i32
  }
  func.func @transform_4(%arg0: i32) -> (i32, i32) {
    %c0_i32 = arith.constant 0 : i32
    %c0_i32_0 = arith.constant 0 : i32
    %c0_i32_1 = arith.constant 0 : i32
    return %c0_i32, %c0_i32_0 : i32, i32
  }
  func.func @transform_5(%arg0: i32) -> (i32, i32) {
    %c0_i32 = arith.constant 0 : i32
    %c0_i32_0 = arith.constant 0 : i32
    return %arg0, %c0_i32 : i32, i32
  }
}

module attributes {stable_mosaic.version = 14 : i64} {
  func.func @_jk_body(%arg0: i32, %arg1: memref<1024x128xf32, #tpu.memory_space<vmem>>, %arg2: memref<1024x128xf32, #tpu.memory_space<vmem>>, %arg3: memref<1024x128xf32, #tpu.memory_space<vmem>>, %arg4: memref<384x128xf32, #tpu.memory_space<vmem>>, %arg5: memref<1x128xf32, #tpu.memory_space<vmem>>, %arg6: memref<1x1x1024xi32, #tpu.memory_space<vmem>>, %arg7: memref<128x64xf32, #tpu.memory_space<vmem>>, %arg8: memref<1x64xf32, #tpu.memory_space<vmem>>, %arg9: memref<64x64xf32, #tpu.memory_space<vmem>>, %arg10: memref<64x256xf32, #tpu.memory_space<vmem>>) attributes {dimension_semantics = [#tpu.dimension_semantics<arbitrary>], iteration_bounds = array<i64: 10>, scalar_prefetch = 0 : i64, scratch_operands = 1 : i64, tpu.core_type = #tpu.core_type<tc>, window_params = [{transform_indices = @transform_0, window_bounds = array<i64: 1024, 128>}, {transform_indices = @transform_1, window_bounds = array<i64: 1024, 128>}, {transform_indices = @transform_2, window_bounds = array<i64: 1024, 128>}, {pipeline_mode = #tpu.pipeline_mode<synchronous>, transform_indices = @transform_3, window_bounds = array<i64: 384, 128>}, {pipeline_mode = #tpu.pipeline_mode<synchronous>, transform_indices = @transform_4, window_bounds = array<i64: 1, 128>}, {transform_indices = @transform_5, window_bounds = array<i64: 1, 1, 1024>}, {pipeline_mode = #tpu.pipeline_mode<synchronous>, transform_indices = @transform_6, window_bounds = array<i64: 128, 64>}, {pipeline_mode = #tpu.pipeline_mode<synchronous>, transform_indices = @transform_7, window_bounds = array<i64: 1, 64>}, {pipeline_mode = #tpu.pipeline_mode<synchronous>, transform_indices = @transform_8, window_bounds = array<i64: 64, 64>}]} {
    %get3A = arith.constant 0 : index
    %get3A_0 = arith.constant 0 : index
    %get3A_1 = vector.load %arg1[%get3A, %get3A_0] : memref<1024x128xf32, #tpu.memory_space<vmem>>, vector<1024x128xf32>
    %get3A_2 = arith.constant 0 : index
    %get3A_3 = arith.constant 0 : index
    %get3A_4 = vector.load %arg4[%get3A_2, %get3A_3] : memref<384x128xf32, #tpu.memory_space<vmem>>, vector<128x128xf32>
    %dot_general3A = arith.constant dense<0.000000e+00> : vector<1024x128xf32>
    %dot_general3A_5 = tpu.matmul %get3A_1, %get3A_4, %dot_general3A {dimension_numbers = #tpu.dot_dimension_numbers<[1], [0], [0], [1], [0, 0, 1, 1], [], []>, transpose_lhs_hint = false} : vector<1024x128xf32>, vector<128x128xf32>, vector<1024x128xf32> -> vector<1024x128xf32>
    %get3A_6 = arith.constant 0 : index
    %get3A_7 = arith.constant 0 : index
    %get3A_8 = vector.load %arg2[%get3A_6, %get3A_7] : memref<1024x128xf32, #tpu.memory_space<vmem>>, vector<1024x128xf32>
    %get3A_9 = arith.constant 128 : index
    %get3A_10 = arith.constant 0 : index
    %get3A_11 = vector.load %arg4[%get3A_9, %get3A_10] : memref<384x128xf32, #tpu.memory_space<vmem>>, vector<128x128xf32>
    %dot_general3A_12 = arith.constant dense<0.000000e+00> : vector<1024x128xf32>
    %dot_general3A_13 = tpu.matmul %get3A_8, %get3A_11, %dot_general3A_12 {dimension_numbers = #tpu.dot_dimension_numbers<[1], [0], [0], [1], [0, 0, 1, 1], [], []>, transpose_lhs_hint = false} : vector<1024x128xf32>, vector<128x128xf32>, vector<1024x128xf32> -> vector<1024x128xf32>
    %add3A = arith.addf %dot_general3A_5, %dot_general3A_13 : vector<1024x128xf32>
    %get3A_14 = arith.constant 0 : index
    %get3A_15 = arith.constant 0 : index
    %get3A_16 = vector.load %arg3[%get3A_14, %get3A_15] : memref<1024x128xf32, #tpu.memory_space<vmem>>, vector<1024x128xf32>
    %get3A_17 = arith.constant 256 : index
    %get3A_18 = arith.constant 0 : index
    %get3A_19 = vector.load %arg4[%get3A_17, %get3A_18] : memref<384x128xf32, #tpu.memory_space<vmem>>, vector<128x128xf32>
    %dot_general3A_20 = arith.constant dense<0.000000e+00> : vector<1024x128xf32>
    %dot_general3A_21 = tpu.matmul %get3A_16, %get3A_19, %dot_general3A_20 {dimension_numbers = #tpu.dot_dimension_numbers<[1], [0], [0], [1], [0, 0, 1, 1], [], []>, transpose_lhs_hint = false} : vector<1024x128xf32>, vector<128x128xf32>, vector<1024x128xf32> -> vector<1024x128xf32>
    %add3A_22 = arith.addf %add3A, %dot_general3A_21 : vector<1024x128xf32>
    %get3A_23 = arith.constant 0 : index
    %get3A_24 = arith.constant 0 : index
    %get3A_25 = vector.load %arg5[%get3A_23, %get3A_24] : memref<1x128xf32, #tpu.memory_space<vmem>>, vector<1x128xf32>
    %add3A_26 = vector.broadcast %get3A_25 : vector<1x128xf32> to vector<1024x128xf32>
    %add3A_27 = arith.addf %add3A_22, %add3A_26 : vector<1024x128xf32>
    %max3A = arith.constant 0.000000e+00 : f32
    %max3A_28 = vector.broadcast %max3A : f32 to vector<1024x128xf32>
    %max3A_29 = arith.maximumf %add3A_27, %max3A_28 : vector<1024x128xf32>
    %get3A_30 = arith.constant 0 : index
    %get3A_31 = arith.constant 0 : index
    %get3A_32 = arith.constant 0 : index
    %get3A_33 = vector.load %arg6[%get3A_30, %get3A_31, %get3A_32] : memref<1x1x1024xi32, #tpu.memory_space<vmem>>, vector<1x1x1024xi32>
    %get3A_34 = vector.shape_cast %get3A_33 : vector<1x1x1024xi32> to vector<1024xi32>
    %broadcast_in_dim3A = vector.shape_cast %get3A_34 : vector<1024xi32> to vector<1024x1xi32>
    %iota3A = tpu.iota {dimensions = array<i32: 1>} : vector<1024x64xi32>
    %eq3A = vector.broadcast %broadcast_in_dim3A : vector<1024x1xi32> to vector<1024x64xi32>
    %eq3A_35 = arith.cmpi eq, %eq3A, %iota3A : vector<1024x64xi32>
    %convert_element_type3A = arith.extui %eq3A_35 : vector<1024x64xi1> to vector<1024x64xi32>
    %convert_element_type3A_36 = arith.sitofp %convert_element_type3A : vector<1024x64xi32> to vector<1024x64xf32>
    %broadcast_in_dim3A_37 = arith.constant 1.000000e+00 : f32
    %broadcast_in_dim3A_38 = vector.broadcast %broadcast_in_dim3A_37 : f32 to vector<1024x128xf32>
    %concatenate3A = tpu.concatenate %max3A_29, %broadcast_in_dim3A_38 in 1 : vector<1024x128xf32>, vector<1024x128xf32> -> vector<1024x256xf32>
    %dot_general3A_39 = arith.constant dense<0.000000e+00> : vector<64x256xf32>
    %dot_general3A_40 = tpu.matmul %convert_element_type3A_36, %concatenate3A, %dot_general3A_39 {dimension_numbers = #tpu.dot_dimension_numbers<[0], [0], [1], [1], [0, 1, 1, 1], [], []>, transpose_lhs_hint = false} : vector<1024x64xf32>, vector<1024x256xf32>, vector<64x256xf32> -> vector<64x256xf32>
    %eq3A_41 = arith.constant 0 : i32
    %eq3A_42 = arith.cmpi eq, %arg0, %eq3A_41 : i32
    %convert_element_type3A_43 = arith.extui %eq3A_42 : i1 to i32
    %cond3A = arith.constant 0 : i32
    %cond3A_44 = arith.cmpi ne, %convert_element_type3A_43, %cond3A : i32
    scf.if %cond3A_44 {
      %broadcast_in_dim3A_56 = arith.constant 0.000000e+00 : f32
      %broadcast_in_dim3A_57 = vector.broadcast %broadcast_in_dim3A_56 : f32 to vector<64x256xf32>
      %swap3A_58 = arith.constant 0 : index
      %swap3A_59 = arith.constant 0 : index
      %swap3A_60 = vector.load %arg10[%swap3A_58, %swap3A_59] : memref<64x256xf32, #tpu.memory_space<vmem>>, vector<64x256xf32>
      tpu.vector_store %arg10[%swap3A_58, %swap3A_59], %broadcast_in_dim3A_57 {strides = array<i32>} : memref<64x256xf32, #tpu.memory_space<vmem>>, vector<64x256xf32>,
    } else {
    }
    %get3A_45 = arith.constant 0 : index
    %get3A_46 = arith.constant 0 : index
    %get3A_47 = vector.load %arg10[%get3A_45, %get3A_46] : memref<64x256xf32, #tpu.memory_space<vmem>>, vector<64x256xf32>
    %add3A_48 = arith.addf %get3A_47, %dot_general3A_40 : vector<64x256xf32>
    %swap3A = arith.constant 0 : index
    %swap3A_49 = arith.constant 0 : index
    %swap3A_50 = vector.load %arg10[%swap3A, %swap3A_49] : memref<64x256xf32, #tpu.memory_space<vmem>>, vector<64x256xf32>
    tpu.vector_store %arg10[%swap3A, %swap3A_49], %add3A_48 {strides = array<i32>} : memref<64x256xf32, #tpu.memory_space<vmem>>, vector<64x256xf32>,
    %eq3A_51 = arith.constant 9 : i32
    %eq3A_52 = arith.cmpi eq, %arg0, %eq3A_51 : i32
    %convert_element_type3A_53 = arith.extui %eq3A_52 : i1 to i32
    %cond3A_54 = arith.constant 0 : i32
    %cond3A_55 = arith.cmpi ne, %convert_element_type3A_53, %cond3A_54 : i32
    scf.if %cond3A_55 {
      %get3A_56 = arith.constant 0 : index
      %get3A_57 = arith.constant 0 : index
      %get3A_58 = vector.load %arg10[%get3A_56, %get3A_57] : memref<64x256xf32, #tpu.memory_space<vmem>>, vector<64x256xf32>
      %slice3A = vector.extract_strided_slice %get3A_58 {offsets = [0, 128], sizes = [64, 128], strides = [1, 1]} : vector<64x256xf32> to vector<64x128xf32>
      %reduce_max3A = arith.constant dense<0xFF800000> : vector<64xf32>
      %reduce_max3A_59 = vector.multi_reduction <maximumf>, %slice3A, %reduce_max3A [1] : vector<64x128xf32> to vector<64xf32>
      %broadcast_in_dim3A_60 = vector.shape_cast %reduce_max3A_59 : vector<64xf32> to vector<64x1xf32>
      %slice3A_61 = vector.extract_strided_slice %get3A_58 {offsets = [0, 0], sizes = [64, 128], strides = [1, 1]} : vector<64x256xf32> to vector<64x128xf32>
      %max3A_62 = arith.constant 1.000000e+00 : f32
      %max3A_63 = vector.broadcast %max3A_62 : f32 to vector<64x1xf32>
      %max3A_64 = arith.maximumf %broadcast_in_dim3A_60, %max3A_63 : vector<64x1xf32>
      %div3A = vector.broadcast %max3A_64 : vector<64x1xf32> to vector<64x128xf32>
      %div3A_65 = arith.divf %slice3A_61, %div3A : vector<64x128xf32>
      %get3A_66 = arith.constant 0 : index
      %get3A_67 = arith.constant 0 : index
      %get3A_68 = vector.load %arg7[%get3A_66, %get3A_67] : memref<128x64xf32, #tpu.memory_space<vmem>>, vector<128x64xf32>
      %dot_general3A_69 = arith.constant dense<0.000000e+00> : vector<64x64xf32>
      %dot_general3A_70 = tpu.matmul %div3A_65, %get3A_68, %dot_general3A_69 {dimension_numbers = #tpu.dot_dimension_numbers<[1], [0], [0], [1], [0, 0, 1, 1], [], []>, transpose_lhs_hint = false} : vector<64x128xf32>, vector<128x64xf32>, vector<64x64xf32> -> vector<64x64xf32>
      %get3A_71 = arith.constant 0 : index
      %get3A_72 = arith.constant 0 : index
      %get3A_73 = vector.load %arg8[%get3A_71, %get3A_72] : memref<1x64xf32, #tpu.memory_space<vmem>>, vector<1x64xf32>
      %add3A_74 = vector.broadcast %get3A_73 : vector<1x64xf32> to vector<64x64xf32>
      %add3A_75 = arith.addf %dot_general3A_70, %add3A_74 : vector<64x64xf32>
      %swap3A_76 = arith.constant 0 : index
      %swap3A_77 = arith.constant 0 : index
      %swap3A_78 = vector.load %arg9[%swap3A_76, %swap3A_77] : memref<64x64xf32, #tpu.memory_space<vmem>>, vector<64x64xf32>
      tpu.vector_store %arg9[%swap3A_76, %swap3A_77], %add3A_75 {strides = array<i32>} : memref<64x64xf32, #tpu.memory_space<vmem>>, vector<64x64xf32>,
    } else {
    }
    return
  }
  func.func @transform_0(%arg0: i32) -> (i32, i32) {
    %c0_i32 = arith.constant 0 : i32
    %c0_i32_0 = arith.constant 0 : i32
    return %arg0, %c0_i32 : i32, i32
  }
  func.func @transform_1(%arg0: i32) -> (i32, i32) {
    %c0_i32 = arith.constant 0 : i32
    %c0_i32_0 = arith.constant 0 : i32
    return %arg0, %c0_i32 : i32, i32
  }
  func.func @transform_2(%arg0: i32) -> (i32, i32) {
    %c0_i32 = arith.constant 0 : i32
    %c0_i32_0 = arith.constant 0 : i32
    return %arg0, %c0_i32 : i32, i32
  }
  func.func @transform_3(%arg0: i32) -> (i32, i32) {
    %c0_i32 = arith.constant 0 : i32
    %c0_i32_0 = arith.constant 0 : i32
    %c0_i32_1 = arith.constant 0 : i32
    return %c0_i32, %c0_i32_0 : i32, i32
  }
  func.func @transform_4(%arg0: i32) -> (i32, i32) {
    %c0_i32 = arith.constant 0 : i32
    %c0_i32_0 = arith.constant 0 : i32
    %c0_i32_1 = arith.constant 0 : i32
    return %c0_i32, %c0_i32_0 : i32, i32
  }
  func.func @transform_5(%arg0: i32) -> (i32, i32, i32) {
    %c0_i32 = arith.constant 0 : i32
    %c0_i32_0 = arith.constant 0 : i32
    %c0_i32_1 = arith.constant 0 : i32
    return %arg0, %c0_i32, %c0_i32_0 : i32, i32, i32
  }
  func.func @transform_6(%arg0: i32) -> (i32, i32) {
    %c0_i32 = arith.constant 0 : i32
    %c0_i32_0 = arith.constant 0 : i32
    %c0_i32_1 = arith.constant 0 : i32
    return %c0_i32, %c0_i32_0 : i32, i32
  }
  func.func @transform_7(%arg0: i32) -> (i32, i32) {
    %c0_i32 = arith.constant 0 : i32
    %c0_i32_0 = arith.constant 0 : i32
    %c0_i32_1 = arith.constant 0 : i32
    return %c0_i32, %c0_i32_0 : i32, i32
  }
  func.func @transform_8(%arg0: i32) -> (i32, i32) {
    %c0_i32 = arith.constant 0 : i32
    %c0_i32_0 = arith.constant 0 : i32
    %c0_i32_1 = arith.constant 0 : i32
    return %c0_i32, %c0_i32_0 : i32, i32
  }
}

</mosaic_0001>

<sc_bundles>
// kernel: kernel.13.cloned.1.call-start
scs
__scs_entry_jumppad:
0x0: {  	(pc) =	sbr.rel $0x88, $3  }
0x1: {  	(tag) =	ssettag $0x0;
	lr =	simm.s32 $0x1  }
0x2: {  	[smem:$0x3F88] =	sst lr;
	_ =	strace $0xD0000000  }
0x3: {  	_ = 	snop  }
0x4: {  	_ = 	snop  }
0x5: {  	_ = 	snop  }
0x6: {  	_ = 	snop  }
0x7: {  	_ = 	snop  }
__scs_overlays_trampoline_lowered:
0x8: {  	[smem:$0x3F97] =	sst s0  }
0x9: {  	[smem:$0x3F98] =	sst s1  }
0xa: {  	[smem:$0x3F99] =	sst s2  }
0xb: {  	[smem:$0x3F9A] =	sst s3  }
0xc: {  	[smem:$0x3F9B] =	sst s4  }
0xd: {  	[smem:$0x3F9C] =	sst s5  }
0xe: {  	[smem:$0x3F9D] =	sst s6  }
0xf: {  	[smem:$0x3F9E] =	sst s7  }
0x10: {  	[smem:$0x3F9F] =	sst s8  }
0x11: {  	[smem:$0x3FA0] =	sst s9;
	s0 =	simm.s32 @!p0 $0x0  }
0x12: {  	s1 =	sld [smem:$0x3F86];
	s0 =	simm.s32 @p0 $0x1  }
0x13: {  	[smem:$0x3FA1] =	sst s0;
	s0 =	simm.s32 @!p1 $0x0  }
0x14: {  	s2 =	sld [smem:$0x3F85];
	s0 =	simm.s32 @p1 $0x1  }
0x15: {  	[smem:$0x3FA2] =	sst s0;
	s0 =	simm.s32 @!p2 $0x0  }
0x16: {  	s3 =	sld [smem:$0x3FDB];
	s0 =	simm.s32 @p2 $0x1  }
0x17: {  	s4 =	simm.s32 $0x1BF5;
	[smem:$0x3FA4] =	sst s0  }
0x18: {  	s0 =	sld [smem:$0x3F87];
	_ =	swait.ge [sflag:s4], $0x0  }
0x19: {  	s7 =	sld [smem:$0x3F88]  }
0x1a: {  	s8 =	sadd.s32 $0xFFFFE003, lr  }
0x1b: {  	s9 =	sadd.s32 $0xFFFFFEF7, lr;
	s5 =	simm.s32 $0xFFFFFFFF;
	p2 =	slt.u32 s8, $0xFFFFF086  }
0x1c: {  	p1 =	slt.u32 s9, $0xF7A;
	s5 =	simm.s32 @!p2 $0x0  }
0x1d: {  	s5 =	simm.s32 @p1 $0x1;
	p0 =	seq.s32 s7, s2  }
0x1e: {  	s7 =	smul.u32 @!p0 $0xF7A, s2;
	p2 =	seq.s32 @!p0 s5, $0x0  }
0x1f: {  	s9 =	smul.u32 $0xF7A, s1;
	s8 =	simm.s32 @!p0 $0x1BF5;
	p2 =	por !p2, p0  }
0x20: {  	[sflag:s8] =	ssyncset.s32 @!p0 $0xFFFFF086;
	s6 =	sadd.s32 @!p0 s3, s7;
	s7 =	simm.s32 @!p0 $0x108  }
0x21: {  	s3 =	sadd.s32 s3, s9;
	s6 =	sadd.s32 @!p0 $0x88, s6;
	s7 =	simm.s32 @p2 $0x1082  }
0x22: {  	[simem:s7], [sflag:s8] =	dma.local @!p0 [hbm:s6], $0xF7A  }
0x23: {  	s9 =	sor.u32 $0xD0000000, s2;
	s6 =	simm.s32 $0x108;
	_ =	swait.ge @!p0 [sflag:s8], $0x0  }
0x24: {  	s3 =	sadd.s32 $0x88, s3;
	s6 =	simm.s32 @!p1 $0x1082;
	[sflag:s4] =	ssyncset.s32 $0xFFFFF086  }
0x25: {  	[simem:s6], [sflag:s4] =	dma.local [hbm:s3], $0xF7A  }
0x26: {  	[smem:$0x3F88] =	sst s1;
	(tag) =	ssettag s2;
	_ =	strace s9  }
0x27: {  	s1 =	sld [smem:$0x3F98]  }
0x28: {  	s2 =	sld [smem:$0x3F99]  }
0x29: {  	s4 =	sld [smem:$0x3F9B]  }
0x2a: {  	p0 =	seq.s32 s5, $0x0;
	s5 =	sld [smem:$0x3F9C]  }
0x2b: {  	s6 =	sld [smem:$0x3F9D]  }
0x2c: {  	s7 =	sld [smem:$0x3F9E]  }
0x2d: {  	s3 =	simm.s32 $0x108;
	s8 =	sld [smem:$0x3F9F]  }
0x2e: {  	s3 =	simm.s32 @!p0 $0x1082;
	s9 =	sld [smem:$0x3FA0]  }
0x2f: {  	lr =	sadd.s32 s0, s3;
	s0 =	sld [smem:$0x3F97]  }
0x30: {  	s3 =	sld [smem:$0x3F9A]  }
0x31: {  	[smem:$0x3FA3] =	sst s10  }
0x32: {  	s10 =	sld [smem:$0x3FA1];
	_ =	sdelay $0x3  }
0x33: {  	p0 =	seq.s32 s10, $0x1;
	s10 =	sld [smem:$0x3FA3];
	_ =	sdelay $0x3  }
0x34: {  	[smem:$0x3FA3] =	sst s10  }
0x35: {  	s10 =	sld [smem:$0x3FA2];
	_ =	sdelay $0x3  }
0x36: {  	p1 =	seq.s32 s10, $0x1;
	s10 =	sld [smem:$0x3FA3];
	_ =	sdelay $0x3  }
0x37: {  	[smem:$0x3FA3] =	sst s10  }
0x38: {  	s10 =	sld [smem:$0x3FA4]  }
0x39: {  	_ = 	snop;
	(pc) =	sbr.ind lr, $3  }
0x3a: {  	_ = 	snop  }
0x3b: {  	_ = 	snop  }
0x3c: {  	p2 =	seq.s32 s10, $0x1;
	s10 =	sld [smem:$0x3FA3]  }
0x3d: {  	_ =	shalt  }
0x3e: {  	_ =	shalt  }
0x3f: {  	_ =	shalt  }
0x40: {  	_ =	shalt  }
0x41: {  	_ =	shalt  }
0x42: {  	_ =	shalt  }
0x43: {  	_ =	shalt  }
0x44: {  	_ =	shalt  }
0x45: {  	_ =	shalt  }
0x46: {  	_ =	shalt  }
0x47: {  	_ =	shalt  }
0x48: {  	_ =	shalt  }
0x49: {  	_ =	shalt  }
0x4a: {  	_ =	shalt  }
0x4b: {  	_ =	shalt  }
0x4c: {  	_ =	shalt  }
0x4d: {  	_ =	shalt  }
0x4e: {  	_ =	shalt  }
0x4f: {  	_ =	shalt  }
0x50: {  	_ =	shalt  }
0x51: {  	_ =	shalt  }
0x52: {  	_ =	shalt  }
0x53: {  	_ =	shalt  }
0x54: {  	_ =	shalt  }
0x55: {  	_ =	shalt  }
0x56: {  	_ =	shalt  }
0x57: {  	_ =	shalt  }
0x58: {  	_ =	shalt  }
0x59: {  	_ =	shalt  }
0x5a: {  	_ =	shalt  }
0x5b: {  	_ =	shalt  }
0x5c: {  	_ =	shalt  }
0x5d: {  	_ =	shalt  }
0x5e: {  	_ =	shalt  }
0x5f: {  	_ =	shalt  }
0x60: {  	_ =	shalt  }
0x61: {  	_ =	shalt  }
0x62: {  	_ =	shalt  }
0x63: {  	_ =	shalt  }
0x64: {  	_ =	shalt  }
0x65: {  	_ =	shalt  }
0x66: {  	_ =	shalt  }
0x67: {  	_ =	shalt  }
0x68: {  	_ =	shalt  }
0x69: {  	_ =	shalt  }
0x6a: {  	_ =	shalt  }
0x6b: {  	_ =	shalt  }
0x6c: {  	_ =	shalt  }
0x6d: {  	_ =	shalt  }
0x6e: {  	_ =	shalt  }
0x6f: {  	_ =	shalt  }
0x70: {  	_ =	shalt  }
0x71: {  	_ =	shalt  }
0x72: {  	_ =	shalt  }
0x73: {  	_ =	shalt  }
0x74: {  	_ =	shalt  }
0x75: {  	_ =	shalt  }
0x76: {  	_ =	shalt  }
0x77: {  	_ =	shalt  }
0x78: {  	_ =	shalt  }
0x79: {  	_ =	shalt  }
0x7a: {  	_ =	shalt  }
0x7b: {  	_ =	shalt  }
0x7c: {  	_ =	shalt  }
0x7d: {  	_ =	shalt  }
0x7e: {  	_ =	shalt  }
0x7f: {  	_ =	shalt  }
0x80: {  	_ =	shalt  }
0x81: {  	_ =	shalt  }
0x82: {  	_ =	shalt  }
0x83: {  	_ =	shalt  }
0x84: {  	_ =	shalt  }
0x85: {  	_ =	shalt  }
0x86: {  	_ =	shalt  }
0x87: {  	_ =	shalt  }
.Lfunc_end0:
.L_simem_size_0:
called_computation_lowered:
.L_overlay_start_0:
0x88: {  	s2 =	sld [smem:$0x3FD9]  }
0x89: {  	s3 =	sld [smem:$0x3FFE];
	_ =	sdelay $0x1  }
0x8a: {  	s1 =	srdreg.scid  }
0x8b: {  	s0 =	sand.u32 $0x1, s1  }
0x8c: {  	s17 =	sshll.u32 s0, $0xA;
	s2 =	sadd.s32 s3, s2  }
0x8d: {  	s2 =	sadd.s32 s2, s17  }
0x8e: {  	[smem:$0x3FAF] =	sst s2  }
0x8f: {  	_ = 	snop  }
0x90: {  	(tm) =	ssettm $0x1  }
0x91: {  	s18 =	sld [smem:$0x3FFB];
	_ =	sdelay $0x3  }
0x92: {  	_ =	strace s18  }
0x93: {  	s2 =	sld [smem:$0x3FFC];
	_ =	sdelay $0x3  }
0x94: {  	_ =	strace s2  }
0x95: {  	s2 =	sld [smem:$0x3FFD];
	_ =	sdelay $0x3  }
0x96: {  	_ =	strace s2  }
0x97: {  	_ =	strace $0x8FFFFFFF  }
0x98: {  	s19 =	sld [smem:$0x3FDB];
	_ =	sdelay $0x1  }
0x99: {  	s20 =	simm.s32 $_scs_section_size  }
0x9a: {  	s4 =	simm.s32 $_size__tile_overlayer_lowered;
	s5 =	simm.s32 $_tile_overlayer_lowered  }
0x9b: {  	s6 =	simm.s32 $0x1BFF;
	s21 =	sshll.u32 s5, $0x1;
	s3 =	sadd.s32 s20, s19  }
0x9c: {  	s22 =	simm.s32 $0x0;
	s4 =	sshll.u32 s4, $0x1;
	s5 =	sadd.s32 s21, s3  }
0x9d: {  	[timem:s22], [sflag:s6] =	dma.local [hbm:s5], s4  }
0x9e: {  	_ =	swait.ge [sflag:s6], s4  }
0x9f: {  	s4 =	ssub.s32 $0x0, s4;
	[sflag:s6] =	ssyncset.done $0x0  }
0xa0: {  	[sflag:s6] =	ssyncadd.s32 s4;
	_ =	sdelay $0x1  }
0xa1: {  	s23 =	simm.s32 $0x1B8B  }
0xa2: {  	_ =	swait.ge [sflag:s23], $0x1  }
0xa3: {  	[sflag:s23] =	ssyncset.done $0x0  }
0xa4: {  	[sflag:s23] =	ssyncadd.s32 $0xFFFFFFFF  }
0xa5: {  	s4 =	sld [smem:$0x0]  }
0xa6: {  	s5 =	sand.u32 $0xFFFFFFFE, s1  }
0xa7: {  	p0 =	sne.s32 s1, s5  }
0xa8: {  	s5 =	sshll.u32 @p0 s5, $0xE  }
0xa9: {  	s5 =	sadd.s32 @p0 $0x11B8D, s5;
	s6 =	sshll.u32 @p0 s4, $0x11  }
0xaa: {  	s5 =	sor.u32 @p0 s6, s5  }
0xab: {  	[sflag:s5] =	ssyncadd.remote.s32 @p0 $0x1;
	_ =	sdelay $0x1  }
0xac: {  	s5 =	simm.s32 @p0 $0x1B8D  }
0xad: {  	_ =	swait.eq @p0 [sflag:s5], $0x1  }
0xae: {  	[sflag:s5] =	ssyncadd.s32 @p0 $0xFFFFFFFF  }
0xaf: {  	s6 =	sshll.u32 @!p0 s1, $0xE  }
0xb0: {  	s6 =	sor.u32 @!p0 $0x4000, s6;
	s5 =	simm.s32 @!p0 $0x1B8D  }
0xb1: {  	s4 =	sshll.u32 @!p0 s4, $0x11;
	s6 =	sadd.s32 @!p0 $0x11B8D, s6;
	_ =	swait.eq @!p0 [sflag:s5], $0x1  }
0xb2: {  	s4 =	sor.u32 @!p0 s4, s6;
	[sflag:s5] =	ssyncadd.s32 @!p0 $0xFFFFFFFF  }
0xb3: {  	s25 =	simm.s32 $0x1B8E;
	s24 =	sld [smem:$0x3FFE];
	[sflag:s4] =	ssyncadd.remote.s32 @!p0 $0x1  }
0xb4: {  	s26 =	simm.s32 $execute0_lowered;
	[smem:$0x3FD2] =	sst s25  }
0xb5: {  	s5 =	sshll.u32 s26, $0x1;
	_ =	strace $0x80000049;
	[dreg:$0x1] =	wrdreg $0xFFFFFFFF  }
0xb6: {  	s28 =	simm.s32 $_size_execute0_lowered;
	s3 =	sadd.s32 s3, s5;
	[dreg:$0x0] =	wrdreg $0x0  }
0xb7: {  	s5 =	sshll.u32 s28, $0x1;
	[dreg:$0x2] =	wrdreg s3  }
0xb8: {  	[dreg:$0x3] =	wrdreg s5  }
0xb9: {  	[dreg:$0x4] =	wrdreg $0xC0  }
0xba: {  	_ =	task [dreg:s22], $0x5FFFF  }
0xbb: {  	[dreg:$0x1] =	wrdreg $0xFFFFFFFF  }
0xbc: {  	[dreg:$0x0] =	wrdreg $0x60  }
0xbd: {  	[dreg:$0x2] =	wrdreg s24  }
0xbe: {  	[dreg:$0x3] =	wrdreg $0x40800  }
0xbf: {  	[dreg:$0x4] =	wrdreg $0x9  }
0xc0: {  	_ =	task.clear_ibuf [dreg:s22], $0x5FFFF;
	_ =	strace $0x90000049  }
0xc1: {  	s29 =	simm.s32 $0x9;
	_ =	strace $0x8000004B  }
0xc2: {  	_ =	swait.ge [sflag:s29], $0x1  }
0xc3: {  	[sflag:s29] =	ssyncadd.s32 $0xFFFFFFFF  }
0xc4: {  	_ =	strace $0x9000004B  }
0xc5: {  	_ =	sfence  }
0xc6: {  	s30 =	sld [smem:$0x0];
	_ =	sdelay $0x2  }
0xc7: {  	s31 =	sshll.u32 s1, $0xD;
	s1 =	sshrl.u32 s1, $0x2  }
0xc8: {  	s4 =	sand.u32 $0x4000, s31;
	s1 =	sadd.s32 s1, s30  }
0xc9: {  	s0 =	sor.u32 s4, s0;
	s1 =	sshll.u32 s1, $0x11  }
0xca: {  	s0 =	sor.u32 s1, s0  }
0xcb: {  	s0 =	sadd.s32 $0x8F2B, s0  }
0xcc: {  	[sflag:s0] =	ssyncadd.remote.s32 $0x1  }
0xcd: {  	_ =	sfence.sel $0xFFFF  }
0xce: {  	[dreg:$0x0] =	wrdreg $0xFFFFFFFF;
	(pc) =	sbr.abs _section_cstart, $3  }
0xcf: {  	[dreg:$0x1] =	wrdreg $0xFFFFFFFF  }
0xd0: {  	_ =	task.clear_ibuf [dreg:s22], $0x2FFFF;
	_ =	strace $0x9FFFFFFF  }
0xd1: {  	(tm) =	ssettm $0x7FFFFFFF  }
tec
execute0_lowered:
.L_overlay_start_1:
0x0: {  	(tag) =	ssettag $0x1  }
0x1: {  	s4 =	rddreg [dreg:$0x0];
	s0 =	srdreg.scid  }
0x2: {  	s2 =	rddreg [dreg:$0x1];
	s1 =	stileid.u32  }
0x3: {  	s3 =	simm.s32 $0x0;
	s12 =	simm.s32 $0x80;
	s7 =	smul.u32 $0x14000, s1  }
0x4: {  	s13 =	simm.s32 $0x1;
	s16 =	simm.s32 $0x0;
	s8 =	smul.u32 $0x9E0, s1  }
0x5: {  	s5 =	sand.u32 $0x1, s0;
	s0 =	rddreg [dreg:$0x2];
	s9 =	smul.u32 $0x50000, s1  }
0x6: {  	[smem:$0x7FF] =	sst s3;
	s14 =	sshll.u32 s1, $0x6;
	s6 =	smul.u32 $0x140000, s5  }
0x7: {  	_ =	strace $0x8000004A;
	s28 =	ssub.s32 $0x2, s5;
	s31 =	smul.u32 $0x4F0, s5  }
0x8: {  	s14 =	sor.u32 $0x1C01, s14;
	s10 =	sadd.s32 s8, s4;
	s6 =	sadd.s32 s7, s6  }
0x9: {  	s29 =	sshrl.u32 s28, $0x1;
	s30 =	sshrl.u32 s9, $0x2;
	s6 =	sshrl.u32 s6, $0x3  }
0xa: {  	s7 =	ssub.s32 s28, s29;
	s11 =	sadd.s32 s31, s10;
	s6 =	sadd.s32 s6, s4  }
0xb: {  	s11 =	sadd.s32 $0x4800, s11;
	s4 =	sadd.s32 s30, s2;
	s5 =	sadd.s32 $0x90400, s6  }
0xc: {  	s6 =	smax.u32 s7, $0x1;
	s7 =	sadd.s32 $0x4000, s4;
	s8 =	sadd.s32 $0x8000, s4  }
0xd: {  	v0 =	vimm.f32 $0.0e+00;
	v1 =	vimm.f32 $1.000000000e+00;
	s9 =	sadd.s32 $0xC000, s4;
	s10 =	sadd.s32 $0x10000, s4;
	s15 =	sshrl.u32 s4, $0x3  }
.LBB2_1:
0xe: {  	s17 =	simm.s32 $0x0;
	s18 =	simm.s32 $0x200  }
.LBB2_2:
0xf: {  	p0 =	sne.s32 s18, $0xFE00;
	[tilespmem:s17+$0xF0] =	vst v0  }
0x10: {  	[tilespmem:s17+$0x80] =	vst v0  }
0x11: {  	[tilespmem:s17+$0x90] =	vst v0  }
.Ltmp0:
0x12: {  	[tilespmem:s17+$0xA0] =	vst v0;
	(pc) =	sbr.rel @p0 .LBB2_2-.Ltmp0, $4  }
0x13: {  	[tilespmem:s17+$0xB0] =	vst v0  }
0x14: {  	[tilespmem:s17+$0xC0] =	vst v0  }
0x15: {  	[tilespmem:s17+$0xD0] =	vst v0  }
0x16: {  	[tilespmem:s17+$0xE0] =	vst v0;
	s17 =	sshra.s32 s18, $0x2;
	s18 =	sadd.s32 $0x200, s18  }
0x17: {  	[tilespmem:s17+$0xF0] =	vst v0  }
0x18: {  	[tilespmem:s17+$0x80] =	vst v0  }
0x19: {  	[tilespmem:s17+$0x90] =	vst v0  }
0x1a: {  	[tilespmem:s17+$0xA0] =	vst v0  }
0x1b: {  	[tilespmem:s17+$0xB0] =	vst v0  }
0x1c: {  	[tilespmem:s17+$0xC0] =	vst v0  }
0x1d: {  	[tilespmem:s17+$0xD0] =	vst v0  }
0x1e: {  	[tilespmem:s17+$0xE0] =	vst v0  }
0x1f: {  	[spmem:s4] =	stream.linear.scatter [tilespmem:s12], [sflag:$0x1], $0x4000, $0x38;
	[tilespmem:$0x18080] =	vst v63  }
0x20: {  	_ =	swait.ge [sflag:s13], $0x4000  }
0x21: {  	[sflag:s13] =	ssyncset.done $0x0  }
0x22: {  	[sflag:s13] =	ssyncadd.s32 $0xFFFFC000  }
0x23: {  	[spmem:s7] =	stream.linear.scatter [tilespmem:s12], [sflag:$0x1], $0x4000, $0x38;
	[tilespmem:$0x18080] =	vst v63  }
0x24: {  	_ =	swait.ge [sflag:s13], $0x4000  }
0x25: {  	[sflag:s13] =	ssyncset.done $0x0  }
0x26: {  	[sflag:s13] =	ssyncadd.s32 $0xFFFFC000  }
0x27: {  	[spmem:s8] =	stream.linear.scatter [tilespmem:s12], [sflag:$0x1], $0x4000, $0x38;
	[tilespmem:$0x18080] =	vst v63  }
0x28: {  	_ =	swait.ge [sflag:s13], $0x4000  }
0x29: {  	[sflag:s13] =	ssyncset.done $0x0  }
0x2a: {  	[sflag:s13] =	ssyncadd.s32 $0xFFFFC000  }
0x2b: {  	[spmem:s9] =	stream.linear.scatter [tilespmem:s12], [sflag:$0x1], $0x4000, $0x38;
	[tilespmem:$0x18080] =	vst v63  }
0x2c: {  	_ =	swait.ge [sflag:s13], $0x4000  }
0x2d: {  	[sflag:s13] =	ssyncset.done $0x0  }
0x2e: {  	[sflag:s13] =	ssyncadd.s32 $0xFFFFC000  }
0x2f: {  	[spmem:s10] =	stream.linear.scatter [tilespmem:s12], [sflag:$0x1], $0x4000, $0x38;
	[tilespmem:$0x18080] =	vst v63  }
0x30: {  	_ =	swait.ge [sflag:s13], $0x4000  }
0x31: {  	[sflag:s13] =	ssyncset.done $0x0  }
0x32: {  	s17 =	simm.s32 $0x0;
	s18 =	simm.s32 $0x200;
	[sflag:s13] =	ssyncadd.s32 $0xFFFFC000  }
.LBB2_4:
0x33: {  	p0 =	sne.s32 s18, $0xFE00;
	[tilespmem:s17+$0xF0] =	vst v1  }
0x34: {  	[tilespmem:s17+$0x80] =	vst v1  }
0x35: {  	[tilespmem:s17+$0x90] =	vst v1  }
.Ltmp1:
0x36: {  	[tilespmem:s17+$0xA0] =	vst v1;
	(pc) =	sbr.rel @p0 .LBB2_4-.Ltmp1, $4  }
0x37: {  	[tilespmem:s17+$0xB0] =	vst v1  }
0x38: {  	[tilespmem:s17+$0xC0] =	vst v1  }
0x39: {  	[tilespmem:s17+$0xD0] =	vst v1  }
0x3a: {  	[tilespmem:s17+$0xE0] =	vst v1;
	s17 =	sshra.s32 s18, $0x2;
	s18 =	sadd.s32 $0x200, s18  }
0x3b: {  	[tilespmem:s17+$0xF0] =	vst v1  }
0x3c: {  	[tilespmem:s17+$0x80] =	vst v1  }
0x3d: {  	[tilespmem:s17+$0x90] =	vst v1  }
0x3e: {  	[tilespmem:s17+$0xA0] =	vst v1  }
0x3f: {  	[tilespmem:s17+$0xB0] =	vst v1  }
0x40: {  	[tilespmem:s17+$0xC0] =	vst v1  }
0x41: {  	[tilespmem:s17+$0xD0] =	vst v1  }
0x42: {  	[tilespmem:s17+$0xE0] =	vst v1  }
0x43: {  	s31 =	sadd.s32 $0x0, s11;
	[bflag:$0x0] =	sbarrier.arrive $0xFFFF  }
0x44: {  	[tilespmem:s3], [sflag:$0x1] =	stream.linear.gather [hbm4b:s31+s3], $0x80, $0x38;
	[tilespmem:$0x18080] =	vst v63  }
0x45: {  	_ =	swait.ge [sflag:s13], $0x80  }
0x46: {  	[sflag:s13] =	ssyncset.done $0x0  }
0x47: {  	[sflag:s13] =	ssyncadd.s32 $0xFFFFFF80  }
0x48: {  	[spmem:s2] =	stream.indirect.scatter.add.f32 [tilespmem:s12], [sflag:$0x1], $0x80, s3, s12, $0xb8;
	[tilespmem:$0x18080] =	vst v63  }
0x49: {  	_ =	swait.ge [sflag:s13], $0x4000  }
0x4a: {  	s17 =	simm.s32 $0x10;
	s18 =	simm.s32 $0x20;
	[sflag:s13] =	ssyncset.done $0x0  }
.LBB2_6:
0x4b: {  	s19 =	sadd.s32 s17, s11  }
0x4c: {  	[sflag:s13] =	ssyncadd.s32 $0xFFFFC000;
	s17 =	smov.u32 s18;
	s20 =	sadd.s32 $0x10, s18  }
0x4d: {  	[tilespmem:s3], [sflag:$0x1] =	stream.linear.gather [hbm4b:s19+s3], $0x80, $0x38;
	[tilespmem:$0x18080] =	vst v63  }
0x4e: {  	p0 =	sne.s32 s18, $0x4E0;
	_ =	swait.ge [sflag:s13], $0x80  }
.Ltmp2:
0x4f: {  	[sflag:s13] =	ssyncset.done $0x0;
	(pc) =	sbr.rel @p0 .LBB2_6-.Ltmp2, $4  }
0x50: {  	[sflag:s13] =	ssyncadd.s32 $0xFFFFFF80  }
0x51: {  	[spmem:s2] =	stream.indirect.scatter.add.f32 [tilespmem:s12], [sflag:$0x1], $0x80, s3, s12, $0xb8;
	[tilespmem:$0x18080] =	vst v63  }
0x52: {  	_ =	swait.ge [sflag:s13], $0x4000  }
0x53: {  	s18 =	smov.u32 s20;
	[sflag:s13] =	ssyncset.done $0x0  }
0x54: {  	s17 =	sadd.s32 s17, s11;
	[sflag:s13] =	ssyncadd.s32 $0xFFFFC000  }
0x55: {  	[tilespmem:s3], [sflag:$0x1] =	stream.linear.gather [hbm4b:s17+s3], $0x80, $0x38;
	[tilespmem:$0x18080] =	vst v63  }
0x56: {  	_ =	swait.ge [sflag:s13], $0x80  }
0x57: {  	[sflag:s13] =	ssyncset.done $0x0  }
0x58: {  	[sflag:s13] =	ssyncadd.s32 $0xFFFFFF80  }
0x59: {  	[spmem:s2] =	stream.indirect.scatter.add.f32 [tilespmem:s12], [sflag:$0x1], $0x80, s3, s12, $0xb8;
	[tilespmem:$0x18080] =	vst v63  }
0x5a: {  	_ =	swait.ge [sflag:s13], $0x4000  }
0x5b: {  	s16 =	sadd.s32 $0x1, s16;
	[sflag:s13] =	ssyncset.done $0x0  }
0x5c: {  	p0 =	sne.s32 s16, s6;
	[sflag:s13] =	ssyncadd.s32 $0xFFFFC000  }
.Ltmp3:
0x5d: {  	[bflag:$0x0] =	sbarrier.arrive $0xFFFF;
	(pc) =	sbr.rel @p0 .LBB2_1-.Ltmp3, $4  }
0x5e: {  	[hbm:s5], [sflag:s14] =	dma.local [spmem:s15], $0x2800  }
0x5f: {  	_ =	swait.ge [sflag:s13], $0x2800  }
0x60: {  	[sflag:s13] =	ssyncset.done $0x0  }
0x61: {  	[sflag:s13] =	ssyncadd.s32 $0xFFFFD800  }
0x62: {  	_ =	sfence.sel $0x180000  }
0x63: {  	[bflag:$0x0] =	sbarrier.arrive $0xFFFF  }
0x64: {  	p0 =	sne.s32 s1, $0x0;
	_ =	strace $0x9000004A  }
0x65: {  	s0 =	sadd.s32 @!p0 $0x100000, s0;
	[bflag:$0x2] =	sbarrier.arrive $0xFFFF  }
0x66: {  	[sflag:s0] =	ssyncadd.tile.s32 @!p0 $0x1;
	_ =	shalt  }
.Lfunc_end2:
_tile_overlayer_lowered:
.L_overlay_start_2:
0x67: {  	(tag) =	ssettag $0x2  }
0x68: {  	s0 =	rddreg [dreg:$0x0];
	s2 =	stileid.u32  }
0x69: {  	s1 =	rddreg [dreg:$0x1];
	p0 =	sne.s32 s2, $0x0  }
0x6a: {  	s3 =	rddreg [dreg:$0x2];
	[bflag:$0x3] =	sbarrier.arrive $0xFFFF;
	s2 =	simm.s32 @!p0 $0x1C01  }
0x6b: {  	[timem:s3], [sflag:s2] =	dma.local @!p0 [hbm:s0], s1  }
0x6c: {  	s0 =	simm.s32 @!p0 $0x1  }
0x6d: {  	_ =	swait.ge @!p0 [sflag:s0], s1  }
0x6e: {  	s1 =	ssub.s32 @!p0 $0x0, s1;
	[sflag:s0] =	ssyncset.done @!p0 $0x0  }
0x6f: {  	[sflag:s0] =	ssyncadd.s32 @!p0 s1  }
0x70: {  	[bflag:$0x3] =	sbarrier.arrive $0xFFFF  }
0x71: {  	_ =	shalt  }

// kernel: kernel.16.cloned.1.call-start
scs
__scs_entry_jumppad:
0x0: {  	(pc) =	sbr.rel $0x88, $3  }
0x1: {  	(tag) =	ssettag $0x0;
	lr =	simm.s32 $0x1  }
0x2: {  	[smem:$0x3F88] =	sst lr;
	_ =	strace $0xD0000000  }
0x3: {  	_ = 	snop  }
0x4: {  	_ = 	snop  }
0x5: {  	_ = 	snop  }
0x6: {  	_ = 	snop  }
0x7: {  	_ = 	snop  }
__scs_overlays_trampoline_lowered:
0x8: {  	[smem:$0x3F97] =	sst s0  }
0x9: {  	[smem:$0x3F98] =	sst s1  }
0xa: {  	[smem:$0x3F99] =	sst s2  }
0xb: {  	[smem:$0x3F9A] =	sst s3  }
0xc: {  	[smem:$0x3F9B] =	sst s4  }
0xd: {  	[smem:$0x3F9C] =	sst s5  }
0xe: {  	[smem:$0x3F9D] =	sst s6  }
0xf: {  	[smem:$0x3F9E] =	sst s7  }
0x10: {  	[smem:$0x3F9F] =	sst s8  }
0x11: {  	[smem:$0x3FA0] =	sst s9;
	s0 =	simm.s32 @!p0 $0x0  }
0x12: {  	s1 =	sld [smem:$0x3F86];
	s0 =	simm.s32 @p0 $0x1  }
0x13: {  	[smem:$0x3FA1] =	sst s0;
	s0 =	simm.s32 @!p1 $0x0  }
0x14: {  	s2 =	sld [smem:$0x3F85];
	s0 =	simm.s32 @p1 $0x1  }
0x15: {  	[smem:$0x3FA2] =	sst s0;
	s0 =	simm.s32 @!p2 $0x0  }
0x16: {  	s3 =	sld [smem:$0x3FDB];
	s0 =	simm.s32 @p2 $0x1  }
0x17: {  	s4 =	simm.s32 $0x1BF5;
	[smem:$0x3FA4] =	sst s0  }
0x18: {  	s0 =	sld [smem:$0x3F87];
	_ =	swait.ge [sflag:s4], $0x0  }
0x19: {  	s7 =	sld [smem:$0x3F88]  }
0x1a: {  	s8 =	sadd.s32 $0xFFFFE003, lr  }
0x1b: {  	s9 =	sadd.s32 $0xFFFFFEF7, lr;
	s5 =	simm.s32 $0xFFFFFFFF;
	p2 =	slt.u32 s8, $0xFFFFF086  }
0x1c: {  	p1 =	slt.u32 s9, $0xF7A;
	s5 =	simm.s32 @!p2 $0x0  }
0x1d: {  	s5 =	simm.s32 @p1 $0x1;
	p0 =	seq.s32 s7, s2  }
0x1e: {  	s7 =	smul.u32 @!p0 $0xF7A, s2;
	p2 =	seq.s32 @!p0 s5, $0x0  }
0x1f: {  	s9 =	smul.u32 $0xF7A, s1;
	s8 =	simm.s32 @!p0 $0x1BF5;
	p2 =	por !p2, p0  }
0x20: {  	[sflag:s8] =	ssyncset.s32 @!p0 $0xFFFFF086;
	s6 =	sadd.s32 @!p0 s3, s7;
	s7 =	simm.s32 @!p0 $0x108  }
0x21: {  	s3 =	sadd.s32 s3, s9;
	s6 =	sadd.s32 @!p0 $0x88, s6;
	s7 =	simm.s32 @p2 $0x1082  }
0x22: {  	[simem:s7], [sflag:s8] =	dma.local @!p0 [hbm:s6], $0xF7A  }
0x23: {  	s9 =	sor.u32 $0xD0000000, s2;
	s6 =	simm.s32 $0x108;
	_ =	swait.ge @!p0 [sflag:s8], $0x0  }
0x24: {  	s3 =	sadd.s32 $0x88, s3;
	s6 =	simm.s32 @!p1 $0x1082;
	[sflag:s4] =	ssyncset.s32 $0xFFFFF086  }
0x25: {  	[simem:s6], [sflag:s4] =	dma.local [hbm:s3], $0xF7A  }
0x26: {  	[smem:$0x3F88] =	sst s1;
	(tag) =	ssettag s2;
	_ =	strace s9  }
0x27: {  	s1 =	sld [smem:$0x3F98]  }
0x28: {  	s2 =	sld [smem:$0x3F99]  }
0x29: {  	s4 =	sld [smem:$0x3F9B]  }
0x2a: {  	p0 =	seq.s32 s5, $0x0;
	s5 =	sld [smem:$0x3F9C]  }
0x2b: {  	s6 =	sld [smem:$0x3F9D]  }
0x2c: {  	s7 =	sld [smem:$0x3F9E]  }
0x2d: {  	s3 =	simm.s32 $0x108;
	s8 =	sld [smem:$0x3F9F]  }
0x2e: {  	s3 =	simm.s32 @!p0 $0x1082;
	s9 =	sld [smem:$0x3FA0]  }
0x2f: {  	lr =	sadd.s32 s0, s3;
	s0 =	sld [smem:$0x3F97]  }
0x30: {  	s3 =	sld [smem:$0x3F9A]  }
0x31: {  	[smem:$0x3FA3] =	sst s10  }
0x32: {  	s10 =	sld [smem:$0x3FA1];
	_ =	sdelay $0x3  }
0x33: {  	p0 =	seq.s32 s10, $0x1;
	s10 =	sld [smem:$0x3FA3];
	_ =	sdelay $0x3  }
0x34: {  	[smem:$0x3FA3] =	sst s10  }
0x35: {  	s10 =	sld [smem:$0x3FA2];
	_ =	sdelay $0x3  }
0x36: {  	p1 =	seq.s32 s10, $0x1;
	s10 =	sld [smem:$0x3FA3];
	_ =	sdelay $0x3  }
0x37: {  	[smem:$0x3FA3] =	sst s10  }
0x38: {  	s10 =	sld [smem:$0x3FA4]  }
0x39: {  	_ = 	snop;
	(pc) =	sbr.ind lr, $3  }
0x3a: {  	_ = 	snop  }
0x3b: {  	_ = 	snop  }
0x3c: {  	p2 =	seq.s32 s10, $0x1;
	s10 =	sld [smem:$0x3FA3]  }
0x3d: {  	_ =	shalt  }
0x3e: {  	_ =	shalt  }
0x3f: {  	_ =	shalt  }
0x40: {  	_ =	shalt  }
0x41: {  	_ =	shalt  }
0x42: {  	_ =	shalt  }
0x43: {  	_ =	shalt  }
0x44: {  	_ =	shalt  }
0x45: {  	_ =	shalt  }
0x46: {  	_ =	shalt  }
0x47: {  	_ =	shalt  }
0x48: {  	_ =	shalt  }
0x49: {  	_ =	shalt  }
0x4a: {  	_ =	shalt  }
0x4b: {  	_ =	shalt  }
0x4c: {  	_ =	shalt  }
0x4d: {  	_ =	shalt  }
0x4e: {  	_ =	shalt  }
0x4f: {  	_ =	shalt  }
0x50: {  	_ =	shalt  }
0x51: {  	_ =	shalt  }
0x52: {  	_ =	shalt  }
0x53: {  	_ =	shalt  }
0x54: {  	_ =	shalt  }
0x55: {  	_ =	shalt  }
0x56: {  	_ =	shalt  }
0x57: {  	_ =	shalt  }
0x58: {  	_ =	shalt  }
0x59: {  	_ =	shalt  }
0x5a: {  	_ =	shalt  }
0x5b: {  	_ =	shalt  }
0x5c: {  	_ =	shalt  }
0x5d: {  	_ =	shalt  }
0x5e: {  	_ =	shalt  }
0x5f: {  	_ =	shalt  }
0x60: {  	_ =	shalt  }
0x61: {  	_ =	shalt  }
0x62: {  	_ =	shalt  }
0x63: {  	_ =	shalt  }
0x64: {  	_ =	shalt  }
0x65: {  	_ =	shalt  }
0x66: {  	_ =	shalt  }
0x67: {  	_ =	shalt  }
0x68: {  	_ =	shalt  }
0x69: {  	_ =	shalt  }
0x6a: {  	_ =	shalt  }
0x6b: {  	_ =	shalt  }
0x6c: {  	_ =	shalt  }
0x6d: {  	_ =	shalt  }
0x6e: {  	_ =	shalt  }
0x6f: {  	_ =	shalt  }
0x70: {  	_ =	shalt  }
0x71: {  	_ =	shalt  }
0x72: {  	_ =	shalt  }
0x73: {  	_ =	shalt  }
0x74: {  	_ =	shalt  }
0x75: {  	_ =	shalt  }
0x76: {  	_ =	shalt  }
0x77: {  	_ =	shalt  }
0x78: {  	_ =	shalt  }
0x79: {  	_ =	shalt  }
0x7a: {  	_ =	shalt  }
0x7b: {  	_ =	shalt  }
0x7c: {  	_ =	shalt  }
0x7d: {  	_ =	shalt  }
0x7e: {  	_ =	shalt  }
0x7f: {  	_ =	shalt  }
0x80: {  	_ =	shalt  }
0x81: {  	_ =	shalt  }
0x82: {  	_ =	shalt  }
0x83: {  	_ =	shalt  }
0x84: {  	_ =	shalt  }
0x85: {  	_ =	shalt  }
0x86: {  	_ =	shalt  }
0x87: {  	_ =	shalt  }
.Lfunc_end0:
.L_simem_size_0:
called_computation.1_lowered:
.L_overlay_start_0:
0x88: {  	s2 =	sld [smem:$0x3FD9]  }
0x89: {  	s3 =	sld [smem:$0x3FFE];
	_ =	sdelay $0x1  }
0x8a: {  	s1 =	srdreg.scid  }
0x8b: {  	s0 =	sand.u32 $0x1, s1  }
0x8c: {  	s16 =	sshll.u32 s0, $0xA;
	s2 =	sadd.s32 s3, s2  }
0x8d: {  	s2 =	sadd.s32 s2, s16  }
0x8e: {  	[smem:$0x3FAF] =	sst s2  }
0x8f: {  	_ = 	snop  }
0x90: {  	(tm) =	ssettm $0x1  }
0x91: {  	s17 =	sld [smem:$0x3FFB];
	_ =	sdelay $0x3  }
0x92: {  	_ =	strace s17  }
0x93: {  	s2 =	sld [smem:$0x3FFC];
	_ =	sdelay $0x3  }
0x94: {  	_ =	strace s2  }
0x95: {  	s2 =	sld [smem:$0x3FFD];
	_ =	sdelay $0x3  }
0x96: {  	_ =	strace s2  }
0x97: {  	_ =	strace $0x8FFFFFFF  }
0x98: {  	s18 =	sld [smem:$0x3FDB];
	_ =	sdelay $0x1  }
0x99: {  	s19 =	simm.s32 $_scs_section_size  }
0x9a: {  	s4 =	simm.s32 $_size__tile_overlayer_lowered;
	s5 =	simm.s32 $_tile_overlayer_lowered  }
0x9b: {  	s22 =	simm.s32 $0x1BFF;
	s21 =	sshll.u32 s5, $0x1;
	s2 =	sadd.s32 s19, s18  }
0x9c: {  	s6 =	simm.s32 $0x0;
	s20 =	sshll.u32 s4, $0x1;
	s4 =	sadd.s32 s21, s2  }
0x9d: {  	[timem:s6], [sflag:s22] =	dma.local [hbm:s4], s20  }
0x9e: {  	_ =	swait.ge [sflag:s22], s20  }
0x9f: {  	s3 =	ssub.s32 $0x0, s20;
	[sflag:s22] =	ssyncset.done $0x0  }
0xa0: {  	[sflag:s22] =	ssyncadd.s32 s3;
	_ =	sdelay $0x1  }
0xa1: {  	s23 =	simm.s32 $0x1B8B  }
0xa2: {  	_ =	swait.ge [sflag:s23], $0x1  }
0xa3: {  	[sflag:s23] =	ssyncset.done $0x0  }
0xa4: {  	s25 =	simm.s32 $0x1B8E;
	s24 =	sld [smem:$0x3FFE];
	[sflag:s23] =	ssyncadd.s32 $0xFFFFFFFF  }
0xa5: {  	s26 =	simm.s32 $execute0_lowered;
	[smem:$0x3FD2] =	sst s25  }
0xa6: {  	s4 =	sshll.u32 s26, $0x1;
	_ =	strace $0x80000046;
	[dreg:$0x1] =	wrdreg $0xFFFFFFFF  }
0xa7: {  	s28 =	simm.s32 $_size_execute0_lowered;
	s2 =	sadd.s32 s2, s4;
	[dreg:$0x0] =	wrdreg $0x0  }
0xa8: {  	s4 =	sshll.u32 s28, $0x1;
	[dreg:$0x2] =	wrdreg s2  }
0xa9: {  	[dreg:$0x3] =	wrdreg s4  }
0xaa: {  	[dreg:$0x4] =	wrdreg $0xC0  }
0xab: {  	_ =	task [dreg:s6], $0x5FFFF  }
0xac: {  	[dreg:$0x1] =	wrdreg $0xFFFFFFFF  }
0xad: {  	[dreg:$0x0] =	wrdreg $0x60  }
0xae: {  	[dreg:$0x2] =	wrdreg s24  }
0xaf: {  	[dreg:$0x3] =	wrdreg $0x41000  }
0xb0: {  	[dreg:$0x4] =	wrdreg $0xA  }
0xb1: {  	_ =	task.clear_ibuf [dreg:s6], $0x5FFFF;
	_ =	strace $0x90000046  }
0xb2: {  	s29 =	simm.s32 $0xA;
	_ =	strace $0x80000048  }
0xb3: {  	_ =	swait.ge [sflag:s29], $0x1  }
0xb4: {  	[sflag:s29] =	ssyncadd.s32 $0xFFFFFFFF  }
0xb5: {  	_ =	strace $0x90000048  }
0xb6: {  	_ =	sfence  }
0xb7: {  	s30 =	sld [smem:$0x0];
	_ =	sdelay $0x2  }
0xb8: {  	s31 =	sshll.u32 s1, $0xD;
	s1 =	sshrl.u32 s1, $0x2  }
0xb9: {  	s3 =	sand.u32 $0x4000, s31;
	s1 =	sadd.s32 s1, s30  }
0xba: {  	s0 =	sor.u32 s3, s0;
	s1 =	sshll.u32 s1, $0x11  }
0xbb: {  	s0 =	sor.u32 s1, s0  }
0xbc: {  	s0 =	sadd.s32 $0x8F2B, s0  }
0xbd: {  	[sflag:s0] =	ssyncadd.remote.s32 $0x1  }
0xbe: {  	_ =	sfence.sel $0xFFFF  }
0xbf: {  	[dreg:$0x0] =	wrdreg $0xFFFFFFFF;
	(pc) =	sbr.abs _section_cstart, $3  }
0xc0: {  	[dreg:$0x1] =	wrdreg $0xFFFFFFFF  }
0xc1: {  	_ =	task.clear_ibuf [dreg:s6], $0x2FFFF;
	_ =	strace $0x9FFFFFFF  }
0xc2: {  	(tm) =	ssettm $0x7FFFFFFF  }
0xc3: {  	_ =	shalt  }
tec
execute0_lowered:
.L_overlay_start_1:
0x0: {  	(tag) =	ssettag $0x1  }
0x1: {  	s5 =	rddreg [dreg:$0x0]  }
0x2: {  	s2 =	rddreg [dreg:$0x1]  }
0x3: {  	s0 =	rddreg [dreg:$0x2];
	s1 =	stileid.u32  }
0x4: {  	s4 =	srdreg.scid;
	s3 =	simm.s32 $0x0;
	s15 =	simm.s32 $0x100  }
0x5: {  	s16 =	simm.s32 $0x2;
	s17 =	simm.s32 $0x80;
	s6 =	smul.u32 $0x60, s1  }
0x6: {  	s18 =	simm.s32 $0x1;
	s21 =	simm.s32 $0x0;
	s26 =	smul.u32 $0x3E, s1  }
0x7: {  	s7 =	sand.u32 $0x1, s4;
	[smem:$0x7FF] =	sst s3;
	s10 =	smul.u32 $0x14000, s1  }
0x8: {  	s4 =	sadd.s32 $0x18400, s5;
	s28 =	smul.u32 $0x50000, s1;
	s19 =	sshll.u32 s1, $0x6  }
0x9: {  	s8 =	smul.u32 $0x140000, s7;
	p0 =	seq.s32 s7, $0x0;
	_ =	strace $0x80000047  }
0xa: {  	s7 =	ssub.s32 $0x2, s7;
	s19 =	sor.u32 $0x1C02, s19;
	s9 =	sadd.s32 $0x600, s26  }
0xb: {  	s29 =	sshrl.u32 s7, $0x1;
	s9 =	smov.u32 @p0 s6;
	s8 =	sadd.s32 s10, s8  }
0xc: {  	s31 =	sshrl.u32 s28, $0x2;
	s6 =	sshll.u32 s9, $0x4;
	s8 =	sshrl.u32 s8, $0x3  }
0xd: {  	s14 =	sadd.s32 s6, s5;
	s8 =	sadd.s32 s8, s5;
	s5 =	simm.s32 $0x60  }
0xe: {  	s30 =	ssub.s32 s7, s29;
	s6 =	sadd.s32 s31, s2;
	s5 =	simm.s32 @!p0 $0x3E  }
0xf: {  	s7 =	sadd.s32 $0x40400, s8;
	s8 =	smax.u32 s30, $0x1;
	s9 =	sadd.s32 $0x4000, s6  }
0x10: {  	s10 =	sadd.s32 $0x8000, s6;
	s11 =	sadd.s32 $0xC000, s6;
	s12 =	sadd.s32 $0x10000, s6  }
0x11: {  	v0 =	vimm.f32 $0.0e+00;
	s13 =	sadd.s32 $0x4800, s14;
	s14 =	sadd.s32 $0xE600, s14;
	s20 =	sshrl.u32 s6, $0x3  }
.LBB2_1:
0x12: {  	s22 =	simm.s32 $0x0;
	s23 =	simm.s32 $0x200  }
.LBB2_2:
0x13: {  	p0 =	sne.s32 s23, $0xFE00;
	[tilespmem:s22+$0x170] =	vst v0  }
0x14: {  	[tilespmem:s22+$0x100] =	vst v0  }
0x15: {  	[tilespmem:s22+$0x110] =	vst v0  }
.Ltmp0:
0x16: {  	[tilespmem:s22+$0x120] =	vst v0;
	(pc) =	sbr.rel @p0 .LBB2_2-.Ltmp0, $4  }
0x17: {  	[tilespmem:s22+$0x130] =	vst v0  }
0x18: {  	[tilespmem:s22+$0x140] =	vst v0  }
0x19: {  	[tilespmem:s22+$0x150] =	vst v0  }
0x1a: {  	[tilespmem:s22+$0x160] =	vst v0;
	s22 =	sshra.s32 s23, $0x2;
	s23 =	sadd.s32 $0x200, s23  }
0x1b: {  	[tilespmem:s22+$0x170] =	vst v0  }
0x1c: {  	[tilespmem:s22+$0x100] =	vst v0  }
0x1d: {  	[tilespmem:s22+$0x110] =	vst v0  }
0x1e: {  	[tilespmem:s22+$0x120] =	vst v0  }
0x1f: {  	[tilespmem:s22+$0x130] =	vst v0  }
0x20: {  	[tilespmem:s22+$0x140] =	vst v0  }
0x21: {  	[tilespmem:s22+$0x150] =	vst v0  }
0x22: {  	[tilespmem:s22+$0x160] =	vst v0  }
0x23: {  	[spmem:s6] =	stream.linear.scatter [tilespmem:s15], [sflag:$0x2], $0x4000, $0x38;
	[tilespmem:$0x18100] =	vst v63  }
0x24: {  	_ =	swait.ge [sflag:s16], $0x4000  }
0x25: {  	[sflag:s16] =	ssyncset.done $0x0  }
0x26: {  	[sflag:s16] =	ssyncadd.s32 $0xFFFFC000  }
0x27: {  	[spmem:s9] =	stream.linear.scatter [tilespmem:s15], [sflag:$0x2], $0x4000, $0x38;
	[tilespmem:$0x18100] =	vst v63  }
0x28: {  	_ =	swait.ge [sflag:s16], $0x4000  }
0x29: {  	[sflag:s16] =	ssyncset.done $0x0  }
0x2a: {  	[sflag:s16] =	ssyncadd.s32 $0xFFFFC000  }
0x2b: {  	[spmem:s10] =	stream.linear.scatter [tilespmem:s15], [sflag:$0x2], $0x4000, $0x38;
	[tilespmem:$0x18100] =	vst v63  }
0x2c: {  	_ =	swait.ge [sflag:s16], $0x4000  }
0x2d: {  	[sflag:s16] =	ssyncset.done $0x0  }
0x2e: {  	[sflag:s16] =	ssyncadd.s32 $0xFFFFC000  }
0x2f: {  	[spmem:s11] =	stream.linear.scatter [tilespmem:s15], [sflag:$0x2], $0x4000, $0x38;
	[tilespmem:$0x18100] =	vst v63  }
0x30: {  	_ =	swait.ge [sflag:s16], $0x4000  }
0x31: {  	[sflag:s16] =	ssyncset.done $0x0  }
0x32: {  	[sflag:s16] =	ssyncadd.s32 $0xFFFFC000  }
0x33: {  	[spmem:s12] =	stream.linear.scatter [tilespmem:s15], [sflag:$0x2], $0x4000, $0x38;
	[tilespmem:$0x18100] =	vst v63  }
0x34: {  	_ =	swait.ge [sflag:s16], $0x4000  }
0x35: {  	[sflag:s16] =	ssyncset.done $0x0  }
0x36: {  	[sflag:s16] =	ssyncadd.s32 $0xFFFFC000  }
0x37: {  	[bflag:$0x0] =	sbarrier.arrive $0xFFFF  }
0x38: {  	[tilespmem:s3], [sflag:$0x2] =	stream.linear.gather [hbm4b:s14+s3], $0x80, $0x38;
	[tilespmem:$0x18100] =	vst v63  }
0x39: {  	_ =	swait.ge [sflag:s16], $0x80  }
0x3a: {  	[sflag:s16] =	ssyncset.done $0x0  }
0x3b: {  	[sflag:s16] =	ssyncadd.s32 $0xFFFFFF80  }
0x3c: {  	[tilespmem:s17], [sflag:$0x2] =	stream.linear.gather [hbm4b:s13+s3], $0x80, $0x38;
	[tilespmem:$0x18100] =	vst v63  }
0x3d: {  	_ =	swait.ge [sflag:s16], $0x80  }
0x3e: {  	[sflag:s16] =	ssyncset.done $0x0  }
0x3f: {  	[sflag:s16] =	ssyncadd.s32 $0xFFFFFF80  }
0x40: {  	[tilespmem:s15], [sflag:$0x1] =	stream.indirect.gather [hbm4b:s4+s17], $0x80, s3, s17, $0xb8;
	[tilespmem:$0x18100] =	vst v63  }
0x41: {  	p0 =	sne.s32 s5, $0x1;
	_ =	swait.ge [sflag:s18], $0x4000  }
.Ltmp1:
0x42: {  	[sflag:s18] =	ssyncset.done $0x0;
	(pc) =	sbr.rel @!p0 .LBB2_5-.Ltmp1, $4  }
0x43: {  	[sflag:s18] =	ssyncadd.s32 $0xFFFFC000  }
0x44: {  	[spmem:s2] =	stream.indirect.scatter.add.f32 [tilespmem:s15], [sflag:$0x2], $0x80, s17, s17, $0xb8;
	[tilespmem:$0x18100] =	vst v63  }
0x45: {  	s22 =	sadd.s32 $0xFFFFFFFF, s5;
	_ =	swait.ge [sflag:s16], $0x4000  }
0x46: {  	s23 =	smov.u32 s13;
	s24 =	smov.u32 s14;
	[sflag:s16] =	ssyncset.done $0x0  }
.LBB2_4:
0x47: {  	[sflag:s16] =	ssyncadd.s32 $0xFFFFC000;
	s23 =	sadd.s32 $0x10, s23;
	s24 =	sadd.s32 $0x10, s24  }
0x48: {  	[tilespmem:s3], [sflag:$0x2] =	stream.linear.gather [hbm4b:s24+s3], $0x80, $0x38;
	[tilespmem:$0x18100] =	vst v63  }
0x49: {  	p0 =	sne.s32 s22, $0x1;
	s22 =	sadd.s32 $0xFFFFFFFF, s22;
	_ =	swait.ge [sflag:s16], $0x80  }
0x4a: {  	[sflag:s16] =	ssyncset.done $0x0  }
0x4b: {  	[sflag:s16] =	ssyncadd.s32 $0xFFFFFF80  }
0x4c: {  	[tilespmem:s17], [sflag:$0x2] =	stream.linear.gather [hbm4b:s23+s3], $0x80, $0x38;
	[tilespmem:$0x18100] =	vst v63  }
0x4d: {  	_ =	swait.ge [sflag:s16], $0x80  }
0x4e: {  	[sflag:s16] =	ssyncset.done $0x0  }
0x4f: {  	[sflag:s16] =	ssyncadd.s32 $0xFFFFFF80  }
0x50: {  	[tilespmem:s15], [sflag:$0x1] =	stream.indirect.gather [hbm4b:s4+s17], $0x80, s3, s17, $0xb8;
	[tilespmem:$0x18100] =	vst v63  }
0x51: {  	_ =	swait.ge [sflag:s18], $0x4000  }
.Ltmp2:
0x52: {  	[sflag:s18] =	ssyncset.done $0x0;
	(pc) =	sbr.rel @p0 .LBB2_4-.Ltmp2, $4  }
0x53: {  	[sflag:s18] =	ssyncadd.s32 $0xFFFFC000  }
0x54: {  	[spmem:s2] =	stream.indirect.scatter.add.f32 [tilespmem:s15], [sflag:$0x2], $0x80, s17, s17, $0xb8;
	[tilespmem:$0x18100] =	vst v63  }
0x55: {  	_ =	swait.ge [sflag:s16], $0x4000  }
0x56: {  	[sflag:s16] =	ssyncset.done $0x0  }
.LBB2_5:
0x57: {  	s21 =	sadd.s32 $0x1, s21  }
0x58: {  	[sflag:s16] =	ssyncadd.s32 $0xFFFFC000;
	p0 =	sne.s32 s21, s8  }
.Ltmp3:
0x59: {  	[bflag:$0x0] =	sbarrier.arrive $0xFFFF;
	(pc) =	sbr.rel @p0 .LBB2_1-.Ltmp3, $4  }
0x5a: {  	[hbm:s7], [sflag:s19] =	dma.local [spmem:s20], $0x2800  }
0x5b: {  	_ =	swait.ge [sflag:s16], $0x2800  }
0x5c: {  	[sflag:s16] =	ssyncset.done $0x0  }
0x5d: {  	[sflag:s16] =	ssyncadd.s32 $0xFFFFD800  }
0x5e: {  	_ =	sfence.sel $0x180000  }
0x5f: {  	[bflag:$0x0] =	sbarrier.arrive $0xFFFF  }
0x60: {  	p0 =	sne.s32 s1, $0x0;
	_ =	strace $0x90000047  }
0x61: {  	s0 =	sadd.s32 @!p0 $0x100000, s0;
	[bflag:$0x2] =	sbarrier.arrive $0xFFFF  }
0x62: {  	[sflag:s0] =	ssyncadd.tile.s32 @!p0 $0x1;
	_ =	shalt  }
.Lfunc_end2:
_tile_overlayer_lowered:
.L_overlay_start_2:
0x63: {  	(tag) =	ssettag $0x2  }
0x64: {  	s0 =	rddreg [dreg:$0x0];
	s2 =	stileid.u32  }
0x65: {  	s1 =	rddreg [dreg:$0x1];
	p0 =	sne.s32 s2, $0x0  }
0x66: {  	s3 =	rddreg [dreg:$0x2];
	[bflag:$0x3] =	sbarrier.arrive $0xFFFF;
	s2 =	simm.s32 @!p0 $0x1C02  }
0x67: {  	[timem:s3], [sflag:s2] =	dma.local @!p0 [hbm:s0], s1  }
0x68: {  	s0 =	simm.s32 @!p0 $0x2  }
0x69: {  	_ =	swait.ge @!p0 [sflag:s0], s1  }
0x6a: {  	s1 =	ssub.s32 @!p0 $0x0, s1;
	[sflag:s0] =	ssyncset.done @!p0 $0x0  }
0x6b: {  	[sflag:s0] =	ssyncadd.s32 @!p0 s1  }
0x6c: {  	[bflag:$0x3] =	sbarrier.arrive $0xFFFF  }
0x6d: {  	_ =	shalt  }

// kernel: kernel.19.cloned.1.call-start
scs
__scs_entry_jumppad:
0x0: {  	(pc) =	sbr.rel $0x88, $3  }
0x1: {  	(tag) =	ssettag $0x0;
	lr =	simm.s32 $0x1  }
0x2: {  	[smem:$0x3F88] =	sst lr;
	_ =	strace $0xD0000000  }
0x3: {  	_ = 	snop  }
0x4: {  	_ = 	snop  }
0x5: {  	_ = 	snop  }
0x6: {  	_ = 	snop  }
0x7: {  	_ = 	snop  }
__scs_overlays_trampoline_lowered:
0x8: {  	[smem:$0x3F97] =	sst s0  }
0x9: {  	[smem:$0x3F98] =	sst s1  }
0xa: {  	[smem:$0x3F99] =	sst s2  }
0xb: {  	[smem:$0x3F9A] =	sst s3  }
0xc: {  	[smem:$0x3F9B] =	sst s4  }
0xd: {  	[smem:$0x3F9C] =	sst s5  }
0xe: {  	[smem:$0x3F9D] =	sst s6  }
0xf: {  	[smem:$0x3F9E] =	sst s7  }
0x10: {  	[smem:$0x3F9F] =	sst s8  }
0x11: {  	[smem:$0x3FA0] =	sst s9;
	s0 =	simm.s32 @!p0 $0x0  }
0x12: {  	s1 =	sld [smem:$0x3F86];
	s0 =	simm.s32 @p0 $0x1  }
0x13: {  	[smem:$0x3FA1] =	sst s0;
	s0 =	simm.s32 @!p1 $0x0  }
0x14: {  	s2 =	sld [smem:$0x3F85];
	s0 =	simm.s32 @p1 $0x1  }
0x15: {  	[smem:$0x3FA2] =	sst s0;
	s0 =	simm.s32 @!p2 $0x0  }
0x16: {  	s3 =	sld [smem:$0x3FDB];
	s0 =	simm.s32 @p2 $0x1  }
0x17: {  	s4 =	simm.s32 $0x1BF5;
	[smem:$0x3FA4] =	sst s0  }
0x18: {  	s0 =	sld [smem:$0x3F87];
	_ =	swait.ge [sflag:s4], $0x0  }
0x19: {  	s7 =	sld [smem:$0x3F88]  }
0x1a: {  	s8 =	sadd.s32 $0xFFFFE003, lr  }
0x1b: {  	s9 =	sadd.s32 $0xFFFFFEF7, lr;
	s5 =	simm.s32 $0xFFFFFFFF;
	p2 =	slt.u32 s8, $0xFFFFF086  }
0x1c: {  	p1 =	slt.u32 s9, $0xF7A;
	s5 =	simm.s32 @!p2 $0x0  }
0x1d: {  	s5 =	simm.s32 @p1 $0x1;
	p0 =	seq.s32 s7, s2  }
0x1e: {  	s7 =	smul.u32 @!p0 $0xF7A, s2;
	p2 =	seq.s32 @!p0 s5, $0x0  }
0x1f: {  	s9 =	smul.u32 $0xF7A, s1;
	s8 =	simm.s32 @!p0 $0x1BF5;
	p2 =	por !p2, p0  }
0x20: {  	[sflag:s8] =	ssyncset.s32 @!p0 $0xFFFFF086;
	s6 =	sadd.s32 @!p0 s3, s7;
	s7 =	simm.s32 @!p0 $0x108  }
0x21: {  	s3 =	sadd.s32 s3, s9;
	s6 =	sadd.s32 @!p0 $0x88, s6;
	s7 =	simm.s32 @p2 $0x1082  }
0x22: {  	[simem:s7], [sflag:s8] =	dma.local @!p0 [hbm:s6], $0xF7A  }
0x23: {  	s9 =	sor.u32 $0xD0000000, s2;
	s6 =	simm.s32 $0x108;
	_ =	swait.ge @!p0 [sflag:s8], $0x0  }
0x24: {  	s3 =	sadd.s32 $0x88, s3;
	s6 =	simm.s32 @!p1 $0x1082;
	[sflag:s4] =	ssyncset.s32 $0xFFFFF086  }
0x25: {  	[simem:s6], [sflag:s4] =	dma.local [hbm:s3], $0xF7A  }
0x26: {  	[smem:$0x3F88] =	sst s1;
	(tag) =	ssettag s2;
	_ =	strace s9  }
0x27: {  	s1 =	sld [smem:$0x3F98]  }
0x28: {  	s2 =	sld [smem:$0x3F99]  }
0x29: {  	s4 =	sld [smem:$0x3F9B]  }
0x2a: {  	p0 =	seq.s32 s5, $0x0;
	s5 =	sld [smem:$0x3F9C]  }
0x2b: {  	s6 =	sld [smem:$0x3F9D]  }
0x2c: {  	s7 =	sld [smem:$0x3F9E]  }
0x2d: {  	s3 =	simm.s32 $0x108;
	s8 =	sld [smem:$0x3F9F]  }
0x2e: {  	s3 =	simm.s32 @!p0 $0x1082;
	s9 =	sld [smem:$0x3FA0]  }
0x2f: {  	lr =	sadd.s32 s0, s3;
	s0 =	sld [smem:$0x3F97]  }
0x30: {  	s3 =	sld [smem:$0x3F9A]  }
0x31: {  	[smem:$0x3FA3] =	sst s10  }
0x32: {  	s10 =	sld [smem:$0x3FA1];
	_ =	sdelay $0x3  }
0x33: {  	p0 =	seq.s32 s10, $0x1;
	s10 =	sld [smem:$0x3FA3];
	_ =	sdelay $0x3  }
0x34: {  	[smem:$0x3FA3] =	sst s10  }
0x35: {  	s10 =	sld [smem:$0x3FA2];
	_ =	sdelay $0x3  }
0x36: {  	p1 =	seq.s32 s10, $0x1;
	s10 =	sld [smem:$0x3FA3];
	_ =	sdelay $0x3  }
0x37: {  	[smem:$0x3FA3] =	sst s10  }
0x38: {  	s10 =	sld [smem:$0x3FA4]  }
0x39: {  	_ = 	snop;
	(pc) =	sbr.ind lr, $3  }
0x3a: {  	_ = 	snop  }
0x3b: {  	_ = 	snop  }
0x3c: {  	p2 =	seq.s32 s10, $0x1;
	s10 =	sld [smem:$0x3FA3]  }
0x3d: {  	_ =	shalt  }
0x3e: {  	_ =	shalt  }
0x3f: {  	_ =	shalt  }
0x40: {  	_ =	shalt  }
0x41: {  	_ =	shalt  }
0x42: {  	_ =	shalt  }
0x43: {  	_ =	shalt  }
0x44: {  	_ =	shalt  }
0x45: {  	_ =	shalt  }
0x46: {  	_ =	shalt  }
0x47: {  	_ =	shalt  }
0x48: {  	_ =	shalt  }
0x49: {  	_ =	shalt  }
0x4a: {  	_ =	shalt  }
0x4b: {  	_ =	shalt  }
0x4c: {  	_ =	shalt  }
0x4d: {  	_ =	shalt  }
0x4e: {  	_ =	shalt  }
0x4f: {  	_ =	shalt  }
0x50: {  	_ =	shalt  }
0x51: {  	_ =	shalt  }
0x52: {  	_ =	shalt  }
0x53: {  	_ =	shalt  }
0x54: {  	_ =	shalt  }
0x55: {  	_ =	shalt  }
0x56: {  	_ =	shalt  }
0x57: {  	_ =	shalt  }
0x58: {  	_ =	shalt  }
0x59: {  	_ =	shalt  }
0x5a: {  	_ =	shalt  }
0x5b: {  	_ =	shalt  }
0x5c: {  	_ =	shalt  }
0x5d: {  	_ =	shalt  }
0x5e: {  	_ =	shalt  }
0x5f: {  	_ =	shalt  }
0x60: {  	_ =	shalt  }
0x61: {  	_ =	shalt  }
0x62: {  	_ =	shalt  }
0x63: {  	_ =	shalt  }
0x64: {  	_ =	shalt  }
0x65: {  	_ =	shalt  }
0x66: {  	_ =	shalt  }
0x67: {  	_ =	shalt  }
0x68: {  	_ =	shalt  }
0x69: {  	_ =	shalt  }
0x6a: {  	_ =	shalt  }
0x6b: {  	_ =	shalt  }
0x6c: {  	_ =	shalt  }
0x6d: {  	_ =	shalt  }
0x6e: {  	_ =	shalt  }
0x6f: {  	_ =	shalt  }
0x70: {  	_ =	shalt  }
0x71: {  	_ =	shalt  }
0x72: {  	_ =	shalt  }
0x73: {  	_ =	shalt  }
0x74: {  	_ =	shalt  }
0x75: {  	_ =	shalt  }
0x76: {  	_ =	shalt  }
0x77: {  	_ =	shalt  }
0x78: {  	_ =	shalt  }
0x79: {  	_ =	shalt  }
0x7a: {  	_ =	shalt  }
0x7b: {  	_ =	shalt  }
0x7c: {  	_ =	shalt  }
0x7d: {  	_ =	shalt  }
0x7e: {  	_ =	shalt  }
0x7f: {  	_ =	shalt  }
0x80: {  	_ =	shalt  }
0x81: {  	_ =	shalt  }
0x82: {  	_ =	shalt  }
0x83: {  	_ =	shalt  }
0x84: {  	_ =	shalt  }
0x85: {  	_ =	shalt  }
0x86: {  	_ =	shalt  }
0x87: {  	_ =	shalt  }
.Lfunc_end0:
.L_simem_size_0:
called_computation.2_lowered:
.L_overlay_start_0:
0x88: {  	s2 =	sld [smem:$0x3FD9]  }
0x89: {  	s3 =	sld [smem:$0x3FFE];
	_ =	sdelay $0x1  }
0x8a: {  	s1 =	srdreg.scid  }
0x8b: {  	s0 =	sand.u32 $0x1, s1  }
0x8c: {  	s16 =	sshll.u32 s0, $0xA;
	s2 =	sadd.s32 s3, s2  }
0x8d: {  	s2 =	sadd.s32 s2, s16  }
0x8e: {  	[smem:$0x3FAF] =	sst s2  }
0x8f: {  	_ = 	snop  }
0x90: {  	(tm) =	ssettm $0x1  }
0x91: {  	s17 =	sld [smem:$0x3FFB];
	_ =	sdelay $0x3  }
0x92: {  	_ =	strace s17  }
0x93: {  	s2 =	sld [smem:$0x3FFC];
	_ =	sdelay $0x3  }
0x94: {  	_ =	strace s2  }
0x95: {  	s2 =	sld [smem:$0x3FFD];
	_ =	sdelay $0x3  }
0x96: {  	_ =	strace s2  }
0x97: {  	_ =	strace $0x8FFFFFFF  }
0x98: {  	s18 =	sld [smem:$0x3FDB];
	_ =	sdelay $0x1  }
0x99: {  	s19 =	simm.s32 $_scs_section_size  }
0x9a: {  	s4 =	simm.s32 $_size__tile_overlayer_lowered;
	s5 =	simm.s32 $_tile_overlayer_lowered  }
0x9b: {  	s22 =	simm.s32 $0x1BFF;
	s21 =	sshll.u32 s5, $0x1;
	s2 =	sadd.s32 s19, s18  }
0x9c: {  	s6 =	simm.s32 $0x0;
	s20 =	sshll.u32 s4, $0x1;
	s4 =	sadd.s32 s21, s2  }
0x9d: {  	[timem:s6], [sflag:s22] =	dma.local [hbm:s4], s20  }
0x9e: {  	_ =	swait.ge [sflag:s22], s20  }
0x9f: {  	s3 =	ssub.s32 $0x0, s20;
	[sflag:s22] =	ssyncset.done $0x0  }
0xa0: {  	[sflag:s22] =	ssyncadd.s32 s3;
	_ =	sdelay $0x1  }
0xa1: {  	s23 =	simm.s32 $0x1B8B  }
0xa2: {  	_ =	swait.ge [sflag:s23], $0x1  }
0xa3: {  	[sflag:s23] =	ssyncset.done $0x0  }
0xa4: {  	s25 =	simm.s32 $0x1B8E;
	s24 =	sld [smem:$0x3FFE];
	[sflag:s23] =	ssyncadd.s32 $0xFFFFFFFF  }
0xa5: {  	s26 =	simm.s32 $execute0_lowered;
	[smem:$0x3FD2] =	sst s25  }
0xa6: {  	s4 =	sshll.u32 s26, $0x1;
	_ =	strace $0x8000004C;
	[dreg:$0x1] =	wrdreg $0xFFFFFFFF  }
0xa7: {  	s28 =	simm.s32 $_size_execute0_lowered;
	s2 =	sadd.s32 s2, s4;
	[dreg:$0x0] =	wrdreg $0x0  }
0xa8: {  	s4 =	sshll.u32 s28, $0x1;
	[dreg:$0x2] =	wrdreg s2  }
0xa9: {  	[dreg:$0x3] =	wrdreg s4  }
0xaa: {  	[dreg:$0x4] =	wrdreg $0xC0  }
0xab: {  	_ =	task [dreg:s6], $0x5FFFF  }
0xac: {  	[dreg:$0x1] =	wrdreg $0xFFFFFFFF  }
0xad: {  	[dreg:$0x0] =	wrdreg $0x60  }
0xae: {  	[dreg:$0x2] =	wrdreg s24  }
0xaf: {  	[dreg:$0x3] =	wrdreg $0x41000  }
0xb0: {  	[dreg:$0x4] =	wrdreg $0x9  }
0xb1: {  	_ =	task.clear_ibuf [dreg:s6], $0x5FFFF;
	_ =	strace $0x9000004C  }
0xb2: {  	s29 =	simm.s32 $0x9;
	_ =	strace $0x8000004E  }
0xb3: {  	_ =	swait.ge [sflag:s29], $0x1  }
0xb4: {  	[sflag:s29] =	ssyncadd.s32 $0xFFFFFFFF  }
0xb5: {  	_ =	strace $0x9000004E  }
0xb6: {  	_ =	sfence  }
0xb7: {  	s30 =	sld [smem:$0x0];
	_ =	sdelay $0x2  }
0xb8: {  	s31 =	sshll.u32 s1, $0xD;
	s1 =	sshrl.u32 s1, $0x2  }
0xb9: {  	s3 =	sand.u32 $0x4000, s31;
	s1 =	sadd.s32 s1, s30  }
0xba: {  	s0 =	sor.u32 s3, s0;
	s1 =	sshll.u32 s1, $0x11  }
0xbb: {  	s0 =	sor.u32 s1, s0  }
0xbc: {  	s0 =	sadd.s32 $0x8F2B, s0  }
0xbd: {  	[sflag:s0] =	ssyncadd.remote.s32 $0x1  }
0xbe: {  	_ =	sfence.sel $0xFFFF  }
0xbf: {  	[dreg:$0x0] =	wrdreg $0xFFFFFFFF;
	(pc) =	sbr.abs _section_cstart, $3  }
0xc0: {  	[dreg:$0x1] =	wrdreg $0xFFFFFFFF  }
0xc1: {  	_ =	task.clear_ibuf [dreg:s6], $0x2FFFF;
	_ =	strace $0x9FFFFFFF  }
0xc2: {  	(tm) =	ssettm $0x7FFFFFFF  }
0xc3: {  	_ =	shalt  }
tec
execute0_lowered:
.L_overlay_start_1:
0x0: {  	(tag) =	ssettag $0x1  }
0x1: {  	s5 =	rddreg [dreg:$0x0]  }
0x2: {  	s2 =	rddreg [dreg:$0x1]  }
0x3: {  	s0 =	rddreg [dreg:$0x2];
	s1 =	stileid.u32  }
0x4: {  	s4 =	srdreg.scid;
	s3 =	simm.s32 $0x0;
	s15 =	simm.s32 $0x100  }
0x5: {  	s16 =	simm.s32 $0x2;
	s17 =	simm.s32 $0x80;
	s6 =	smul.u32 $0x60, s1  }
0x6: {  	s18 =	simm.s32 $0x1;
	s21 =	simm.s32 $0x0;
	s26 =	smul.u32 $0x3E, s1  }
0x7: {  	s7 =	sand.u32 $0x1, s4;
	[smem:$0x7FF] =	sst s3;
	s10 =	smul.u32 $0x14000, s1  }
0x8: {  	s4 =	sadd.s32 $0x18400, s5;
	s28 =	smul.u32 $0x50000, s1;
	s19 =	sshll.u32 s1, $0x6  }
0x9: {  	s8 =	smul.u32 $0x140000, s7;
	p0 =	seq.s32 s7, $0x0;
	_ =	strace $0x8000004D  }
0xa: {  	s7 =	ssub.s32 $0x2, s7;
	s19 =	sor.u32 $0x1C02, s19;
	s9 =	sadd.s32 $0x600, s26  }
0xb: {  	s29 =	sshrl.u32 s7, $0x1;
	s9 =	smov.u32 @p0 s6;
	s8 =	sadd.s32 s10, s8  }
0xc: {  	s31 =	sshrl.u32 s28, $0x2;
	s6 =	sshll.u32 s9, $0x4;
	s8 =	sshrl.u32 s8, $0x3  }
0xd: {  	s14 =	sadd.s32 s6, s5;
	s8 =	sadd.s32 s8, s5;
	s5 =	simm.s32 $0x60  }
0xe: {  	s30 =	ssub.s32 s7, s29;
	s6 =	sadd.s32 s31, s2;
	s5 =	simm.s32 @!p0 $0x3E  }
0xf: {  	s7 =	sadd.s32 $0x40400, s8;
	s8 =	smax.u32 s30, $0x1;
	s9 =	sadd.s32 $0x4000, s6  }
0x10: {  	s10 =	sadd.s32 $0x8000, s6;
	s11 =	sadd.s32 $0xC000, s6;
	s12 =	sadd.s32 $0x10000, s6  }
0x11: {  	v0 =	vimm.f32 $0.0e+00;
	s13 =	sadd.s32 $0x4800, s14;
	s14 =	sadd.s32 $0xE600, s14;
	s20 =	sshrl.u32 s6, $0x3  }
.LBB2_1:
0x12: {  	s22 =	simm.s32 $0x0;
	s23 =	simm.s32 $0x200  }
.LBB2_2:
0x13: {  	p0 =	sne.s32 s23, $0xFE00;
	[tilespmem:s22+$0x170] =	vst v0  }
0x14: {  	[tilespmem:s22+$0x100] =	vst v0  }
0x15: {  	[tilespmem:s22+$0x110] =	vst v0  }
.Ltmp0:
0x16: {  	[tilespmem:s22+$0x120] =	vst v0;
	(pc) =	sbr.rel @p0 .LBB2_2-.Ltmp0, $4  }
0x17: {  	[tilespmem:s22+$0x130] =	vst v0  }
0x18: {  	[tilespmem:s22+$0x140] =	vst v0  }
0x19: {  	[tilespmem:s22+$0x150] =	vst v0  }
0x1a: {  	[tilespmem:s22+$0x160] =	vst v0;
	s22 =	sshra.s32 s23, $0x2;
	s23 =	sadd.s32 $0x200, s23  }
0x1b: {  	[tilespmem:s22+$0x170] =	vst v0  }
0x1c: {  	[tilespmem:s22+$0x100] =	vst v0  }
0x1d: {  	[tilespmem:s22+$0x110] =	vst v0  }
0x1e: {  	[tilespmem:s22+$0x120] =	vst v0  }
0x1f: {  	[tilespmem:s22+$0x130] =	vst v0  }
0x20: {  	[tilespmem:s22+$0x140] =	vst v0  }
0x21: {  	[tilespmem:s22+$0x150] =	vst v0  }
0x22: {  	[tilespmem:s22+$0x160] =	vst v0  }
0x23: {  	[spmem:s6] =	stream.linear.scatter [tilespmem:s15], [sflag:$0x2], $0x4000, $0x38;
	[tilespmem:$0x18100] =	vst v63  }
0x24: {  	_ =	swait.ge [sflag:s16], $0x4000  }
0x25: {  	[sflag:s16] =	ssyncset.done $0x0  }
0x26: {  	[sflag:s16] =	ssyncadd.s32 $0xFFFFC000  }
0x27: {  	[spmem:s9] =	stream.linear.scatter [tilespmem:s15], [sflag:$0x2], $0x4000, $0x38;
	[tilespmem:$0x18100] =	vst v63  }
0x28: {  	_ =	swait.ge [sflag:s16], $0x4000  }
0x29: {  	[sflag:s16] =	ssyncset.done $0x0  }
0x2a: {  	[sflag:s16] =	ssyncadd.s32 $0xFFFFC000  }
0x2b: {  	[spmem:s10] =	stream.linear.scatter [tilespmem:s15], [sflag:$0x2], $0x4000, $0x38;
	[tilespmem:$0x18100] =	vst v63  }
0x2c: {  	_ =	swait.ge [sflag:s16], $0x4000  }
0x2d: {  	[sflag:s16] =	ssyncset.done $0x0  }
0x2e: {  	[sflag:s16] =	ssyncadd.s32 $0xFFFFC000  }
0x2f: {  	[spmem:s11] =	stream.linear.scatter [tilespmem:s15], [sflag:$0x2], $0x4000, $0x38;
	[tilespmem:$0x18100] =	vst v63  }
0x30: {  	_ =	swait.ge [sflag:s16], $0x4000  }
0x31: {  	[sflag:s16] =	ssyncset.done $0x0  }
0x32: {  	[sflag:s16] =	ssyncadd.s32 $0xFFFFC000  }
0x33: {  	[spmem:s12] =	stream.linear.scatter [tilespmem:s15], [sflag:$0x2], $0x4000, $0x38;
	[tilespmem:$0x18100] =	vst v63  }
0x34: {  	_ =	swait.ge [sflag:s16], $0x4000  }
0x35: {  	[sflag:s16] =	ssyncset.done $0x0  }
0x36: {  	[sflag:s16] =	ssyncadd.s32 $0xFFFFC000  }
0x37: {  	[bflag:$0x0] =	sbarrier.arrive $0xFFFF  }
0x38: {  	[tilespmem:s3], [sflag:$0x2] =	stream.linear.gather [hbm4b:s14+s3], $0x80, $0x38;
	[tilespmem:$0x18100] =	vst v63  }
0x39: {  	_ =	swait.ge [sflag:s16], $0x80  }
0x3a: {  	[sflag:s16] =	ssyncset.done $0x0  }
0x3b: {  	[sflag:s16] =	ssyncadd.s32 $0xFFFFFF80  }
0x3c: {  	[tilespmem:s17], [sflag:$0x2] =	stream.linear.gather [hbm4b:s13+s3], $0x80, $0x38;
	[tilespmem:$0x18100] =	vst v63  }
0x3d: {  	_ =	swait.ge [sflag:s16], $0x80  }
0x3e: {  	[sflag:s16] =	ssyncset.done $0x0  }
0x3f: {  	[sflag:s16] =	ssyncadd.s32 $0xFFFFFF80  }
0x40: {  	[tilespmem:s15], [sflag:$0x1] =	stream.indirect.gather [hbm4b:s4+s17], $0x80, s3, s17, $0xb8;
	[tilespmem:$0x18100] =	vst v63  }
0x41: {  	p0 =	sne.s32 s5, $0x1;
	_ =	swait.ge [sflag:s18], $0x4000  }
.Ltmp1:
0x42: {  	[sflag:s18] =	ssyncset.done $0x0;
	(pc) =	sbr.rel @!p0 .LBB2_5-.Ltmp1, $4  }
0x43: {  	[sflag:s18] =	ssyncadd.s32 $0xFFFFC000  }
0x44: {  	[spmem:s2] =	stream.indirect.scatter.add.f32 [tilespmem:s15], [sflag:$0x2], $0x80, s17, s17, $0xb8;
	[tilespmem:$0x18100] =	vst v63  }
0x45: {  	s22 =	sadd.s32 $0xFFFFFFFF, s5;
	_ =	swait.ge [sflag:s16], $0x4000  }
0x46: {  	s23 =	smov.u32 s13;
	s24 =	smov.u32 s14;
	[sflag:s16] =	ssyncset.done $0x0  }
.LBB2_4:
0x47: {  	[sflag:s16] =	ssyncadd.s32 $0xFFFFC000;
	s23 =	sadd.s32 $0x10, s23;
	s24 =	sadd.s32 $0x10, s24  }
0x48: {  	[tilespmem:s3], [sflag:$0x2] =	stream.linear.gather [hbm4b:s24+s3], $0x80, $0x38;
	[tilespmem:$0x18100] =	vst v63  }
0x49: {  	p0 =	sne.s32 s22, $0x1;
	s22 =	sadd.s32 $0xFFFFFFFF, s22;
	_ =	swait.ge [sflag:s16], $0x80  }
0x4a: {  	[sflag:s16] =	ssyncset.done $0x0  }
0x4b: {  	[sflag:s16] =	ssyncadd.s32 $0xFFFFFF80  }
0x4c: {  	[tilespmem:s17], [sflag:$0x2] =	stream.linear.gather [hbm4b:s23+s3], $0x80, $0x38;
	[tilespmem:$0x18100] =	vst v63  }
0x4d: {  	_ =	swait.ge [sflag:s16], $0x80  }
0x4e: {  	[sflag:s16] =	ssyncset.done $0x0  }
0x4f: {  	[sflag:s16] =	ssyncadd.s32 $0xFFFFFF80  }
0x50: {  	[tilespmem:s15], [sflag:$0x1] =	stream.indirect.gather [hbm4b:s4+s17], $0x80, s3, s17, $0xb8;
	[tilespmem:$0x18100] =	vst v63  }
0x51: {  	_ =	swait.ge [sflag:s18], $0x4000  }
.Ltmp2:
0x52: {  	[sflag:s18] =	ssyncset.done $0x0;
	(pc) =	sbr.rel @p0 .LBB2_4-.Ltmp2, $4  }
0x53: {  	[sflag:s18] =	ssyncadd.s32 $0xFFFFC000  }
0x54: {  	[spmem:s2] =	stream.indirect.scatter.add.f32 [tilespmem:s15], [sflag:$0x2], $0x80, s17, s17, $0xb8;
	[tilespmem:$0x18100] =	vst v63  }
0x55: {  	_ =	swait.ge [sflag:s16], $0x4000  }
0x56: {  	[sflag:s16] =	ssyncset.done $0x0  }
.LBB2_5:
0x57: {  	s21 =	sadd.s32 $0x1, s21  }
0x58: {  	[sflag:s16] =	ssyncadd.s32 $0xFFFFC000;
	p0 =	sne.s32 s21, s8  }
.Ltmp3:
0x59: {  	[bflag:$0x0] =	sbarrier.arrive $0xFFFF;
	(pc) =	sbr.rel @p0 .LBB2_1-.Ltmp3, $4  }
0x5a: {  	[hbm:s7], [sflag:s19] =	dma.local [spmem:s20], $0x2800  }
0x5b: {  	_ =	swait.ge [sflag:s16], $0x2800  }
0x5c: {  	[sflag:s16] =	ssyncset.done $0x0  }
0x5d: {  	[sflag:s16] =	ssyncadd.s32 $0xFFFFD800  }
0x5e: {  	_ =	sfence.sel $0x180000  }
0x5f: {  	[bflag:$0x0] =	sbarrier.arrive $0xFFFF  }
0x60: {  	p0 =	sne.s32 s1, $0x0;
	_ =	strace $0x9000004D  }
0x61: {  	s0 =	sadd.s32 @!p0 $0x100000, s0;
	[bflag:$0x2] =	sbarrier.arrive $0xFFFF  }
0x62: {  	[sflag:s0] =	ssyncadd.tile.s32 @!p0 $0x1;
	_ =	shalt  }
.Lfunc_end2:
_tile_overlayer_lowered:
.L_overlay_start_2:
0x63: {  	(tag) =	ssettag $0x2  }
0x64: {  	s0 =	rddreg [dreg:$0x0];
	s2 =	stileid.u32  }
0x65: {  	s1 =	rddreg [dreg:$0x1];
	p0 =	sne.s32 s2, $0x0  }
0x66: {  	s3 =	rddreg [dreg:$0x2];
	[bflag:$0x3] =	sbarrier.arrive $0xFFFF;
	s2 =	simm.s32 @!p0 $0x1C02  }
0x67: {  	[timem:s3], [sflag:s2] =	dma.local @!p0 [hbm:s0], s1  }
0x68: {  	s0 =	simm.s32 @!p0 $0x2  }
0x69: {  	_ =	swait.ge @!p0 [sflag:s0], s1  }
0x6a: {  	s1 =	ssub.s32 @!p0 $0x0, s1;
	[sflag:s0] =	ssyncset.done @!p0 $0x0  }
0x6b: {  	[sflag:s0] =	ssyncadd.s32 @!p0 s1  }
0x6c: {  	[bflag:$0x3] =	sbarrier.arrive $0xFFFF  }
0x6d: {  	_ =	shalt  }

// kernel: kernel.22.cloned.1.call-start
scs
__scs_entry_jumppad:
0x0: {  	(pc) =	sbr.rel $0x88, $3  }
0x1: {  	(tag) =	ssettag $0x0;
	lr =	simm.s32 $0x1  }
0x2: {  	[smem:$0x3F88] =	sst lr;
	_ =	strace $0xD0000000  }
0x3: {  	_ = 	snop  }
0x4: {  	_ = 	snop  }
0x5: {  	_ = 	snop  }
0x6: {  	_ = 	snop  }
0x7: {  	_ = 	snop  }
__scs_overlays_trampoline_lowered:
0x8: {  	[smem:$0x3F97] =	sst s0  }
0x9: {  	[smem:$0x3F98] =	sst s1  }
0xa: {  	[smem:$0x3F99] =	sst s2  }
0xb: {  	[smem:$0x3F9A] =	sst s3  }
0xc: {  	[smem:$0x3F9B] =	sst s4  }
0xd: {  	[smem:$0x3F9C] =	sst s5  }
0xe: {  	[smem:$0x3F9D] =	sst s6  }
0xf: {  	[smem:$0x3F9E] =	sst s7  }
0x10: {  	[smem:$0x3F9F] =	sst s8  }
0x11: {  	[smem:$0x3FA0] =	sst s9;
	s0 =	simm.s32 @!p0 $0x0  }
0x12: {  	s1 =	sld [smem:$0x3F86];
	s0 =	simm.s32 @p0 $0x1  }
0x13: {  	[smem:$0x3FA1] =	sst s0;
	s0 =	simm.s32 @!p1 $0x0  }
0x14: {  	s2 =	sld [smem:$0x3F85];
	s0 =	simm.s32 @p1 $0x1  }
0x15: {  	[smem:$0x3FA2] =	sst s0;
	s0 =	simm.s32 @!p2 $0x0  }
0x16: {  	s3 =	sld [smem:$0x3FDB];
	s0 =	simm.s32 @p2 $0x1  }
0x17: {  	s4 =	simm.s32 $0x1BF5;
	[smem:$0x3FA4] =	sst s0  }
0x18: {  	s0 =	sld [smem:$0x3F87];
	_ =	swait.ge [sflag:s4], $0x0  }
0x19: {  	s7 =	sld [smem:$0x3F88]  }
0x1a: {  	s8 =	sadd.s32 $0xFFFFE003, lr  }
0x1b: {  	s9 =	sadd.s32 $0xFFFFFEF7, lr;
	s5 =	simm.s32 $0xFFFFFFFF;
	p2 =	slt.u32 s8, $0xFFFFF086  }
0x1c: {  	p1 =	slt.u32 s9, $0xF7A;
	s5 =	simm.s32 @!p2 $0x0  }
0x1d: {  	s5 =	simm.s32 @p1 $0x1;
	p0 =	seq.s32 s7, s2  }
0x1e: {  	s7 =	smul.u32 @!p0 $0xF7A, s2;
	p2 =	seq.s32 @!p0 s5, $0x0  }
0x1f: {  	s9 =	smul.u32 $0xF7A, s1;
	s8 =	simm.s32 @!p0 $0x1BF5;
	p2 =	por !p2, p0  }
0x20: {  	[sflag:s8] =	ssyncset.s32 @!p0 $0xFFFFF086;
	s6 =	sadd.s32 @!p0 s3, s7;
	s7 =	simm.s32 @!p0 $0x108  }
0x21: {  	s3 =	sadd.s32 s3, s9;
	s6 =	sadd.s32 @!p0 $0x88, s6;
	s7 =	simm.s32 @p2 $0x1082  }
0x22: {  	[simem:s7], [sflag:s8] =	dma.local @!p0 [hbm:s6], $0xF7A  }
0x23: {  	s9 =	sor.u32 $0xD0000000, s2;
	s6 =	simm.s32 $0x108;
	_ =	swait.ge @!p0 [sflag:s8], $0x0  }
0x24: {  	s3 =	sadd.s32 $0x88, s3;
	s6 =	simm.s32 @!p1 $0x1082;
	[sflag:s4] =	ssyncset.s32 $0xFFFFF086  }
0x25: {  	[simem:s6], [sflag:s4] =	dma.local [hbm:s3], $0xF7A  }
0x26: {  	[smem:$0x3F88] =	sst s1;
	(tag) =	ssettag s2;
	_ =	strace s9  }
0x27: {  	s1 =	sld [smem:$0x3F98]  }
0x28: {  	s2 =	sld [smem:$0x3F99]  }
0x29: {  	s4 =	sld [smem:$0x3F9B]  }
0x2a: {  	p0 =	seq.s32 s5, $0x0;
	s5 =	sld [smem:$0x3F9C]  }
0x2b: {  	s6 =	sld [smem:$0x3F9D]  }
0x2c: {  	s7 =	sld [smem:$0x3F9E]  }
0x2d: {  	s3 =	simm.s32 $0x108;
	s8 =	sld [smem:$0x3F9F]  }
0x2e: {  	s3 =	simm.s32 @!p0 $0x1082;
	s9 =	sld [smem:$0x3FA0]  }
0x2f: {  	lr =	sadd.s32 s0, s3;
	s0 =	sld [smem:$0x3F97]  }
0x30: {  	s3 =	sld [smem:$0x3F9A]  }
0x31: {  	[smem:$0x3FA3] =	sst s10  }
0x32: {  	s10 =	sld [smem:$0x3FA1];
	_ =	sdelay $0x3  }
0x33: {  	p0 =	seq.s32 s10, $0x1;
	s10 =	sld [smem:$0x3FA3];
	_ =	sdelay $0x3  }
0x34: {  	[smem:$0x3FA3] =	sst s10  }
0x35: {  	s10 =	sld [smem:$0x3FA2];
	_ =	sdelay $0x3  }
0x36: {  	p1 =	seq.s32 s10, $0x1;
	s10 =	sld [smem:$0x3FA3];
	_ =	sdelay $0x3  }
0x37: {  	[smem:$0x3FA3] =	sst s10  }
0x38: {  	s10 =	sld [smem:$0x3FA4]  }
0x39: {  	_ = 	snop;
	(pc) =	sbr.ind lr, $3  }
0x3a: {  	_ = 	snop  }
0x3b: {  	_ = 	snop  }
0x3c: {  	p2 =	seq.s32 s10, $0x1;
	s10 =	sld [smem:$0x3FA3]  }
0x3d: {  	_ =	shalt  }
0x3e: {  	_ =	shalt  }
0x3f: {  	_ =	shalt  }
0x40: {  	_ =	shalt  }
0x41: {  	_ =	shalt  }
0x42: {  	_ =	shalt  }
0x43: {  	_ =	shalt  }
0x44: {  	_ =	shalt  }
0x45: {  	_ =	shalt  }
0x46: {  	_ =	shalt  }
0x47: {  	_ =	shalt  }
0x48: {  	_ =	shalt  }
0x49: {  	_ =	shalt  }
0x4a: {  	_ =	shalt  }
0x4b: {  	_ =	shalt  }
0x4c: {  	_ =	shalt  }
0x4d: {  	_ =	shalt  }
0x4e: {  	_ =	shalt  }
0x4f: {  	_ =	shalt  }
0x50: {  	_ =	shalt  }
0x51: {  	_ =	shalt  }
0x52: {  	_ =	shalt  }
0x53: {  	_ =	shalt  }
0x54: {  	_ =	shalt  }
0x55: {  	_ =	shalt  }
0x56: {  	_ =	shalt  }
0x57: {  	_ =	shalt  }
0x58: {  	_ =	shalt  }
0x59: {  	_ =	shalt  }
0x5a: {  	_ =	shalt  }
0x5b: {  	_ =	shalt  }
0x5c: {  	_ =	shalt  }
0x5d: {  	_ =	shalt  }
0x5e: {  	_ =	shalt  }
0x5f: {  	_ =	shalt  }
0x60: {  	_ =	shalt  }
0x61: {  	_ =	shalt  }
0x62: {  	_ =	shalt  }
0x63: {  	_ =	shalt  }
0x64: {  	_ =	shalt  }
0x65: {  	_ =	shalt  }
0x66: {  	_ =	shalt  }
0x67: {  	_ =	shalt  }
0x68: {  	_ =	shalt  }
0x69: {  	_ =	shalt  }
0x6a: {  	_ =	shalt  }
0x6b: {  	_ =	shalt  }
0x6c: {  	_ =	shalt  }
0x6d: {  	_ =	shalt  }
0x6e: {  	_ =	shalt  }
0x6f: {  	_ =	shalt  }
0x70: {  	_ =	shalt  }
0x71: {  	_ =	shalt  }
0x72: {  	_ =	shalt  }
0x73: {  	_ =	shalt  }
0x74: {  	_ =	shalt  }
0x75: {  	_ =	shalt  }
0x76: {  	_ =	shalt  }
0x77: {  	_ =	shalt  }
0x78: {  	_ =	shalt  }
0x79: {  	_ =	shalt  }
0x7a: {  	_ =	shalt  }
0x7b: {  	_ =	shalt  }
0x7c: {  	_ =	shalt  }
0x7d: {  	_ =	shalt  }
0x7e: {  	_ =	shalt  }
0x7f: {  	_ =	shalt  }
0x80: {  	_ =	shalt  }
0x81: {  	_ =	shalt  }
0x82: {  	_ =	shalt  }
0x83: {  	_ =	shalt  }
0x84: {  	_ =	shalt  }
0x85: {  	_ =	shalt  }
0x86: {  	_ =	shalt  }
0x87: {  	_ =	shalt  }
.Lfunc_end0:
.L_simem_size_0:
called_computation.3_lowered:
.L_overlay_start_0:
0x88: {  	s2 =	sld [smem:$0x3FD9]  }
0x89: {  	s3 =	sld [smem:$0x3FFE];
	_ =	sdelay $0x1  }
0x8a: {  	s1 =	srdreg.scid  }
0x8b: {  	s0 =	sand.u32 $0x1, s1  }
0x8c: {  	s16 =	sshll.u32 s0, $0xA;
	s2 =	sadd.s32 s3, s2  }
0x8d: {  	s2 =	sadd.s32 s2, s16  }
0x8e: {  	[smem:$0x3FAF] =	sst s2  }
0x8f: {  	_ = 	snop  }
0x90: {  	(tm) =	ssettm $0x1  }
0x91: {  	s17 =	sld [smem:$0x3FFB];
	_ =	sdelay $0x3  }
0x92: {  	_ =	strace s17  }
0x93: {  	s2 =	sld [smem:$0x3FFC];
	_ =	sdelay $0x3  }
0x94: {  	_ =	strace s2  }
0x95: {  	s2 =	sld [smem:$0x3FFD];
	_ =	sdelay $0x3  }
0x96: {  	_ =	strace s2  }
0x97: {  	_ =	strace $0x8FFFFFFF  }
0x98: {  	s18 =	sld [smem:$0x3FDB];
	_ =	sdelay $0x1  }
0x99: {  	s19 =	simm.s32 $_scs_section_size  }
0x9a: {  	s4 =	simm.s32 $_size__tile_overlayer_lowered;
	s5 =	simm.s32 $_tile_overlayer_lowered  }
0x9b: {  	s22 =	simm.s32 $0x1BFF;
	s21 =	sshll.u32 s5, $0x1;
	s2 =	sadd.s32 s19, s18  }
0x9c: {  	s6 =	simm.s32 $0x0;
	s20 =	sshll.u32 s4, $0x1;
	s4 =	sadd.s32 s21, s2  }
0x9d: {  	[timem:s6], [sflag:s22] =	dma.local [hbm:s4], s20  }
0x9e: {  	_ =	swait.ge [sflag:s22], s20  }
0x9f: {  	s3 =	ssub.s32 $0x0, s20;
	[sflag:s22] =	ssyncset.done $0x0  }
0xa0: {  	[sflag:s22] =	ssyncadd.s32 s3;
	_ =	sdelay $0x1  }
0xa1: {  	s23 =	simm.s32 $0x1B8B  }
0xa2: {  	_ =	swait.ge [sflag:s23], $0x1  }
0xa3: {  	[sflag:s23] =	ssyncset.done $0x0  }
0xa4: {  	s25 =	simm.s32 $0x1B8E;
	s24 =	sld [smem:$0x3FFE];
	[sflag:s23] =	ssyncadd.s32 $0xFFFFFFFF  }
0xa5: {  	s26 =	simm.s32 $execute0_lowered;
	[smem:$0x3FD2] =	sst s25  }
0xa6: {  	s4 =	sshll.u32 s26, $0x1;
	_ =	strace $0x8000004F;
	[dreg:$0x1] =	wrdreg $0xFFFFFFFF  }
0xa7: {  	s28 =	simm.s32 $_size_execute0_lowered;
	s2 =	sadd.s32 s2, s4;
	[dreg:$0x0] =	wrdreg $0x0  }
0xa8: {  	s4 =	sshll.u32 s28, $0x1;
	[dreg:$0x2] =	wrdreg s2  }
0xa9: {  	[dreg:$0x3] =	wrdreg s4  }
0xaa: {  	[dreg:$0x4] =	wrdreg $0xC0  }
0xab: {  	_ =	task [dreg:s6], $0x5FFFF  }
0xac: {  	[dreg:$0x1] =	wrdreg $0xFFFFFFFF  }
0xad: {  	[dreg:$0x0] =	wrdreg $0x60  }
0xae: {  	[dreg:$0x2] =	wrdreg s24  }
0xaf: {  	[dreg:$0x3] =	wrdreg $0x41000  }
0xb0: {  	[dreg:$0x4] =	wrdreg $0x9  }
0xb1: {  	_ =	task.clear_ibuf [dreg:s6], $0x5FFFF;
	_ =	strace $0x9000004F  }
0xb2: {  	s29 =	simm.s32 $0x9;
	_ =	strace $0x80000051  }
0xb3: {  	_ =	swait.ge [sflag:s29], $0x1  }
0xb4: {  	[sflag:s29] =	ssyncadd.s32 $0xFFFFFFFF  }
0xb5: {  	_ =	strace $0x90000051  }
0xb6: {  	_ =	sfence  }
0xb7: {  	s30 =	sld [smem:$0x0];
	_ =	sdelay $0x2  }
0xb8: {  	s31 =	sshll.u32 s1, $0xD;
	s1 =	sshrl.u32 s1, $0x2  }
0xb9: {  	s3 =	sand.u32 $0x4000, s31;
	s1 =	sadd.s32 s1, s30  }
0xba: {  	s0 =	sor.u32 s3, s0;
	s1 =	sshll.u32 s1, $0x11  }
0xbb: {  	s0 =	sor.u32 s1, s0  }
0xbc: {  	s0 =	sadd.s32 $0x8F2B, s0  }
0xbd: {  	[sflag:s0] =	ssyncadd.remote.s32 $0x1  }
0xbe: {  	_ =	sfence.sel $0xFFFF  }
0xbf: {  	[dreg:$0x0] =	wrdreg $0xFFFFFFFF;
	(pc) =	sbr.abs _section_cstart, $3  }
0xc0: {  	[dreg:$0x1] =	wrdreg $0xFFFFFFFF  }
0xc1: {  	_ =	task.clear_ibuf [dreg:s6], $0x2FFFF;
	_ =	strace $0x9FFFFFFF  }
0xc2: {  	(tm) =	ssettm $0x7FFFFFFF  }
0xc3: {  	_ =	shalt  }
tec
execute0_lowered:
.L_overlay_start_1:
0x0: {  	(tag) =	ssettag $0x1  }
0x1: {  	s5 =	rddreg [dreg:$0x0]  }
0x2: {  	s2 =	rddreg [dreg:$0x1]  }
0x3: {  	s0 =	rddreg [dreg:$0x2];
	s1 =	stileid.u32  }
0x4: {  	s4 =	srdreg.scid;
	s3 =	simm.s32 $0x0;
	s15 =	simm.s32 $0x100  }
0x5: {  	s16 =	simm.s32 $0x2;
	s17 =	simm.s32 $0x80;
	s6 =	smul.u32 $0x60, s1  }
0x6: {  	s18 =	simm.s32 $0x1;
	s21 =	simm.s32 $0x0;
	s26 =	smul.u32 $0x3E, s1  }
0x7: {  	s7 =	sand.u32 $0x1, s4;
	[smem:$0x7FF] =	sst s3;
	s10 =	smul.u32 $0x14000, s1  }
0x8: {  	s4 =	sadd.s32 $0x18400, s5;
	s28 =	smul.u32 $0x50000, s1;
	s19 =	sshll.u32 s1, $0x6  }
0x9: {  	s8 =	smul.u32 $0x140000, s7;
	p0 =	seq.s32 s7, $0x0;
	_ =	strace $0x80000050  }
0xa: {  	s7 =	ssub.s32 $0x2, s7;
	s19 =	sor.u32 $0x1C02, s19;
	s9 =	sadd.s32 $0x600, s26  }
0xb: {  	s29 =	sshrl.u32 s7, $0x1;
	s9 =	smov.u32 @p0 s6;
	s8 =	sadd.s32 s10, s8  }
0xc: {  	s31 =	sshrl.u32 s28, $0x2;
	s6 =	sshll.u32 s9, $0x4;
	s8 =	sshrl.u32 s8, $0x3  }
0xd: {  	s14 =	sadd.s32 s6, s5;
	s8 =	sadd.s32 s8, s5;
	s5 =	simm.s32 $0x60  }
0xe: {  	s30 =	ssub.s32 s7, s29;
	s6 =	sadd.s32 s31, s2;
	s5 =	simm.s32 @!p0 $0x3E  }
0xf: {  	s7 =	sadd.s32 $0x40400, s8;
	s8 =	smax.u32 s30, $0x1;
	s9 =	sadd.s32 $0x4000, s6  }
0x10: {  	s10 =	sadd.s32 $0x8000, s6;
	s11 =	sadd.s32 $0xC000, s6;
	s12 =	sadd.s32 $0x10000, s6  }
0x11: {  	v0 =	vimm.f32 $0.0e+00;
	s13 =	sadd.s32 $0x4800, s14;
	s14 =	sadd.s32 $0xE600, s14;
	s20 =	sshrl.u32 s6, $0x3  }
.LBB2_1:
0x12: {  	s22 =	simm.s32 $0x0;
	s23 =	simm.s32 $0x200  }
.LBB2_2:
0x13: {  	p0 =	sne.s32 s23, $0xFE00;
	[tilespmem:s22+$0x170] =	vst v0  }
0x14: {  	[tilespmem:s22+$0x100] =	vst v0  }
0x15: {  	[tilespmem:s22+$0x110] =	vst v0  }
.Ltmp0:
0x16: {  	[tilespmem:s22+$0x120] =	vst v0;
	(pc) =	sbr.rel @p0 .LBB2_2-.Ltmp0, $4  }
0x17: {  	[tilespmem:s22+$0x130] =	vst v0  }
0x18: {  	[tilespmem:s22+$0x140] =	vst v0  }
0x19: {  	[tilespmem:s22+$0x150] =	vst v0  }
0x1a: {  	[tilespmem:s22+$0x160] =	vst v0;
	s22 =	sshra.s32 s23, $0x2;
	s23 =	sadd.s32 $0x200, s23  }
0x1b: {  	[tilespmem:s22+$0x170] =	vst v0  }
0x1c: {  	[tilespmem:s22+$0x100] =	vst v0  }
0x1d: {  	[tilespmem:s22+$0x110] =	vst v0  }
0x1e: {  	[tilespmem:s22+$0x120] =	vst v0  }
0x1f: {  	[tilespmem:s22+$0x130] =	vst v0  }
0x20: {  	[tilespmem:s22+$0x140] =	vst v0  }
0x21: {  	[tilespmem:s22+$0x150] =	vst v0  }
0x22: {  	[tilespmem:s22+$0x160] =	vst v0  }
0x23: {  	[spmem:s6] =	stream.linear.scatter [tilespmem:s15], [sflag:$0x2], $0x4000, $0x38;
	[tilespmem:$0x18100] =	vst v63  }
0x24: {  	_ =	swait.ge [sflag:s16], $0x4000  }
0x25: {  	[sflag:s16] =	ssyncset.done $0x0  }
0x26: {  	[sflag:s16] =	ssyncadd.s32 $0xFFFFC000  }
0x27: {  	[spmem:s9] =	stream.linear.scatter [tilespmem:s15], [sflag:$0x2], $0x4000, $0x38;
	[tilespmem:$0x18100] =	vst v63  }
0x28: {  	_ =	swait.ge [sflag:s16], $0x4000  }
0x29: {  	[sflag:s16] =	ssyncset.done $0x0  }
0x2a: {  	[sflag:s16] =	ssyncadd.s32 $0xFFFFC000  }
0x2b: {  	[spmem:s10] =	stream.linear.scatter [tilespmem:s15], [sflag:$0x2], $0x4000, $0x38;
	[tilespmem:$0x18100] =	vst v63  }
0x2c: {  	_ =	swait.ge [sflag:s16], $0x4000  }
0x2d: {  	[sflag:s16] =	ssyncset.done $0x0  }
0x2e: {  	[sflag:s16] =	ssyncadd.s32 $0xFFFFC000  }
0x2f: {  	[spmem:s11] =	stream.linear.scatter [tilespmem:s15], [sflag:$0x2], $0x4000, $0x38;
	[tilespmem:$0x18100] =	vst v63  }
0x30: {  	_ =	swait.ge [sflag:s16], $0x4000  }
0x31: {  	[sflag:s16] =	ssyncset.done $0x0  }
0x32: {  	[sflag:s16] =	ssyncadd.s32 $0xFFFFC000  }
0x33: {  	[spmem:s12] =	stream.linear.scatter [tilespmem:s15], [sflag:$0x2], $0x4000, $0x38;
	[tilespmem:$0x18100] =	vst v63  }
0x34: {  	_ =	swait.ge [sflag:s16], $0x4000  }
0x35: {  	[sflag:s16] =	ssyncset.done $0x0  }
0x36: {  	[sflag:s16] =	ssyncadd.s32 $0xFFFFC000  }
0x37: {  	[bflag:$0x0] =	sbarrier.arrive $0xFFFF  }
0x38: {  	[tilespmem:s3], [sflag:$0x2] =	stream.linear.gather [hbm4b:s14+s3], $0x80, $0x38;
	[tilespmem:$0x18100] =	vst v63  }
0x39: {  	_ =	swait.ge [sflag:s16], $0x80  }
0x3a: {  	[sflag:s16] =	ssyncset.done $0x0  }
0x3b: {  	[sflag:s16] =	ssyncadd.s32 $0xFFFFFF80  }
0x3c: {  	[tilespmem:s17], [sflag:$0x2] =	stream.linear.gather [hbm4b:s13+s3], $0x80, $0x38;
	[tilespmem:$0x18100] =	vst v63  }
0x3d: {  	_ =	swait.ge [sflag:s16], $0x80  }
0x3e: {  	[sflag:s16] =	ssyncset.done $0x0  }
0x3f: {  	[sflag:s16] =	ssyncadd.s32 $0xFFFFFF80  }
0x40: {  	[tilespmem:s15], [sflag:$0x1] =	stream.indirect.gather [hbm4b:s4+s17], $0x80, s3, s17, $0xb8;
	[tilespmem:$0x18100] =	vst v63  }
0x41: {  	p0 =	sne.s32 s5, $0x1;
	_ =	swait.ge [sflag:s18], $0x4000  }
.Ltmp1:
0x42: {  	[sflag:s18] =	ssyncset.done $0x0;
	(pc) =	sbr.rel @!p0 .LBB2_5-.Ltmp1, $4  }
0x43: {  	[sflag:s18] =	ssyncadd.s32 $0xFFFFC000  }
0x44: {  	[spmem:s2] =	stream.indirect.scatter.add.f32 [tilespmem:s15], [sflag:$0x2], $0x80, s17, s17, $0xb8;
	[tilespmem:$0x18100] =	vst v63  }
0x45: {  	s22 =	sadd.s32 $0xFFFFFFFF, s5;
	_ =	swait.ge [sflag:s16], $0x4000  }
0x46: {  	s23 =	smov.u32 s13;
	s24 =	smov.u32 s14;
	[sflag:s16] =	ssyncset.done $0x0  }
.LBB2_4:
0x47: {  	[sflag:s16] =	ssyncadd.s32 $0xFFFFC000;
	s23 =	sadd.s32 $0x10, s23;
	s24 =	sadd.s32 $0x10, s24  }
0x48: {  	[tilespmem:s3], [sflag:$0x2] =	stream.linear.gather [hbm4b:s24+s3], $0x80, $0x38;
	[tilespmem:$0x18100] =	vst v63  }
0x49: {  	p0 =	sne.s32 s22, $0x1;
	s22 =	sadd.s32 $0xFFFFFFFF, s22;
	_ =	swait.ge [sflag:s16], $0x80  }
0x4a: {  	[sflag:s16] =	ssyncset.done $0x0  }
0x4b: {  	[sflag:s16] =	ssyncadd.s32 $0xFFFFFF80  }
0x4c: {  	[tilespmem:s17], [sflag:$0x2] =	stream.linear.gather [hbm4b:s23+s3], $0x80, $0x38;
	[tilespmem:$0x18100] =	vst v63  }
0x4d: {  	_ =	swait.ge [sflag:s16], $0x80  }
0x4e: {  	[sflag:s16] =	ssyncset.done $0x0  }
0x4f: {  	[sflag:s16] =	ssyncadd.s32 $0xFFFFFF80  }
0x50: {  	[tilespmem:s15], [sflag:$0x1] =	stream.indirect.gather [hbm4b:s4+s17], $0x80, s3, s17, $0xb8;
	[tilespmem:$0x18100] =	vst v63  }
0x51: {  	_ =	swait.ge [sflag:s18], $0x4000  }
.Ltmp2:
0x52: {  	[sflag:s18] =	ssyncset.done $0x0;
	(pc) =	sbr.rel @p0 .LBB2_4-.Ltmp2, $4  }
0x53: {  	[sflag:s18] =	ssyncadd.s32 $0xFFFFC000  }
0x54: {  	[spmem:s2] =	stream.indirect.scatter.add.f32 [tilespmem:s15], [sflag:$0x2], $0x80, s17, s17, $0xb8;
	[tilespmem:$0x18100] =	vst v63  }
0x55: {  	_ =	swait.ge [sflag:s16], $0x4000  }
0x56: {  	[sflag:s16] =	ssyncset.done $0x0  }
.LBB2_5:
0x57: {  	s21 =	sadd.s32 $0x1, s21  }
0x58: {  	[sflag:s16] =	ssyncadd.s32 $0xFFFFC000;
	p0 =	sne.s32 s21, s8  }
.Ltmp3:
0x59: {  	[bflag:$0x0] =	sbarrier.arrive $0xFFFF;
	(pc) =	sbr.rel @p0 .LBB2_1-.Ltmp3, $4  }
0x5a: {  	[hbm:s7], [sflag:s19] =	dma.local [spmem:s20], $0x2800  }
0x5b: {  	_ =	swait.ge [sflag:s16], $0x2800  }
0x5c: {  	[sflag:s16] =	ssyncset.done $0x0  }
0x5d: {  	[sflag:s16] =	ssyncadd.s32 $0xFFFFD800  }
0x5e: {  	_ =	sfence.sel $0x180000  }
0x5f: {  	[bflag:$0x0] =	sbarrier.arrive $0xFFFF  }
0x60: {  	p0 =	sne.s32 s1, $0x0;
	_ =	strace $0x90000050  }
0x61: {  	s0 =	sadd.s32 @!p0 $0x100000, s0;
	[bflag:$0x2] =	sbarrier.arrive $0xFFFF  }
0x62: {  	[sflag:s0] =	ssyncadd.tile.s32 @!p0 $0x1;
	_ =	shalt  }
.Lfunc_end2:
_tile_overlayer_lowered:
.L_overlay_start_2:
0x63: {  	(tag) =	ssettag $0x2  }
0x64: {  	s0 =	rddreg [dreg:$0x0];
	s2 =	stileid.u32  }
0x65: {  	s1 =	rddreg [dreg:$0x1];
	p0 =	sne.s32 s2, $0x0  }
0x66: {  	s3 =	rddreg [dreg:$0x2];
	[bflag:$0x3] =	sbarrier.arrive $0xFFFF;
	s2 =	simm.s32 @!p0 $0x1C02  }
0x67: {  	[timem:s3], [sflag:s2] =	dma.local @!p0 [hbm:s0], s1  }
0x68: {  	s0 =	simm.s32 @!p0 $0x2  }
0x69: {  	_ =	swait.ge @!p0 [sflag:s0], s1  }
0x6a: {  	s1 =	ssub.s32 @!p0 $0x0, s1;
	[sflag:s0] =	ssyncset.done @!p0 $0x0  }
0x6b: {  	[sflag:s0] =	ssyncadd.s32 @!p0 s1  }
0x6c: {  	[bflag:$0x3] =	sbarrier.arrive $0xFFFF  }
0x6d: {  	_ =	shalt  }

</sc_bundles>
